<compile_context>
chip_gen: v7x
topology: tpu7x:2x2x1
jax: 0.10.2.dev20260603
libtpu: 0.0.44.dev20260713+nightly
codegen_flags: <defaults>
</compile_context>

<pallas_src>
import functools

import jax
import jax.numpy as jnp
from jax import lax
from jax.experimental import pallas as pl
from jax.experimental.pallas import tpu as pltpu
from jax.experimental.pallas import tpu_sc as plsc

NC = 2
NS = 16
NW = NC * NS

NB = 4096
S = 50
SP = 56
D = 64
DP = 128
BPC = 2
CW = BPC * SP
N_CHUNKS = NB // NW // BPC
NBUF = 8
K = 6

_mesh = plsc.VectorSubcoreMesh(
    core_axis_name="c", subcore_axis_name="s", num_cores=NC, num_subcores=NS
)


@functools.partial(
    pl.kernel,
    out_type=jax.ShapeDtypeStruct((NB // BPC, CW, DP), jnp.float32),
    mesh=_mesh,
    scratch_types=[
        pltpu.VMEM((N_CHUNKS, DP), jnp.int32),
        pltpu.VMEM((NBUF, CW, DP), jnp.float32),
        [pltpu.SemaphoreType.DMA] * NBUF,
        [pltpu.SemaphoreType.DMA] * NBUF,
    ],
)
def _emb_kernel(table_hbm, idx_hbm, out_hbm, idx_v, rows_v, gsem, wsem):
    wid = lax.axis_index("s") * NC + lax.axis_index("c")
    pltpu.sync_copy(idx_hbm.at[wid], idx_v)
    c0 = wid * N_CHUNKS

    def start_gather(g, b):
        pltpu.async_copy(
            table_hbm.at[idx_v.at[g].at[pl.ds(0, CW)]], rows_v.at[b], gsem[b]
        )

    def wait_gather(g, b):
        pltpu.make_async_copy(
            table_hbm.at[idx_v.at[g].at[pl.ds(0, CW)]], rows_v.at[b], gsem[b]
        ).wait()

    def start_write(g, b):
        pltpu.async_copy(rows_v.at[b], out_hbm.at[c0 + g], wsem[b])

    def wait_write(g, b):
        pltpu.make_async_copy(
            rows_v.at[b], out_hbm.at[c0 + g], wsem[b]
        ).wait()

    for b in range(K):
        start_gather(b, b)
    for b in range(NBUF):
        g = b
        h = g + K
        bh = h % NBUF
        wait_gather(g, b)
        start_write(g, b)
        if h < NBUF:
            start_gather(h, bh)
        else:
            wait_write(h - NBUF, bh)
            start_gather(h, bh)

    def round_body(t, carry):
        for b in range(NBUF):
            g = t * NBUF + b
            h = g + K
            bh = (b + K) % NBUF
            wait_gather(g, b)
            start_write(g, b)
            wait_write(h - NBUF, bh)
            start_gather(h, bh)
        return carry

    lax.fori_loop(1, N_CHUNKS // NBUF - 1, round_body, 0)

    t_last = N_CHUNKS // NBUF - 1
    for b in range(NBUF):
        g = t_last * NBUF + b
        h = g + K
        bh = (b + K) % NBUF
        wait_gather(g, b)
        start_write(g, b)
        if h < N_CHUNKS:
            wait_write(h - NBUF, bh)
            start_gather(h, bh)

    for b in range(NBUF):
        g = t_last * NBUF + b
        wait_write(g, b)


def kernel(x, table):
    xi = x.astype(jnp.int32)
    xp = jnp.concatenate([xi, xi[:, : SP - S]], axis=1)
    idx = xp.reshape(NB // BPC, CW)
    idx = jnp.pad(idx, ((0, 0), (0, DP - CW)))
    idx = idx.reshape(NW, N_CHUNKS, DP)
    table_p = jnp.pad(table, ((0, 0), (0, DP - D)))
    out = _emb_kernel(table_p, idx)
    return out.reshape(NB, SP, DP)[:, :S, :D]

# --- scband reference (transcript-rebuilt; emitter-appended) ---
"""Pipeline reference for scband-embedding-10557029614266 (READ-ONLY COPY).

The authoritative reference and input builder live on the scoring server;
editing this copy changes nothing except your own understanding.
"""

import jax, jax.numpy as jnp
import numpy as np


def setup_inputs(seed: int = 0) -> dict:
    key = jax.random.key(seed)
    k_idx, k_tab = jax.random.split(key)
    x = jax.random.randint(k_idx, (4096, 50), 0, 100000, dtype=jnp.int64 if jax.config.jax_enable_x64 else jnp.int32)
    table = jax.random.normal(k_tab, (100000, 64), dtype=jnp.float32)
    return {"x": x, "table": table}


def reference(x, table):
    # nn.Embedding forward: gather rows of the embedding table
    return jnp.take(table, x, axis=0)

if __name__ == "__main__":
    import jax
    _d = setup_inputs()
    print(jax.jit(kernel)(*tuple(_d.values())))

</pallas_src>

<mosaic_0001>
#map = affine_map<(d0, d1) -> (0, 0)>
#map1 = affine_map<(d0, d1) -> (0, 0, 0)>
module attributes {stable_mosaic.version = 14 : i64} {
  func.func @_emb_kernel(%arg0: i32, %arg1: i32, %arg2: memref<100000x128xf32, #tpu.memory_space<hbm>>, %arg3: memref<32x64x128xi32, #tpu.memory_space<hbm>>, %arg4: memref<2048x112x128xf32, #tpu.memory_space<hbm>>, %arg5: memref<64x128xi32, #tpu.memory_space<vmem>>, %arg6: memref<8x112x128xf32, #tpu.memory_space<vmem>>, %arg7: memref<!tpu.dma_semaphore, #tpu.memory_space<semaphore_mem>>, %arg8: memref<!tpu.dma_semaphore, #tpu.memory_space<semaphore_mem>>, %arg9: memref<!tpu.dma_semaphore, #tpu.memory_space<semaphore_mem>>, %arg10: memref<!tpu.dma_semaphore, #tpu.memory_space<semaphore_mem>>, %arg11: memref<!tpu.dma_semaphore, #tpu.memory_space<semaphore_mem>>, %arg12: memref<!tpu.dma_semaphore, #tpu.memory_space<semaphore_mem>>, %arg13: memref<!tpu.dma_semaphore, #tpu.memory_space<semaphore_mem>>, %arg14: memref<!tpu.dma_semaphore, #tpu.memory_space<semaphore_mem>>, %arg15: memref<!tpu.dma_semaphore, #tpu.memory_space<semaphore_mem>>, %arg16: memref<!tpu.dma_semaphore, #tpu.memory_space<semaphore_mem>>, %arg17: memref<!tpu.dma_semaphore, #tpu.memory_space<semaphore_mem>>, %arg18: memref<!tpu.dma_semaphore, #tpu.memory_space<semaphore_mem>>, %arg19: memref<!tpu.dma_semaphore, #tpu.memory_space<semaphore_mem>>, %arg20: memref<!tpu.dma_semaphore, #tpu.memory_space<semaphore_mem>>, %arg21: memref<!tpu.dma_semaphore, #tpu.memory_space<semaphore_mem>>, %arg22: memref<!tpu.dma_semaphore, #tpu.memory_space<semaphore_mem>>) attributes {dimension_semantics = [#tpu.dimension_semantics<core_parallel>, #tpu.dimension_semantics<subcore_parallel>], iteration_bounds = array<i64: 2, 16>, scalar_prefetch = 0 : i64, scratch_operands = 18 : i64, tpu.core_type = #tpu.core_type<sc_vector_subcore>, window_params = [{transform_indices = #map}, {transform_indices = #map1}, {transform_indices = #map1}]} {
    %mul3A = arith.constant 2 : i32
    %mul3A_0 = arith.muli %arg1, %mul3A : i32
    %add3A = arith.addi %mul3A_0, %arg0 : i32
    "tpu.region"() ({
      %run_scoped3A = tpu.sem_alloc : memref<!tpu.dma_semaphore, #tpu.memory_space<semaphore_mem>>
      %dma_start3A_1062 = arith.constant 0 : i32
      %dma_start3A_1063 = arith.constant 0 : i32
      %dma_start3A_1064 = tpu.memref_slice %arg3[%add3A, %dma_start3A_1062, %dma_start3A_1063] : memref<32x64x128xi32, #tpu.memory_space<hbm>> -> memref<1x64x128xi32, #tpu.memory_space<hbm>>
      %dma_start3A_1065 = tpu.memref_squeeze %dma_start3A_1064 : memref<1x64x128xi32, #tpu.memory_space<hbm>> -> memref<64x128xi32, #tpu.memory_space<hbm>>
      %dma_start3A_1066 = arith.constant 0 : i32
      %dma_start3A_1067 = arith.constant 0 : i32
      %dma_start3A_1068 = tpu.memref_slice %arg3[%add3A, %dma_start3A_1066, %dma_start3A_1067] : memref<32x64x128xi32, #tpu.memory_space<hbm>> -> memref<1x64x128xi32, #tpu.memory_space<hbm>>
      %dma_start3A_1069 = tpu.memref_squeeze %dma_start3A_1068 : memref<1x64x128xi32, #tpu.memory_space<hbm>> -> memref<64x128xi32, #tpu.memory_space<hbm>>
      tpu.enqueue_dma source(%dma_start3A_1069 : memref<64x128xi32, #tpu.memory_space<hbm>>) target(%arg5 : memref<64x128xi32, #tpu.memory_space<vmem>>) target_semaphore(%run_scoped3A : memref<!tpu.dma_semaphore, #tpu.memory_space<semaphore_mem>>)
      %dma_wait3A_1070 = arith.constant 0 : i32
      %dma_wait3A_1071 = arith.constant 0 : i32
      %dma_wait3A_1072 = tpu.memref_slice %arg3[%add3A, %dma_wait3A_1070, %dma_wait3A_1071] : memref<32x64x128xi32, #tpu.memory_space<hbm>> -> memref<1x64x128xi32, #tpu.memory_space<hbm>>
      %dma_wait3A_1073 = tpu.memref_squeeze %dma_wait3A_1072 : memref<1x64x128xi32, #tpu.memory_space<hbm>> -> memref<64x128xi32, #tpu.memory_space<hbm>>
      %dma_wait3A_1074 = arith.constant 0 : i32
      %dma_wait3A_1075 = arith.constant 0 : i32
      %dma_wait3A_1076 = tpu.memref_slice %arg3[%add3A, %dma_wait3A_1074, %dma_wait3A_1075] : memref<32x64x128xi32, #tpu.memory_space<hbm>> -> memref<1x64x128xi32, #tpu.memory_space<hbm>>
      %dma_wait3A_1077 = tpu.memref_squeeze %dma_wait3A_1076 : memref<1x64x128xi32, #tpu.memory_space<hbm>> -> memref<64x128xi32, #tpu.memory_space<hbm>>
      tpu.wait_dma2 semaphore(%run_scoped3A : memref<!tpu.dma_semaphore, #tpu.memory_space<semaphore_mem>>) src(%dma_wait3A_1077 : memref<64x128xi32, #tpu.memory_space<hbm>>) dst(%arg5 : memref<64x128xi32, #tpu.memory_space<vmem>>)
      tpu.yield
    }) : () -> ()
    %mul3A_1 = arith.constant 64 : i32
    %mul3A_2 = arith.muli %add3A, %mul3A_1 : i32
    %dma_start3A = arith.constant 0 : i32
    %dma_start3A_3 = arith.constant 0 : i32
    %dma_start3A_4 = arith.constant 0 : i32
    %dma_start3A_5 = arith.constant 0 : i32
    %dma_start3A_6 = tpu.memref_slice %arg6[%dma_start3A_3, %dma_start3A_4, %dma_start3A_5] : memref<8x112x128xf32, #tpu.memory_space<vmem>> -> memref<1x112x128xf32, #tpu.memory_space<vmem>>
    %dma_start3A_7 = tpu.memref_squeeze %dma_start3A_6 : memref<1x112x128xf32, #tpu.memory_space<vmem>> -> memref<112x128xf32, #tpu.memory_space<vmem>>
    %dma_start3A_8 = arith.constant 0 : i32
    %dma_start3A_9 = tpu.memref_slice %arg5[%dma_start3A, %dma_start3A_8] : memref<64x128xi32, #tpu.memory_space<vmem>> -> memref<1x128xi32, #tpu.memory_space<vmem>>
    %dma_start3A_10 = tpu.memref_squeeze %dma_start3A_9 : memref<1x128xi32, #tpu.memory_space<vmem>> -> memref<128xi32, #tpu.memory_space<vmem>>
    %dma_start3A_11 = arith.constant 0 : i32
    %dma_start3A_12 = tpu.memref_slice %dma_start3A_10[%dma_start3A_11] : memref<128xi32, #tpu.memory_space<vmem>> -> memref<112xi32, #tpu.memory_space<vmem>>
    %dma_start3A_13 = arith.constant 0 : i32
    %dma_start3A_14 = arith.constant 0 : i32
    %dma_start3A_15 = tpu.memref_slice %arg2[%dma_start3A_13, %dma_start3A_14] : memref<100000x128xf32, #tpu.memory_space<hbm>> -> memref<100000x128xf32, #tpu.memory_space<hbm>>
    tpu.enqueue_indirect_dma source(%dma_start3A_15 : memref<100000x128xf32, #tpu.memory_space<hbm>>) target(%dma_start3A_7 : memref<112x128xf32, #tpu.memory_space<vmem>>) offsets(%dma_start3A_12 : memref<112xi32, #tpu.memory_space<vmem>>) semaphore(%arg7 : memref<!tpu.dma_semaphore, #tpu.memory_space<semaphore_mem>>)
    %dma_start3A_16 = arith.constant 1 : i32
    %dma_start3A_17 = arith.constant 1 : i32
    %dma_start3A_18 = arith.constant 0 : i32
    %dma_start3A_19 = arith.constant 0 : i32
    %dma_start3A_20 = tpu.memref_slice %arg6[%dma_start3A_17, %dma_start3A_18, %dma_start3A_19] : memref<8x112x128xf32, #tpu.memory_space<vmem>> -> memref<1x112x128xf32, #tpu.memory_space<vmem>>
    %dma_start3A_21 = tpu.memref_squeeze %dma_start3A_20 : memref<1x112x128xf32, #tpu.memory_space<vmem>> -> memref<112x128xf32, #tpu.memory_space<vmem>>
    %dma_start3A_22 = arith.constant 0 : i32
    %dma_start3A_23 = tpu.memref_slice %arg5[%dma_start3A_16, %dma_start3A_22] : memref<64x128xi32, #tpu.memory_space<vmem>> -> memref<1x128xi32, #tpu.memory_space<vmem>>
    %dma_start3A_24 = tpu.memref_squeeze %dma_start3A_23 : memref<1x128xi32, #tpu.memory_space<vmem>> -> memref<128xi32, #tpu.memory_space<vmem>>
    %dma_start3A_25 = arith.constant 0 : i32
    %dma_start3A_26 = tpu.memref_slice %dma_start3A_24[%dma_start3A_25] : memref<128xi32, #tpu.memory_space<vmem>> -> memref<112xi32, #tpu.memory_space<vmem>>
    %dma_start3A_27 = arith.constant 0 : i32
    %dma_start3A_28 = arith.constant 0 : i32
    %dma_start3A_29 = tpu.memref_slice %arg2[%dma_start3A_27, %dma_start3A_28] : memref<100000x128xf32, #tpu.memory_space<hbm>> -> memref<100000x128xf32, #tpu.memory_space<hbm>>
    tpu.enqueue_indirect_dma source(%dma_start3A_29 : memref<100000x128xf32, #tpu.memory_space<hbm>>) target(%dma_start3A_21 : memref<112x128xf32, #tpu.memory_space<vmem>>) offsets(%dma_start3A_26 : memref<112xi32, #tpu.memory_space<vmem>>) semaphore(%arg8 : memref<!tpu.dma_semaphore, #tpu.memory_space<semaphore_mem>>)
    %dma_start3A_30 = arith.constant 2 : i32
    %dma_start3A_31 = arith.constant 2 : i32
    %dma_start3A_32 = arith.constant 0 : i32
    %dma_start3A_33 = arith.constant 0 : i32
    %dma_start3A_34 = tpu.memref_slice %arg6[%dma_start3A_31, %dma_start3A_32, %dma_start3A_33] : memref<8x112x128xf32, #tpu.memory_space<vmem>> -> memref<1x112x128xf32, #tpu.memory_space<vmem>>
    %dma_start3A_35 = tpu.memref_squeeze %dma_start3A_34 : memref<1x112x128xf32, #tpu.memory_space<vmem>> -> memref<112x128xf32, #tpu.memory_space<vmem>>
    %dma_start3A_36 = arith.constant 0 : i32
    %dma_start3A_37 = tpu.memref_slice %arg5[%dma_start3A_30, %dma_start3A_36] : memref<64x128xi32, #tpu.memory_space<vmem>> -> memref<1x128xi32, #tpu.memory_space<vmem>>
    %dma_start3A_38 = tpu.memref_squeeze %dma_start3A_37 : memref<1x128xi32, #tpu.memory_space<vmem>> -> memref<128xi32, #tpu.memory_space<vmem>>
    %dma_start3A_39 = arith.constant 0 : i32
    %dma_start3A_40 = tpu.memref_slice %dma_start3A_38[%dma_start3A_39] : memref<128xi32, #tpu.memory_space<vmem>> -> memref<112xi32, #tpu.memory_space<vmem>>
    %dma_start3A_41 = arith.constant 0 : i32
    %dma_start3A_42 = arith.constant 0 : i32
    %dma_start3A_43 = tpu.memref_slice %arg2[%dma_start3A_41, %dma_start3A_42] : memref<100000x128xf32, #tpu.memory_space<hbm>> -> memref<100000x128xf32, #tpu.memory_space<hbm>>
    tpu.enqueue_indirect_dma source(%dma_start3A_43 : memref<100000x128xf32, #tpu.memory_space<hbm>>) target(%dma_start3A_35 : memref<112x128xf32, #tpu.memory_space<vmem>>) offsets(%dma_start3A_40 : memref<112xi32, #tpu.memory_space<vmem>>) semaphore(%arg9 : memref<!tpu.dma_semaphore, #tpu.memory_space<semaphore_mem>>)
    %dma_start3A_44 = arith.constant 3 : i32
    %dma_start3A_45 = arith.constant 3 : i32
    %dma_start3A_46 = arith.constant 0 : i32
    %dma_start3A_47 = arith.constant 0 : i32
    %dma_start3A_48 = tpu.memref_slice %arg6[%dma_start3A_45, %dma_start3A_46, %dma_start3A_47] : memref<8x112x128xf32, #tpu.memory_space<vmem>> -> memref<1x112x128xf32, #tpu.memory_space<vmem>>
    %dma_start3A_49 = tpu.memref_squeeze %dma_start3A_48 : memref<1x112x128xf32, #tpu.memory_space<vmem>> -> memref<112x128xf32, #tpu.memory_space<vmem>>
    %dma_start3A_50 = arith.constant 0 : i32
    %dma_start3A_51 = tpu.memref_slice %arg5[%dma_start3A_44, %dma_start3A_50] : memref<64x128xi32, #tpu.memory_space<vmem>> -> memref<1x128xi32, #tpu.memory_space<vmem>>
    %dma_start3A_52 = tpu.memref_squeeze %dma_start3A_51 : memref<1x128xi32, #tpu.memory_space<vmem>> -> memref<128xi32, #tpu.memory_space<vmem>>
    %dma_start3A_53 = arith.constant 0 : i32
    %dma_start3A_54 = tpu.memref_slice %dma_start3A_52[%dma_start3A_53] : memref<128xi32, #tpu.memory_space<vmem>> -> memref<112xi32, #tpu.memory_space<vmem>>
    %dma_start3A_55 = arith.constant 0 : i32
    %dma_start3A_56 = arith.constant 0 : i32
    %dma_start3A_57 = tpu.memref_slice %arg2[%dma_start3A_55, %dma_start3A_56] : memref<100000x128xf32, #tpu.memory_space<hbm>> -> memref<100000x128xf32, #tpu.memory_space<hbm>>
    tpu.enqueue_indirect_dma source(%dma_start3A_57 : memref<100000x128xf32, #tpu.memory_space<hbm>>) target(%dma_start3A_49 : memref<112x128xf32, #tpu.memory_space<vmem>>) offsets(%dma_start3A_54 : memref<112xi32, #tpu.memory_space<vmem>>) semaphore(%arg10 : memref<!tpu.dma_semaphore, #tpu.memory_space<semaphore_mem>>)
    %dma_start3A_58 = arith.constant 4 : i32
    %dma_start3A_59 = arith.constant 4 : i32
    %dma_start3A_60 = arith.constant 0 : i32
    %dma_start3A_61 = arith.constant 0 : i32
    %dma_start3A_62 = tpu.memref_slice %arg6[%dma_start3A_59, %dma_start3A_60, %dma_start3A_61] : memref<8x112x128xf32, #tpu.memory_space<vmem>> -> memref<1x112x128xf32, #tpu.memory_space<vmem>>
    %dma_start3A_63 = tpu.memref_squeeze %dma_start3A_62 : memref<1x112x128xf32, #tpu.memory_space<vmem>> -> memref<112x128xf32, #tpu.memory_space<vmem>>
    %dma_start3A_64 = arith.constant 0 : i32
    %dma_start3A_65 = tpu.memref_slice %arg5[%dma_start3A_58, %dma_start3A_64] : memref<64x128xi32, #tpu.memory_space<vmem>> -> memref<1x128xi32, #tpu.memory_space<vmem>>
    %dma_start3A_66 = tpu.memref_squeeze %dma_start3A_65 : memref<1x128xi32, #tpu.memory_space<vmem>> -> memref<128xi32, #tpu.memory_space<vmem>>
    %dma_start3A_67 = arith.constant 0 : i32
    %dma_start3A_68 = tpu.memref_slice %dma_start3A_66[%dma_start3A_67] : memref<128xi32, #tpu.memory_space<vmem>> -> memref<112xi32, #tpu.memory_space<vmem>>
    %dma_start3A_69 = arith.constant 0 : i32
    %dma_start3A_70 = arith.constant 0 : i32
    %dma_start3A_71 = tpu.memref_slice %arg2[%dma_start3A_69, %dma_start3A_70] : memref<100000x128xf32, #tpu.memory_space<hbm>> -> memref<100000x128xf32, #tpu.memory_space<hbm>>
    tpu.enqueue_indirect_dma source(%dma_start3A_71 : memref<100000x128xf32, #tpu.memory_space<hbm>>) target(%dma_start3A_63 : memref<112x128xf32, #tpu.memory_space<vmem>>) offsets(%dma_start3A_68 : memref<112xi32, #tpu.memory_space<vmem>>) semaphore(%arg11 : memref<!tpu.dma_semaphore, #tpu.memory_space<semaphore_mem>>)
    %dma_start3A_72 = arith.constant 5 : i32
    %dma_start3A_73 = arith.constant 5 : i32
    %dma_start3A_74 = arith.constant 0 : i32
    %dma_start3A_75 = arith.constant 0 : i32
    %dma_start3A_76 = tpu.memref_slice %arg6[%dma_start3A_73, %dma_start3A_74, %dma_start3A_75] : memref<8x112x128xf32, #tpu.memory_space<vmem>> -> memref<1x112x128xf32, #tpu.memory_space<vmem>>
    %dma_start3A_77 = tpu.memref_squeeze %dma_start3A_76 : memref<1x112x128xf32, #tpu.memory_space<vmem>> -> memref<112x128xf32, #tpu.memory_space<vmem>>
    %dma_start3A_78 = arith.constant 0 : i32
    %dma_start3A_79 = tpu.memref_slice %arg5[%dma_start3A_72, %dma_start3A_78] : memref<64x128xi32, #tpu.memory_space<vmem>> -> memref<1x128xi32, #tpu.memory_space<vmem>>
    %dma_start3A_80 = tpu.memref_squeeze %dma_start3A_79 : memref<1x128xi32, #tpu.memory_space<vmem>> -> memref<128xi32, #tpu.memory_space<vmem>>
    %dma_start3A_81 = arith.constant 0 : i32
    %dma_start3A_82 = tpu.memref_slice %dma_start3A_80[%dma_start3A_81] : memref<128xi32, #tpu.memory_space<vmem>> -> memref<112xi32, #tpu.memory_space<vmem>>
    %dma_start3A_83 = arith.constant 0 : i32
    %dma_start3A_84 = arith.constant 0 : i32
    %dma_start3A_85 = tpu.memref_slice %arg2[%dma_start3A_83, %dma_start3A_84] : memref<100000x128xf32, #tpu.memory_space<hbm>> -> memref<100000x128xf32, #tpu.memory_space<hbm>>
    tpu.enqueue_indirect_dma source(%dma_start3A_85 : memref<100000x128xf32, #tpu.memory_space<hbm>>) target(%dma_start3A_77 : memref<112x128xf32, #tpu.memory_space<vmem>>) offsets(%dma_start3A_82 : memref<112xi32, #tpu.memory_space<vmem>>) semaphore(%arg12 : memref<!tpu.dma_semaphore, #tpu.memory_space<semaphore_mem>>)
    %dma_wait3A = arith.constant 0 : i32
    %dma_wait3A_86 = arith.constant 0 : i32
    %dma_wait3A_87 = arith.constant 0 : i32
    %dma_wait3A_88 = arith.constant 0 : i32
    %dma_wait3A_89 = tpu.memref_slice %arg6[%dma_wait3A_86, %dma_wait3A_87, %dma_wait3A_88] : memref<8x112x128xf32, #tpu.memory_space<vmem>> -> memref<1x112x128xf32, #tpu.memory_space<vmem>>
    %dma_wait3A_90 = tpu.memref_squeeze %dma_wait3A_89 : memref<1x112x128xf32, #tpu.memory_space<vmem>> -> memref<112x128xf32, #tpu.memory_space<vmem>>
    %dma_wait3A_91 = arith.constant 0 : i32
    %dma_wait3A_92 = tpu.memref_slice %arg5[%dma_wait3A, %dma_wait3A_91] : memref<64x128xi32, #tpu.memory_space<vmem>> -> memref<1x128xi32, #tpu.memory_space<vmem>>
    %dma_wait3A_93 = tpu.memref_squeeze %dma_wait3A_92 : memref<1x128xi32, #tpu.memory_space<vmem>> -> memref<128xi32, #tpu.memory_space<vmem>>
    %dma_wait3A_94 = arith.constant 0 : i32
    %dma_wait3A_95 = tpu.memref_slice %dma_wait3A_93[%dma_wait3A_94] : memref<128xi32, #tpu.memory_space<vmem>> -> memref<112xi32, #tpu.memory_space<vmem>>
    %dma_wait3A_96 = arith.constant 0 : i32
    %dma_wait3A_97 = arith.constant 0 : i32
    %dma_wait3A_98 = tpu.memref_slice %arg2[%dma_wait3A_96, %dma_wait3A_97] : memref<100000x128xf32, #tpu.memory_space<hbm>> -> memref<100000x128xf32, #tpu.memory_space<hbm>>
    tpu.wait_indirect_dma semaphore(%arg7 : memref<!tpu.dma_semaphore, #tpu.memory_space<semaphore_mem>>) src(%dma_wait3A_98 : memref<100000x128xf32, #tpu.memory_space<hbm>>) dst(%dma_wait3A_90 : memref<112x128xf32, #tpu.memory_space<vmem>>)
    %add3A_99 = arith.constant 0 : i32
    %add3A_100 = arith.addi %mul3A_2, %add3A_99 : i32
    %dma_start3A_101 = arith.constant 0 : i32
    %dma_start3A_102 = arith.constant 0 : i32
    %dma_start3A_103 = arith.constant 0 : i32
    %dma_start3A_104 = tpu.memref_slice %arg6[%dma_start3A_101, %dma_start3A_102, %dma_start3A_103] : memref<8x112x128xf32, #tpu.memory_space<vmem>> -> memref<1x112x128xf32, #tpu.memory_space<vmem>>
    %dma_start3A_105 = tpu.memref_squeeze %dma_start3A_104 : memref<1x112x128xf32, #tpu.memory_space<vmem>> -> memref<112x128xf32, #tpu.memory_space<vmem>>
    %dma_start3A_106 = arith.constant 0 : i32
    %dma_start3A_107 = arith.constant 0 : i32
    %dma_start3A_108 = tpu.memref_slice %arg4[%add3A_100, %dma_start3A_106, %dma_start3A_107] : memref<2048x112x128xf32, #tpu.memory_space<hbm>> -> memref<1x112x128xf32, #tpu.memory_space<hbm>>
    %dma_start3A_109 = tpu.memref_squeeze %dma_start3A_108 : memref<1x112x128xf32, #tpu.memory_space<hbm>> -> memref<112x128xf32, #tpu.memory_space<hbm>>
    %dma_start3A_110 = arith.constant 0 : i32
    %dma_start3A_111 = arith.constant 0 : i32
    %dma_start3A_112 = tpu.memref_slice %arg4[%add3A_100, %dma_start3A_110, %dma_start3A_111] : memref<2048x112x128xf32, #tpu.memory_space<hbm>> -> memref<1x112x128xf32, #tpu.memory_space<hbm>>
    %dma_start3A_113 = tpu.memref_squeeze %dma_start3A_112 : memref<1x112x128xf32, #tpu.memory_space<hbm>> -> memref<112x128xf32, #tpu.memory_space<hbm>>
    %dma_start3A_114 = arith.constant 0 : i32
    %dma_start3A_115 = arith.constant 0 : i32
    %dma_start3A_116 = tpu.memref_slice %arg6[%dma_start3A_101, %dma_start3A_114, %dma_start3A_115] : memref<8x112x128xf32, #tpu.memory_space<vmem>> -> memref<1x112x128xf32, #tpu.memory_space<vmem>>
    %dma_start3A_117 = tpu.memref_squeeze %dma_start3A_116 : memref<1x112x128xf32, #tpu.memory_space<vmem>> -> memref<112x128xf32, #tpu.memory_space<vmem>>
    tpu.enqueue_dma source(%dma_start3A_117 : memref<112x128xf32, #tpu.memory_space<vmem>>) target(%dma_start3A_113 : memref<112x128xf32, #tpu.memory_space<hbm>>) target_semaphore(%arg15 : memref<!tpu.dma_semaphore, #tpu.memory_space<semaphore_mem>>)
    %dma_start3A_118 = arith.constant 6 : i32
    %dma_start3A_119 = arith.constant 6 : i32
    %dma_start3A_120 = arith.constant 0 : i32
    %dma_start3A_121 = arith.constant 0 : i32
    %dma_start3A_122 = tpu.memref_slice %arg6[%dma_start3A_119, %dma_start3A_120, %dma_start3A_121] : memref<8x112x128xf32, #tpu.memory_space<vmem>> -> memref<1x112x128xf32, #tpu.memory_space<vmem>>
    %dma_start3A_123 = tpu.memref_squeeze %dma_start3A_122 : memref<1x112x128xf32, #tpu.memory_space<vmem>> -> memref<112x128xf32, #tpu.memory_space<vmem>>
    %dma_start3A_124 = arith.constant 0 : i32
    %dma_start3A_125 = tpu.memref_slice %arg5[%dma_start3A_118, %dma_start3A_124] : memref<64x128xi32, #tpu.memory_space<vmem>> -> memref<1x128xi32, #tpu.memory_space<vmem>>
    %dma_start3A_126 = tpu.memref_squeeze %dma_start3A_125 : memref<1x128xi32, #tpu.memory_space<vmem>> -> memref<128xi32, #tpu.memory_space<vmem>>
    %dma_start3A_127 = arith.constant 0 : i32
    %dma_start3A_128 = tpu.memref_slice %dma_start3A_126[%dma_start3A_127] : memref<128xi32, #tpu.memory_space<vmem>> -> memref<112xi32, #tpu.memory_space<vmem>>
    %dma_start3A_129 = arith.constant 0 : i32
    %dma_start3A_130 = arith.constant 0 : i32
    %dma_start3A_131 = tpu.memref_slice %arg2[%dma_start3A_129, %dma_start3A_130] : memref<100000x128xf32, #tpu.memory_space<hbm>> -> memref<100000x128xf32, #tpu.memory_space<hbm>>
    tpu.enqueue_indirect_dma source(%dma_start3A_131 : memref<100000x128xf32, #tpu.memory_space<hbm>>) target(%dma_start3A_123 : memref<112x128xf32, #tpu.memory_space<vmem>>) offsets(%dma_start3A_128 : memref<112xi32, #tpu.memory_space<vmem>>) semaphore(%arg13 : memref<!tpu.dma_semaphore, #tpu.memory_space<semaphore_mem>>)
    %dma_wait3A_132 = arith.constant 1 : i32
    %dma_wait3A_133 = arith.constant 1 : i32
    %dma_wait3A_134 = arith.constant 0 : i32
    %dma_wait3A_135 = arith.constant 0 : i32
    %dma_wait3A_136 = tpu.memref_slice %arg6[%dma_wait3A_133, %dma_wait3A_134, %dma_wait3A_135] : memref<8x112x128xf32, #tpu.memory_space<vmem>> -> memref<1x112x128xf32, #tpu.memory_space<vmem>>
    %dma_wait3A_137 = tpu.memref_squeeze %dma_wait3A_136 : memref<1x112x128xf32, #tpu.memory_space<vmem>> -> memref<112x128xf32, #tpu.memory_space<vmem>>
    %dma_wait3A_138 = arith.constant 0 : i32
    %dma_wait3A_139 = tpu.memref_slice %arg5[%dma_wait3A_132, %dma_wait3A_138] : memref<64x128xi32, #tpu.memory_space<vmem>> -> memref<1x128xi32, #tpu.memory_space<vmem>>
    %dma_wait3A_140 = tpu.memref_squeeze %dma_wait3A_139 : memref<1x128xi32, #tpu.memory_space<vmem>> -> memref<128xi32, #tpu.memory_space<vmem>>
    %dma_wait3A_141 = arith.constant 0 : i32
    %dma_wait3A_142 = tpu.memref_slice %dma_wait3A_140[%dma_wait3A_141] : memref<128xi32, #tpu.memory_space<vmem>> -> memref<112xi32, #tpu.memory_space<vmem>>
    %dma_wait3A_143 = arith.constant 0 : i32
    %dma_wait3A_144 = arith.constant 0 : i32
    %dma_wait3A_145 = tpu.memref_slice %arg2[%dma_wait3A_143, %dma_wait3A_144] : memref<100000x128xf32, #tpu.memory_space<hbm>> -> memref<100000x128xf32, #tpu.memory_space<hbm>>
    tpu.wait_indirect_dma semaphore(%arg8 : memref<!tpu.dma_semaphore, #tpu.memory_space<semaphore_mem>>) src(%dma_wait3A_145 : memref<100000x128xf32, #tpu.memory_space<hbm>>) dst(%dma_wait3A_137 : memref<112x128xf32, #tpu.memory_space<vmem>>)
    %add3A_146 = arith.constant 1 : i32
    %add3A_147 = arith.addi %mul3A_2, %add3A_146 : i32
    %dma_start3A_148 = arith.constant 1 : i32
    %dma_start3A_149 = arith.constant 0 : i32
    %dma_start3A_150 = arith.constant 0 : i32
    %dma_start3A_151 = tpu.memref_slice %arg6[%dma_start3A_148, %dma_start3A_149, %dma_start3A_150] : memref<8x112x128xf32, #tpu.memory_space<vmem>> -> memref<1x112x128xf32, #tpu.memory_space<vmem>>
    %dma_start3A_152 = tpu.memref_squeeze %dma_start3A_151 : memref<1x112x128xf32, #tpu.memory_space<vmem>> -> memref<112x128xf32, #tpu.memory_space<vmem>>
    %dma_start3A_153 = arith.constant 0 : i32
    %dma_start3A_154 = arith.constant 0 : i32
    %dma_start3A_155 = tpu.memref_slice %arg4[%add3A_147, %dma_start3A_153, %dma_start3A_154] : memref<2048x112x128xf32, #tpu.memory_space<hbm>> -> memref<1x112x128xf32, #tpu.memory_space<hbm>>
    %dma_start3A_156 = tpu.memref_squeeze %dma_start3A_155 : memref<1x112x128xf32, #tpu.memory_space<hbm>> -> memref<112x128xf32, #tpu.memory_space<hbm>>
    %dma_start3A_157 = arith.constant 0 : i32
    %dma_start3A_158 = arith.constant 0 : i32
    %dma_start3A_159 = tpu.memref_slice %arg4[%add3A_147, %dma_start3A_157, %dma_start3A_158] : memref<2048x112x128xf32, #tpu.memory_space<hbm>> -> memref<1x112x128xf32, #tpu.memory_space<hbm>>
    %dma_start3A_160 = tpu.memref_squeeze %dma_start3A_159 : memref<1x112x128xf32, #tpu.memory_space<hbm>> -> memref<112x128xf32, #tpu.memory_space<hbm>>
    %dma_start3A_161 = arith.constant 0 : i32
    %dma_start3A_162 = arith.constant 0 : i32
    %dma_start3A_163 = tpu.memref_slice %arg6[%dma_start3A_148, %dma_start3A_161, %dma_start3A_162] : memref<8x112x128xf32, #tpu.memory_space<vmem>> -> memref<1x112x128xf32, #tpu.memory_space<vmem>>
    %dma_start3A_164 = tpu.memref_squeeze %dma_start3A_163 : memref<1x112x128xf32, #tpu.memory_space<vmem>> -> memref<112x128xf32, #tpu.memory_space<vmem>>
    tpu.enqueue_dma source(%dma_start3A_164 : memref<112x128xf32, #tpu.memory_space<vmem>>) target(%dma_start3A_160 : memref<112x128xf32, #tpu.memory_space<hbm>>) target_semaphore(%arg16 : memref<!tpu.dma_semaphore, #tpu.memory_space<semaphore_mem>>)
    %dma_start3A_165 = arith.constant 7 : i32
    %dma_start3A_166 = arith.constant 7 : i32
    %dma_start3A_167 = arith.constant 0 : i32
    %dma_start3A_168 = arith.constant 0 : i32
    %dma_start3A_169 = tpu.memref_slice %arg6[%dma_start3A_166, %dma_start3A_167, %dma_start3A_168] : memref<8x112x128xf32, #tpu.memory_space<vmem>> -> memref<1x112x128xf32, #tpu.memory_space<vmem>>
    %dma_start3A_170 = tpu.memref_squeeze %dma_start3A_169 : memref<1x112x128xf32, #tpu.memory_space<vmem>> -> memref<112x128xf32, #tpu.memory_space<vmem>>
    %dma_start3A_171 = arith.constant 0 : i32
    %dma_start3A_172 = tpu.memref_slice %arg5[%dma_start3A_165, %dma_start3A_171] : memref<64x128xi32, #tpu.memory_space<vmem>> -> memref<1x128xi32, #tpu.memory_space<vmem>>
    %dma_start3A_173 = tpu.memref_squeeze %dma_start3A_172 : memref<1x128xi32, #tpu.memory_space<vmem>> -> memref<128xi32, #tpu.memory_space<vmem>>
    %dma_start3A_174 = arith.constant 0 : i32
    %dma_start3A_175 = tpu.memref_slice %dma_start3A_173[%dma_start3A_174] : memref<128xi32, #tpu.memory_space<vmem>> -> memref<112xi32, #tpu.memory_space<vmem>>
    %dma_start3A_176 = arith.constant 0 : i32
    %dma_start3A_177 = arith.constant 0 : i32
    %dma_start3A_178 = tpu.memref_slice %arg2[%dma_start3A_176, %dma_start3A_177] : memref<100000x128xf32, #tpu.memory_space<hbm>> -> memref<100000x128xf32, #tpu.memory_space<hbm>>
    tpu.enqueue_indirect_dma source(%dma_start3A_178 : memref<100000x128xf32, #tpu.memory_space<hbm>>) target(%dma_start3A_170 : memref<112x128xf32, #tpu.memory_space<vmem>>) offsets(%dma_start3A_175 : memref<112xi32, #tpu.memory_space<vmem>>) semaphore(%arg14 : memref<!tpu.dma_semaphore, #tpu.memory_space<semaphore_mem>>)
    %dma_wait3A_179 = arith.constant 2 : i32
    %dma_wait3A_180 = arith.constant 2 : i32
    %dma_wait3A_181 = arith.constant 0 : i32
    %dma_wait3A_182 = arith.constant 0 : i32
    %dma_wait3A_183 = tpu.memref_slice %arg6[%dma_wait3A_180, %dma_wait3A_181, %dma_wait3A_182] : memref<8x112x128xf32, #tpu.memory_space<vmem>> -> memref<1x112x128xf32, #tpu.memory_space<vmem>>
    %dma_wait3A_184 = tpu.memref_squeeze %dma_wait3A_183 : memref<1x112x128xf32, #tpu.memory_space<vmem>> -> memref<112x128xf32, #tpu.memory_space<vmem>>
    %dma_wait3A_185 = arith.constant 0 : i32
    %dma_wait3A_186 = tpu.memref_slice %arg5[%dma_wait3A_179, %dma_wait3A_185] : memref<64x128xi32, #tpu.memory_space<vmem>> -> memref<1x128xi32, #tpu.memory_space<vmem>>
    %dma_wait3A_187 = tpu.memref_squeeze %dma_wait3A_186 : memref<1x128xi32, #tpu.memory_space<vmem>> -> memref<128xi32, #tpu.memory_space<vmem>>
    %dma_wait3A_188 = arith.constant 0 : i32
    %dma_wait3A_189 = tpu.memref_slice %dma_wait3A_187[%dma_wait3A_188] : memref<128xi32, #tpu.memory_space<vmem>> -> memref<112xi32, #tpu.memory_space<vmem>>
    %dma_wait3A_190 = arith.constant 0 : i32
    %dma_wait3A_191 = arith.constant 0 : i32
    %dma_wait3A_192 = tpu.memref_slice %arg2[%dma_wait3A_190, %dma_wait3A_191] : memref<100000x128xf32, #tpu.memory_space<hbm>> -> memref<100000x128xf32, #tpu.memory_space<hbm>>
    tpu.wait_indirect_dma semaphore(%arg9 : memref<!tpu.dma_semaphore, #tpu.memory_space<semaphore_mem>>) src(%dma_wait3A_192 : memref<100000x128xf32, #tpu.memory_space<hbm>>) dst(%dma_wait3A_184 : memref<112x128xf32, #tpu.memory_space<vmem>>)
    %add3A_193 = arith.constant 2 : i32
    %add3A_194 = arith.addi %mul3A_2, %add3A_193 : i32
    %dma_start3A_195 = arith.constant 2 : i32
    %dma_start3A_196 = arith.constant 0 : i32
    %dma_start3A_197 = arith.constant 0 : i32
    %dma_start3A_198 = tpu.memref_slice %arg6[%dma_start3A_195, %dma_start3A_196, %dma_start3A_197] : memref<8x112x128xf32, #tpu.memory_space<vmem>> -> memref<1x112x128xf32, #tpu.memory_space<vmem>>
    %dma_start3A_199 = tpu.memref_squeeze %dma_start3A_198 : memref<1x112x128xf32, #tpu.memory_space<vmem>> -> memref<112x128xf32, #tpu.memory_space<vmem>>
    %dma_start3A_200 = arith.constant 0 : i32
    %dma_start3A_201 = arith.constant 0 : i32
    %dma_start3A_202 = tpu.memref_slice %arg4[%add3A_194, %dma_start3A_200, %dma_start3A_201] : memref<2048x112x128xf32, #tpu.memory_space<hbm>> -> memref<1x112x128xf32, #tpu.memory_space<hbm>>
    %dma_start3A_203 = tpu.memref_squeeze %dma_start3A_202 : memref<1x112x128xf32, #tpu.memory_space<hbm>> -> memref<112x128xf32, #tpu.memory_space<hbm>>
    %dma_start3A_204 = arith.constant 0 : i32
    %dma_start3A_205 = arith.constant 0 : i32
    %dma_start3A_206 = tpu.memref_slice %arg4[%add3A_194, %dma_start3A_204, %dma_start3A_205] : memref<2048x112x128xf32, #tpu.memory_space<hbm>> -> memref<1x112x128xf32, #tpu.memory_space<hbm>>
    %dma_start3A_207 = tpu.memref_squeeze %dma_start3A_206 : memref<1x112x128xf32, #tpu.memory_space<hbm>> -> memref<112x128xf32, #tpu.memory_space<hbm>>
    %dma_start3A_208 = arith.constant 0 : i32
    %dma_start3A_209 = arith.constant 0 : i32
    %dma_start3A_210 = tpu.memref_slice %arg6[%dma_start3A_195, %dma_start3A_208, %dma_start3A_209] : memref<8x112x128xf32, #tpu.memory_space<vmem>> -> memref<1x112x128xf32, #tpu.memory_space<vmem>>
    %dma_start3A_211 = tpu.memref_squeeze %dma_start3A_210 : memref<1x112x128xf32, #tpu.memory_space<vmem>> -> memref<112x128xf32, #tpu.memory_space<vmem>>
    tpu.enqueue_dma source(%dma_start3A_211 : memref<112x128xf32, #tpu.memory_space<vmem>>) target(%dma_start3A_207 : memref<112x128xf32, #tpu.memory_space<hbm>>) target_semaphore(%arg17 : memref<!tpu.dma_semaphore, #tpu.memory_space<semaphore_mem>>)
    %add3A_212 = arith.constant 0 : i32
    %add3A_213 = arith.addi %mul3A_2, %add3A_212 : i32
    %dma_wait3A_214 = arith.constant 0 : i32
    %dma_wait3A_215 = arith.constant 0 : i32
    %dma_wait3A_216 = arith.constant 0 : i32
    %dma_wait3A_217 = tpu.memref_slice %arg6[%dma_wait3A_214, %dma_wait3A_215, %dma_wait3A_216] : memref<8x112x128xf32, #tpu.memory_space<vmem>> -> memref<1x112x128xf32, #tpu.memory_space<vmem>>
    %dma_wait3A_218 = tpu.memref_squeeze %dma_wait3A_217 : memref<1x112x128xf32, #tpu.memory_space<vmem>> -> memref<112x128xf32, #tpu.memory_space<vmem>>
    %dma_wait3A_219 = arith.constant 0 : i32
    %dma_wait3A_220 = arith.constant 0 : i32
    %dma_wait3A_221 = tpu.memref_slice %arg4[%add3A_213, %dma_wait3A_219, %dma_wait3A_220] : memref<2048x112x128xf32, #tpu.memory_space<hbm>> -> memref<1x112x128xf32, #tpu.memory_space<hbm>>
    %dma_wait3A_222 = tpu.memref_squeeze %dma_wait3A_221 : memref<1x112x128xf32, #tpu.memory_space<hbm>> -> memref<112x128xf32, #tpu.memory_space<hbm>>
    %dma_wait3A_223 = arith.constant 0 : i32
    %dma_wait3A_224 = arith.constant 0 : i32
    %dma_wait3A_225 = tpu.memref_slice %arg4[%add3A_213, %dma_wait3A_223, %dma_wait3A_224] : memref<2048x112x128xf32, #tpu.memory_space<hbm>> -> memref<1x112x128xf32, #tpu.memory_space<hbm>>
    %dma_wait3A_226 = tpu.memref_squeeze %dma_wait3A_225 : memref<1x112x128xf32, #tpu.memory_space<hbm>> -> memref<112x128xf32, #tpu.memory_space<hbm>>
    %dma_wait3A_227 = arith.constant 0 : i32
    %dma_wait3A_228 = arith.constant 0 : i32
    %dma_wait3A_229 = tpu.memref_slice %arg6[%dma_wait3A_214, %dma_wait3A_227, %dma_wait3A_228] : memref<8x112x128xf32, #tpu.memory_space<vmem>> -> memref<1x112x128xf32, #tpu.memory_space<vmem>>
    %dma_wait3A_230 = tpu.memref_squeeze %dma_wait3A_229 : memref<1x112x128xf32, #tpu.memory_space<vmem>> -> memref<112x128xf32, #tpu.memory_space<vmem>>
    tpu.wait_dma2 semaphore(%arg15 : memref<!tpu.dma_semaphore, #tpu.memory_space<semaphore_mem>>) src(%dma_wait3A_230 : memref<112x128xf32, #tpu.memory_space<vmem>>) dst(%dma_wait3A_226 : memref<112x128xf32, #tpu.memory_space<hbm>>)
    %dma_start3A_231 = arith.constant 8 : i32
    %dma_start3A_232 = arith.constant 0 : i32
    %dma_start3A_233 = arith.constant 0 : i32
    %dma_start3A_234 = arith.constant 0 : i32
    %dma_start3A_235 = tpu.memref_slice %arg6[%dma_start3A_232, %dma_start3A_233, %dma_start3A_234] : memref<8x112x128xf32, #tpu.memory_space<vmem>> -> memref<1x112x128xf32, #tpu.memory_space<vmem>>
    %dma_start3A_236 = tpu.memref_squeeze %dma_start3A_235 : memref<1x112x128xf32, #tpu.memory_space<vmem>> -> memref<112x128xf32, #tpu.memory_space<vmem>>
    %dma_start3A_237 = arith.constant 0 : i32
    %dma_start3A_238 = tpu.memref_slice %arg5[%dma_start3A_231, %dma_start3A_237] : memref<64x128xi32, #tpu.memory_space<vmem>> -> memref<1x128xi32, #tpu.memory_space<vmem>>
    %dma_start3A_239 = tpu.memref_squeeze %dma_start3A_238 : memref<1x128xi32, #tpu.memory_space<vmem>> -> memref<128xi32, #tpu.memory_space<vmem>>
    %dma_start3A_240 = arith.constant 0 : i32
    %dma_start3A_241 = tpu.memref_slice %dma_start3A_239[%dma_start3A_240] : memref<128xi32, #tpu.memory_space<vmem>> -> memref<112xi32, #tpu.memory_space<vmem>>
    %dma_start3A_242 = arith.constant 0 : i32
    %dma_start3A_243 = arith.constant 0 : i32
    %dma_start3A_244 = tpu.memref_slice %arg2[%dma_start3A_242, %dma_start3A_243] : memref<100000x128xf32, #tpu.memory_space<hbm>> -> memref<100000x128xf32, #tpu.memory_space<hbm>>
    tpu.enqueue_indirect_dma source(%dma_start3A_244 : memref<100000x128xf32, #tpu.memory_space<hbm>>) target(%dma_start3A_236 : memref<112x128xf32, #tpu.memory_space<vmem>>) offsets(%dma_start3A_241 : memref<112xi32, #tpu.memory_space<vmem>>) semaphore(%arg7 : memref<!tpu.dma_semaphore, #tpu.memory_space<semaphore_mem>>)
    %dma_wait3A_245 = arith.constant 3 : i32
    %dma_wait3A_246 = arith.constant 3 : i32
    %dma_wait3A_247 = arith.constant 0 : i32
    %dma_wait3A_248 = arith.constant 0 : i32
    %dma_wait3A_249 = tpu.memref_slice %arg6[%dma_wait3A_246, %dma_wait3A_247, %dma_wait3A_248] : memref<8x112x128xf32, #tpu.memory_space<vmem>> -> memref<1x112x128xf32, #tpu.memory_space<vmem>>
    %dma_wait3A_250 = tpu.memref_squeeze %dma_wait3A_249 : memref<1x112x128xf32, #tpu.memory_space<vmem>> -> memref<112x128xf32, #tpu.memory_space<vmem>>
    %dma_wait3A_251 = arith.constant 0 : i32
    %dma_wait3A_252 = tpu.memref_slice %arg5[%dma_wait3A_245, %dma_wait3A_251] : memref<64x128xi32, #tpu.memory_space<vmem>> -> memref<1x128xi32, #tpu.memory_space<vmem>>
    %dma_wait3A_253 = tpu.memref_squeeze %dma_wait3A_252 : memref<1x128xi32, #tpu.memory_space<vmem>> -> memref<128xi32, #tpu.memory_space<vmem>>
    %dma_wait3A_254 = arith.constant 0 : i32
    %dma_wait3A_255 = tpu.memref_slice %dma_wait3A_253[%dma_wait3A_254] : memref<128xi32, #tpu.memory_space<vmem>> -> memref<112xi32, #tpu.memory_space<vmem>>
    %dma_wait3A_256 = arith.constant 0 : i32
    %dma_wait3A_257 = arith.constant 0 : i32
    %dma_wait3A_258 = tpu.memref_slice %arg2[%dma_wait3A_256, %dma_wait3A_257] : memref<100000x128xf32, #tpu.memory_space<hbm>> -> memref<100000x128xf32, #tpu.memory_space<hbm>>
    tpu.wait_indirect_dma semaphore(%arg10 : memref<!tpu.dma_semaphore, #tpu.memory_space<semaphore_mem>>) src(%dma_wait3A_258 : memref<100000x128xf32, #tpu.memory_space<hbm>>) dst(%dma_wait3A_250 : memref<112x128xf32, #tpu.memory_space<vmem>>)
    %add3A_259 = arith.constant 3 : i32
    %add3A_260 = arith.addi %mul3A_2, %add3A_259 : i32
    %dma_start3A_261 = arith.constant 3 : i32
    %dma_start3A_262 = arith.constant 0 : i32
    %dma_start3A_263 = arith.constant 0 : i32
    %dma_start3A_264 = tpu.memref_slice %arg6[%dma_start3A_261, %dma_start3A_262, %dma_start3A_263] : memref<8x112x128xf32, #tpu.memory_space<vmem>> -> memref<1x112x128xf32, #tpu.memory_space<vmem>>
    %dma_start3A_265 = tpu.memref_squeeze %dma_start3A_264 : memref<1x112x128xf32, #tpu.memory_space<vmem>> -> memref<112x128xf32, #tpu.memory_space<vmem>>
    %dma_start3A_266 = arith.constant 0 : i32
    %dma_start3A_267 = arith.constant 0 : i32
    %dma_start3A_268 = tpu.memref_slice %arg4[%add3A_260, %dma_start3A_266, %dma_start3A_267] : memref<2048x112x128xf32, #tpu.memory_space<hbm>> -> memref<1x112x128xf32, #tpu.memory_space<hbm>>
    %dma_start3A_269 = tpu.memref_squeeze %dma_start3A_268 : memref<1x112x128xf32, #tpu.memory_space<hbm>> -> memref<112x128xf32, #tpu.memory_space<hbm>>
    %dma_start3A_270 = arith.constant 0 : i32
    %dma_start3A_271 = arith.constant 0 : i32
    %dma_start3A_272 = tpu.memref_slice %arg4[%add3A_260, %dma_start3A_270, %dma_start3A_271] : memref<2048x112x128xf32, #tpu.memory_space<hbm>> -> memref<1x112x128xf32, #tpu.memory_space<hbm>>
    %dma_start3A_273 = tpu.memref_squeeze %dma_start3A_272 : memref<1x112x128xf32, #tpu.memory_space<hbm>> -> memref<112x128xf32, #tpu.memory_space<hbm>>
    %dma_start3A_274 = arith.constant 0 : i32
    %dma_start3A_275 = arith.constant 0 : i32
    %dma_start3A_276 = tpu.memref_slice %arg6[%dma_start3A_261, %dma_start3A_274, %dma_start3A_275] : memref<8x112x128xf32, #tpu.memory_space<vmem>> -> memref<1x112x128xf32, #tpu.memory_space<vmem>>
    %dma_start3A_277 = tpu.memref_squeeze %dma_start3A_276 : memref<1x112x128xf32, #tpu.memory_space<vmem>> -> memref<112x128xf32, #tpu.memory_space<vmem>>
    tpu.enqueue_dma source(%dma_start3A_277 : memref<112x128xf32, #tpu.memory_space<vmem>>) target(%dma_start3A_273 : memref<112x128xf32, #tpu.memory_space<hbm>>) target_semaphore(%arg18 : memref<!tpu.dma_semaphore, #tpu.memory_space<semaphore_mem>>)
    %add3A_278 = arith.constant 1 : i32
    %add3A_279 = arith.addi %mul3A_2, %add3A_278 : i32
    %dma_wait3A_280 = arith.constant 1 : i32
    %dma_wait3A_281 = arith.constant 0 : i32
    %dma_wait3A_282 = arith.constant 0 : i32
    %dma_wait3A_283 = tpu.memref_slice %arg6[%dma_wait3A_280, %dma_wait3A_281, %dma_wait3A_282] : memref<8x112x128xf32, #tpu.memory_space<vmem>> -> memref<1x112x128xf32, #tpu.memory_space<vmem>>
    %dma_wait3A_284 = tpu.memref_squeeze %dma_wait3A_283 : memref<1x112x128xf32, #tpu.memory_space<vmem>> -> memref<112x128xf32, #tpu.memory_space<vmem>>
    %dma_wait3A_285 = arith.constant 0 : i32
    %dma_wait3A_286 = arith.constant 0 : i32
    %dma_wait3A_287 = tpu.memref_slice %arg4[%add3A_279, %dma_wait3A_285, %dma_wait3A_286] : memref<2048x112x128xf32, #tpu.memory_space<hbm>> -> memref<1x112x128xf32, #tpu.memory_space<hbm>>
    %dma_wait3A_288 = tpu.memref_squeeze %dma_wait3A_287 : memref<1x112x128xf32, #tpu.memory_space<hbm>> -> memref<112x128xf32, #tpu.memory_space<hbm>>
    %dma_wait3A_289 = arith.constant 0 : i32
    %dma_wait3A_290 = arith.constant 0 : i32
    %dma_wait3A_291 = tpu.memref_slice %arg4[%add3A_279, %dma_wait3A_289, %dma_wait3A_290] : memref<2048x112x128xf32, #tpu.memory_space<hbm>> -> memref<1x112x128xf32, #tpu.memory_space<hbm>>
    %dma_wait3A_292 = tpu.memref_squeeze %dma_wait3A_291 : memref<1x112x128xf32, #tpu.memory_space<hbm>> -> memref<112x128xf32, #tpu.memory_space<hbm>>
    %dma_wait3A_293 = arith.constant 0 : i32
    %dma_wait3A_294 = arith.constant 0 : i32
    %dma_wait3A_295 = tpu.memref_slice %arg6[%dma_wait3A_280, %dma_wait3A_293, %dma_wait3A_294] : memref<8x112x128xf32, #tpu.memory_space<vmem>> -> memref<1x112x128xf32, #tpu.memory_space<vmem>>
    %dma_wait3A_296 = tpu.memref_squeeze %dma_wait3A_295 : memref<1x112x128xf32, #tpu.memory_space<vmem>> -> memref<112x128xf32, #tpu.memory_space<vmem>>
    tpu.wait_dma2 semaphore(%arg16 : memref<!tpu.dma_semaphore, #tpu.memory_space<semaphore_mem>>) src(%dma_wait3A_296 : memref<112x128xf32, #tpu.memory_space<vmem>>) dst(%dma_wait3A_292 : memref<112x128xf32, #tpu.memory_space<hbm>>)
    %dma_start3A_297 = arith.constant 9 : i32
    %dma_start3A_298 = arith.constant 1 : i32
    %dma_start3A_299 = arith.constant 0 : i32
    %dma_start3A_300 = arith.constant 0 : i32
    %dma_start3A_301 = tpu.memref_slice %arg6[%dma_start3A_298, %dma_start3A_299, %dma_start3A_300] : memref<8x112x128xf32, #tpu.memory_space<vmem>> -> memref<1x112x128xf32, #tpu.memory_space<vmem>>
    %dma_start3A_302 = tpu.memref_squeeze %dma_start3A_301 : memref<1x112x128xf32, #tpu.memory_space<vmem>> -> memref<112x128xf32, #tpu.memory_space<vmem>>
    %dma_start3A_303 = arith.constant 0 : i32
    %dma_start3A_304 = tpu.memref_slice %arg5[%dma_start3A_297, %dma_start3A_303] : memref<64x128xi32, #tpu.memory_space<vmem>> -> memref<1x128xi32, #tpu.memory_space<vmem>>
    %dma_start3A_305 = tpu.memref_squeeze %dma_start3A_304 : memref<1x128xi32, #tpu.memory_space<vmem>> -> memref<128xi32, #tpu.memory_space<vmem>>
    %dma_start3A_306 = arith.constant 0 : i32
    %dma_start3A_307 = tpu.memref_slice %dma_start3A_305[%dma_start3A_306] : memref<128xi32, #tpu.memory_space<vmem>> -> memref<112xi32, #tpu.memory_space<vmem>>
    %dma_start3A_308 = arith.constant 0 : i32
    %dma_start3A_309 = arith.constant 0 : i32
    %dma_start3A_310 = tpu.memref_slice %arg2[%dma_start3A_308, %dma_start3A_309] : memref<100000x128xf32, #tpu.memory_space<hbm>> -> memref<100000x128xf32, #tpu.memory_space<hbm>>
    tpu.enqueue_indirect_dma source(%dma_start3A_310 : memref<100000x128xf32, #tpu.memory_space<hbm>>) target(%dma_start3A_302 : memref<112x128xf32, #tpu.memory_space<vmem>>) offsets(%dma_start3A_307 : memref<112xi32, #tpu.memory_space<vmem>>) semaphore(%arg8 : memref<!tpu.dma_semaphore, #tpu.memory_space<semaphore_mem>>)
    %dma_wait3A_311 = arith.constant 4 : i32
    %dma_wait3A_312 = arith.constant 4 : i32
    %dma_wait3A_313 = arith.constant 0 : i32
    %dma_wait3A_314 = arith.constant 0 : i32
    %dma_wait3A_315 = tpu.memref_slice %arg6[%dma_wait3A_312, %dma_wait3A_313, %dma_wait3A_314] : memref<8x112x128xf32, #tpu.memory_space<vmem>> -> memref<1x112x128xf32, #tpu.memory_space<vmem>>
    %dma_wait3A_316 = tpu.memref_squeeze %dma_wait3A_315 : memref<1x112x128xf32, #tpu.memory_space<vmem>> -> memref<112x128xf32, #tpu.memory_space<vmem>>
    %dma_wait3A_317 = arith.constant 0 : i32
    %dma_wait3A_318 = tpu.memref_slice %arg5[%dma_wait3A_311, %dma_wait3A_317] : memref<64x128xi32, #tpu.memory_space<vmem>> -> memref<1x128xi32, #tpu.memory_space<vmem>>
    %dma_wait3A_319 = tpu.memref_squeeze %dma_wait3A_318 : memref<1x128xi32, #tpu.memory_space<vmem>> -> memref<128xi32, #tpu.memory_space<vmem>>
    %dma_wait3A_320 = arith.constant 0 : i32
    %dma_wait3A_321 = tpu.memref_slice %dma_wait3A_319[%dma_wait3A_320] : memref<128xi32, #tpu.memory_space<vmem>> -> memref<112xi32, #tpu.memory_space<vmem>>
    %dma_wait3A_322 = arith.constant 0 : i32
    %dma_wait3A_323 = arith.constant 0 : i32
    %dma_wait3A_324 = tpu.memref_slice %arg2[%dma_wait3A_322, %dma_wait3A_323] : memref<100000x128xf32, #tpu.memory_space<hbm>> -> memref<100000x128xf32, #tpu.memory_space<hbm>>
    tpu.wait_indirect_dma semaphore(%arg11 : memref<!tpu.dma_semaphore, #tpu.memory_space<semaphore_mem>>) src(%dma_wait3A_324 : memref<100000x128xf32, #tpu.memory_space<hbm>>) dst(%dma_wait3A_316 : memref<112x128xf32, #tpu.memory_space<vmem>>)
    %add3A_325 = arith.constant 4 : i32
    %add3A_326 = arith.addi %mul3A_2, %add3A_325 : i32
    %dma_start3A_327 = arith.constant 4 : i32
    %dma_start3A_328 = arith.constant 0 : i32
    %dma_start3A_329 = arith.constant 0 : i32
    %dma_start3A_330 = tpu.memref_slice %arg6[%dma_start3A_327, %dma_start3A_328, %dma_start3A_329] : memref<8x112x128xf32, #tpu.memory_space<vmem>> -> memref<1x112x128xf32, #tpu.memory_space<vmem>>
    %dma_start3A_331 = tpu.memref_squeeze %dma_start3A_330 : memref<1x112x128xf32, #tpu.memory_space<vmem>> -> memref<112x128xf32, #tpu.memory_space<vmem>>
    %dma_start3A_332 = arith.constant 0 : i32
    %dma_start3A_333 = arith.constant 0 : i32
    %dma_start3A_334 = tpu.memref_slice %arg4[%add3A_326, %dma_start3A_332, %dma_start3A_333] : memref<2048x112x128xf32, #tpu.memory_space<hbm>> -> memref<1x112x128xf32, #tpu.memory_space<hbm>>
    %dma_start3A_335 = tpu.memref_squeeze %dma_start3A_334 : memref<1x112x128xf32, #tpu.memory_space<hbm>> -> memref<112x128xf32, #tpu.memory_space<hbm>>
    %dma_start3A_336 = arith.constant 0 : i32
    %dma_start3A_337 = arith.constant 0 : i32
    %dma_start3A_338 = tpu.memref_slice %arg4[%add3A_326, %dma_start3A_336, %dma_start3A_337] : memref<2048x112x128xf32, #tpu.memory_space<hbm>> -> memref<1x112x128xf32, #tpu.memory_space<hbm>>
    %dma_start3A_339 = tpu.memref_squeeze %dma_start3A_338 : memref<1x112x128xf32, #tpu.memory_space<hbm>> -> memref<112x128xf32, #tpu.memory_space<hbm>>
    %dma_start3A_340 = arith.constant 0 : i32
    %dma_start3A_341 = arith.constant 0 : i32
    %dma_start3A_342 = tpu.memref_slice %arg6[%dma_start3A_327, %dma_start3A_340, %dma_start3A_341] : memref<8x112x128xf32, #tpu.memory_space<vmem>> -> memref<1x112x128xf32, #tpu.memory_space<vmem>>
    %dma_start3A_343 = tpu.memref_squeeze %dma_start3A_342 : memref<1x112x128xf32, #tpu.memory_space<vmem>> -> memref<112x128xf32, #tpu.memory_space<vmem>>
    tpu.enqueue_dma source(%dma_start3A_343 : memref<112x128xf32, #tpu.memory_space<vmem>>) target(%dma_start3A_339 : memref<112x128xf32, #tpu.memory_space<hbm>>) target_semaphore(%arg19 : memref<!tpu.dma_semaphore, #tpu.memory_space<semaphore_mem>>)
    %add3A_344 = arith.constant 2 : i32
    %add3A_345 = arith.addi %mul3A_2, %add3A_344 : i32
    %dma_wait3A_346 = arith.constant 2 : i32
    %dma_wait3A_347 = arith.constant 0 : i32
    %dma_wait3A_348 = arith.constant 0 : i32
    %dma_wait3A_349 = tpu.memref_slice %arg6[%dma_wait3A_346, %dma_wait3A_347, %dma_wait3A_348] : memref<8x112x128xf32, #tpu.memory_space<vmem>> -> memref<1x112x128xf32, #tpu.memory_space<vmem>>
    %dma_wait3A_350 = tpu.memref_squeeze %dma_wait3A_349 : memref<1x112x128xf32, #tpu.memory_space<vmem>> -> memref<112x128xf32, #tpu.memory_space<vmem>>
    %dma_wait3A_351 = arith.constant 0 : i32
    %dma_wait3A_352 = arith.constant 0 : i32
    %dma_wait3A_353 = tpu.memref_slice %arg4[%add3A_345, %dma_wait3A_351, %dma_wait3A_352] : memref<2048x112x128xf32, #tpu.memory_space<hbm>> -> memref<1x112x128xf32, #tpu.memory_space<hbm>>
    %dma_wait3A_354 = tpu.memref_squeeze %dma_wait3A_353 : memref<1x112x128xf32, #tpu.memory_space<hbm>> -> memref<112x128xf32, #tpu.memory_space<hbm>>
    %dma_wait3A_355 = arith.constant 0 : i32
    %dma_wait3A_356 = arith.constant 0 : i32
    %dma_wait3A_357 = tpu.memref_slice %arg4[%add3A_345, %dma_wait3A_355, %dma_wait3A_356] : memref<2048x112x128xf32, #tpu.memory_space<hbm>> -> memref<1x112x128xf32, #tpu.memory_space<hbm>>
    %dma_wait3A_358 = tpu.memref_squeeze %dma_wait3A_357 : memref<1x112x128xf32, #tpu.memory_space<hbm>> -> memref<112x128xf32, #tpu.memory_space<hbm>>
    %dma_wait3A_359 = arith.constant 0 : i32
    %dma_wait3A_360 = arith.constant 0 : i32
    %dma_wait3A_361 = tpu.memref_slice %arg6[%dma_wait3A_346, %dma_wait3A_359, %dma_wait3A_360] : memref<8x112x128xf32, #tpu.memory_space<vmem>> -> memref<1x112x128xf32, #tpu.memory_space<vmem>>
    %dma_wait3A_362 = tpu.memref_squeeze %dma_wait3A_361 : memref<1x112x128xf32, #tpu.memory_space<vmem>> -> memref<112x128xf32, #tpu.memory_space<vmem>>
    tpu.wait_dma2 semaphore(%arg17 : memref<!tpu.dma_semaphore, #tpu.memory_space<semaphore_mem>>) src(%dma_wait3A_362 : memref<112x128xf32, #tpu.memory_space<vmem>>) dst(%dma_wait3A_358 : memref<112x128xf32, #tpu.memory_space<hbm>>)
    %dma_start3A_363 = arith.constant 10 : i32
    %dma_start3A_364 = arith.constant 2 : i32
    %dma_start3A_365 = arith.constant 0 : i32
    %dma_start3A_366 = arith.constant 0 : i32
    %dma_start3A_367 = tpu.memref_slice %arg6[%dma_start3A_364, %dma_start3A_365, %dma_start3A_366] : memref<8x112x128xf32, #tpu.memory_space<vmem>> -> memref<1x112x128xf32, #tpu.memory_space<vmem>>
    %dma_start3A_368 = tpu.memref_squeeze %dma_start3A_367 : memref<1x112x128xf32, #tpu.memory_space<vmem>> -> memref<112x128xf32, #tpu.memory_space<vmem>>
    %dma_start3A_369 = arith.constant 0 : i32
    %dma_start3A_370 = tpu.memref_slice %arg5[%dma_start3A_363, %dma_start3A_369] : memref<64x128xi32, #tpu.memory_space<vmem>> -> memref<1x128xi32, #tpu.memory_space<vmem>>
    %dma_start3A_371 = tpu.memref_squeeze %dma_start3A_370 : memref<1x128xi32, #tpu.memory_space<vmem>> -> memref<128xi32, #tpu.memory_space<vmem>>
    %dma_start3A_372 = arith.constant 0 : i32
    %dma_start3A_373 = tpu.memref_slice %dma_start3A_371[%dma_start3A_372] : memref<128xi32, #tpu.memory_space<vmem>> -> memref<112xi32, #tpu.memory_space<vmem>>
    %dma_start3A_374 = arith.constant 0 : i32
    %dma_start3A_375 = arith.constant 0 : i32
    %dma_start3A_376 = tpu.memref_slice %arg2[%dma_start3A_374, %dma_start3A_375] : memref<100000x128xf32, #tpu.memory_space<hbm>> -> memref<100000x128xf32, #tpu.memory_space<hbm>>
    tpu.enqueue_indirect_dma source(%dma_start3A_376 : memref<100000x128xf32, #tpu.memory_space<hbm>>) target(%dma_start3A_368 : memref<112x128xf32, #tpu.memory_space<vmem>>) offsets(%dma_start3A_373 : memref<112xi32, #tpu.memory_space<vmem>>) semaphore(%arg9 : memref<!tpu.dma_semaphore, #tpu.memory_space<semaphore_mem>>)
    %dma_wait3A_377 = arith.constant 5 : i32
    %dma_wait3A_378 = arith.constant 5 : i32
    %dma_wait3A_379 = arith.constant 0 : i32
    %dma_wait3A_380 = arith.constant 0 : i32
    %dma_wait3A_381 = tpu.memref_slice %arg6[%dma_wait3A_378, %dma_wait3A_379, %dma_wait3A_380] : memref<8x112x128xf32, #tpu.memory_space<vmem>> -> memref<1x112x128xf32, #tpu.memory_space<vmem>>
    %dma_wait3A_382 = tpu.memref_squeeze %dma_wait3A_381 : memref<1x112x128xf32, #tpu.memory_space<vmem>> -> memref<112x128xf32, #tpu.memory_space<vmem>>
    %dma_wait3A_383 = arith.constant 0 : i32
    %dma_wait3A_384 = tpu.memref_slice %arg5[%dma_wait3A_377, %dma_wait3A_383] : memref<64x128xi32, #tpu.memory_space<vmem>> -> memref<1x128xi32, #tpu.memory_space<vmem>>
    %dma_wait3A_385 = tpu.memref_squeeze %dma_wait3A_384 : memref<1x128xi32, #tpu.memory_space<vmem>> -> memref<128xi32, #tpu.memory_space<vmem>>
    %dma_wait3A_386 = arith.constant 0 : i32
    %dma_wait3A_387 = tpu.memref_slice %dma_wait3A_385[%dma_wait3A_386] : memref<128xi32, #tpu.memory_space<vmem>> -> memref<112xi32, #tpu.memory_space<vmem>>
    %dma_wait3A_388 = arith.constant 0 : i32
    %dma_wait3A_389 = arith.constant 0 : i32
    %dma_wait3A_390 = tpu.memref_slice %arg2[%dma_wait3A_388, %dma_wait3A_389] : memref<100000x128xf32, #tpu.memory_space<hbm>> -> memref<100000x128xf32, #tpu.memory_space<hbm>>
    tpu.wait_indirect_dma semaphore(%arg12 : memref<!tpu.dma_semaphore, #tpu.memory_space<semaphore_mem>>) src(%dma_wait3A_390 : memref<100000x128xf32, #tpu.memory_space<hbm>>) dst(%dma_wait3A_382 : memref<112x128xf32, #tpu.memory_space<vmem>>)
    %add3A_391 = arith.constant 5 : i32
    %add3A_392 = arith.addi %mul3A_2, %add3A_391 : i32
    %dma_start3A_393 = arith.constant 5 : i32
    %dma_start3A_394 = arith.constant 0 : i32
    %dma_start3A_395 = arith.constant 0 : i32
    %dma_start3A_396 = tpu.memref_slice %arg6[%dma_start3A_393, %dma_start3A_394, %dma_start3A_395] : memref<8x112x128xf32, #tpu.memory_space<vmem>> -> memref<1x112x128xf32, #tpu.memory_space<vmem>>
    %dma_start3A_397 = tpu.memref_squeeze %dma_start3A_396 : memref<1x112x128xf32, #tpu.memory_space<vmem>> -> memref<112x128xf32, #tpu.memory_space<vmem>>
    %dma_start3A_398 = arith.constant 0 : i32
    %dma_start3A_399 = arith.constant 0 : i32
    %dma_start3A_400 = tpu.memref_slice %arg4[%add3A_392, %dma_start3A_398, %dma_start3A_399] : memref<2048x112x128xf32, #tpu.memory_space<hbm>> -> memref<1x112x128xf32, #tpu.memory_space<hbm>>
    %dma_start3A_401 = tpu.memref_squeeze %dma_start3A_400 : memref<1x112x128xf32, #tpu.memory_space<hbm>> -> memref<112x128xf32, #tpu.memory_space<hbm>>
    %dma_start3A_402 = arith.constant 0 : i32
    %dma_start3A_403 = arith.constant 0 : i32
    %dma_start3A_404 = tpu.memref_slice %arg4[%add3A_392, %dma_start3A_402, %dma_start3A_403] : memref<2048x112x128xf32, #tpu.memory_space<hbm>> -> memref<1x112x128xf32, #tpu.memory_space<hbm>>
    %dma_start3A_405 = tpu.memref_squeeze %dma_start3A_404 : memref<1x112x128xf32, #tpu.memory_space<hbm>> -> memref<112x128xf32, #tpu.memory_space<hbm>>
    %dma_start3A_406 = arith.constant 0 : i32
    %dma_start3A_407 = arith.constant 0 : i32
    %dma_start3A_408 = tpu.memref_slice %arg6[%dma_start3A_393, %dma_start3A_406, %dma_start3A_407] : memref<8x112x128xf32, #tpu.memory_space<vmem>> -> memref<1x112x128xf32, #tpu.memory_space<vmem>>
    %dma_start3A_409 = tpu.memref_squeeze %dma_start3A_408 : memref<1x112x128xf32, #tpu.memory_space<vmem>> -> memref<112x128xf32, #tpu.memory_space<vmem>>
    tpu.enqueue_dma source(%dma_start3A_409 : memref<112x128xf32, #tpu.memory_space<vmem>>) target(%dma_start3A_405 : memref<112x128xf32, #tpu.memory_space<hbm>>) target_semaphore(%arg20 : memref<!tpu.dma_semaphore, #tpu.memory_space<semaphore_mem>>)
    %add3A_410 = arith.constant 3 : i32
    %add3A_411 = arith.addi %mul3A_2, %add3A_410 : i32
    %dma_wait3A_412 = arith.constant 3 : i32
    %dma_wait3A_413 = arith.constant 0 : i32
    %dma_wait3A_414 = arith.constant 0 : i32
    %dma_wait3A_415 = tpu.memref_slice %arg6[%dma_wait3A_412, %dma_wait3A_413, %dma_wait3A_414] : memref<8x112x128xf32, #tpu.memory_space<vmem>> -> memref<1x112x128xf32, #tpu.memory_space<vmem>>
    %dma_wait3A_416 = tpu.memref_squeeze %dma_wait3A_415 : memref<1x112x128xf32, #tpu.memory_space<vmem>> -> memref<112x128xf32, #tpu.memory_space<vmem>>
    %dma_wait3A_417 = arith.constant 0 : i32
    %dma_wait3A_418 = arith.constant 0 : i32
    %dma_wait3A_419 = tpu.memref_slice %arg4[%add3A_411, %dma_wait3A_417, %dma_wait3A_418] : memref<2048x112x128xf32, #tpu.memory_space<hbm>> -> memref<1x112x128xf32, #tpu.memory_space<hbm>>
    %dma_wait3A_420 = tpu.memref_squeeze %dma_wait3A_419 : memref<1x112x128xf32, #tpu.memory_space<hbm>> -> memref<112x128xf32, #tpu.memory_space<hbm>>
    %dma_wait3A_421 = arith.constant 0 : i32
    %dma_wait3A_422 = arith.constant 0 : i32
    %dma_wait3A_423 = tpu.memref_slice %arg4[%add3A_411, %dma_wait3A_421, %dma_wait3A_422] : memref<2048x112x128xf32, #tpu.memory_space<hbm>> -> memref<1x112x128xf32, #tpu.memory_space<hbm>>
    %dma_wait3A_424 = tpu.memref_squeeze %dma_wait3A_423 : memref<1x112x128xf32, #tpu.memory_space<hbm>> -> memref<112x128xf32, #tpu.memory_space<hbm>>
    %dma_wait3A_425 = arith.constant 0 : i32
    %dma_wait3A_426 = arith.constant 0 : i32
    %dma_wait3A_427 = tpu.memref_slice %arg6[%dma_wait3A_412, %dma_wait3A_425, %dma_wait3A_426] : memref<8x112x128xf32, #tpu.memory_space<vmem>> -> memref<1x112x128xf32, #tpu.memory_space<vmem>>
    %dma_wait3A_428 = tpu.memref_squeeze %dma_wait3A_427 : memref<1x112x128xf32, #tpu.memory_space<vmem>> -> memref<112x128xf32, #tpu.memory_space<vmem>>
    tpu.wait_dma2 semaphore(%arg18 : memref<!tpu.dma_semaphore, #tpu.memory_space<semaphore_mem>>) src(%dma_wait3A_428 : memref<112x128xf32, #tpu.memory_space<vmem>>) dst(%dma_wait3A_424 : memref<112x128xf32, #tpu.memory_space<hbm>>)
    %dma_start3A_429 = arith.constant 11 : i32
    %dma_start3A_430 = arith.constant 3 : i32
    %dma_start3A_431 = arith.constant 0 : i32
    %dma_start3A_432 = arith.constant 0 : i32
    %dma_start3A_433 = tpu.memref_slice %arg6[%dma_start3A_430, %dma_start3A_431, %dma_start3A_432] : memref<8x112x128xf32, #tpu.memory_space<vmem>> -> memref<1x112x128xf32, #tpu.memory_space<vmem>>
    %dma_start3A_434 = tpu.memref_squeeze %dma_start3A_433 : memref<1x112x128xf32, #tpu.memory_space<vmem>> -> memref<112x128xf32, #tpu.memory_space<vmem>>
    %dma_start3A_435 = arith.constant 0 : i32
    %dma_start3A_436 = tpu.memref_slice %arg5[%dma_start3A_429, %dma_start3A_435] : memref<64x128xi32, #tpu.memory_space<vmem>> -> memref<1x128xi32, #tpu.memory_space<vmem>>
    %dma_start3A_437 = tpu.memref_squeeze %dma_start3A_436 : memref<1x128xi32, #tpu.memory_space<vmem>> -> memref<128xi32, #tpu.memory_space<vmem>>
    %dma_start3A_438 = arith.constant 0 : i32
    %dma_start3A_439 = tpu.memref_slice %dma_start3A_437[%dma_start3A_438] : memref<128xi32, #tpu.memory_space<vmem>> -> memref<112xi32, #tpu.memory_space<vmem>>
    %dma_start3A_440 = arith.constant 0 : i32
    %dma_start3A_441 = arith.constant 0 : i32
    %dma_start3A_442 = tpu.memref_slice %arg2[%dma_start3A_440, %dma_start3A_441] : memref<100000x128xf32, #tpu.memory_space<hbm>> -> memref<100000x128xf32, #tpu.memory_space<hbm>>
    tpu.enqueue_indirect_dma source(%dma_start3A_442 : memref<100000x128xf32, #tpu.memory_space<hbm>>) target(%dma_start3A_434 : memref<112x128xf32, #tpu.memory_space<vmem>>) offsets(%dma_start3A_439 : memref<112xi32, #tpu.memory_space<vmem>>) semaphore(%arg10 : memref<!tpu.dma_semaphore, #tpu.memory_space<semaphore_mem>>)
    %dma_wait3A_443 = arith.constant 6 : i32
    %dma_wait3A_444 = arith.constant 6 : i32
    %dma_wait3A_445 = arith.constant 0 : i32
    %dma_wait3A_446 = arith.constant 0 : i32
    %dma_wait3A_447 = tpu.memref_slice %arg6[%dma_wait3A_444, %dma_wait3A_445, %dma_wait3A_446] : memref<8x112x128xf32, #tpu.memory_space<vmem>> -> memref<1x112x128xf32, #tpu.memory_space<vmem>>
    %dma_wait3A_448 = tpu.memref_squeeze %dma_wait3A_447 : memref<1x112x128xf32, #tpu.memory_space<vmem>> -> memref<112x128xf32, #tpu.memory_space<vmem>>
    %dma_wait3A_449 = arith.constant 0 : i32
    %dma_wait3A_450 = tpu.memref_slice %arg5[%dma_wait3A_443, %dma_wait3A_449] : memref<64x128xi32, #tpu.memory_space<vmem>> -> memref<1x128xi32, #tpu.memory_space<vmem>>
    %dma_wait3A_451 = tpu.memref_squeeze %dma_wait3A_450 : memref<1x128xi32, #tpu.memory_space<vmem>> -> memref<128xi32, #tpu.memory_space<vmem>>
    %dma_wait3A_452 = arith.constant 0 : i32
    %dma_wait3A_453 = tpu.memref_slice %dma_wait3A_451[%dma_wait3A_452] : memref<128xi32, #tpu.memory_space<vmem>> -> memref<112xi32, #tpu.memory_space<vmem>>
    %dma_wait3A_454 = arith.constant 0 : i32
    %dma_wait3A_455 = arith.constant 0 : i32
    %dma_wait3A_456 = tpu.memref_slice %arg2[%dma_wait3A_454, %dma_wait3A_455] : memref<100000x128xf32, #tpu.memory_space<hbm>> -> memref<100000x128xf32, #tpu.memory_space<hbm>>
    tpu.wait_indirect_dma semaphore(%arg13 : memref<!tpu.dma_semaphore, #tpu.memory_space<semaphore_mem>>) src(%dma_wait3A_456 : memref<100000x128xf32, #tpu.memory_space<hbm>>) dst(%dma_wait3A_448 : memref<112x128xf32, #tpu.memory_space<vmem>>)
    %add3A_457 = arith.constant 6 : i32
    %add3A_458 = arith.addi %mul3A_2, %add3A_457 : i32
    %dma_start3A_459 = arith.constant 6 : i32
    %dma_start3A_460 = arith.constant 0 : i32
    %dma_start3A_461 = arith.constant 0 : i32
    %dma_start3A_462 = tpu.memref_slice %arg6[%dma_start3A_459, %dma_start3A_460, %dma_start3A_461] : memref<8x112x128xf32, #tpu.memory_space<vmem>> -> memref<1x112x128xf32, #tpu.memory_space<vmem>>
    %dma_start3A_463 = tpu.memref_squeeze %dma_start3A_462 : memref<1x112x128xf32, #tpu.memory_space<vmem>> -> memref<112x128xf32, #tpu.memory_space<vmem>>
    %dma_start3A_464 = arith.constant 0 : i32
    %dma_start3A_465 = arith.constant 0 : i32
    %dma_start3A_466 = tpu.memref_slice %arg4[%add3A_458, %dma_start3A_464, %dma_start3A_465] : memref<2048x112x128xf32, #tpu.memory_space<hbm>> -> memref<1x112x128xf32, #tpu.memory_space<hbm>>
    %dma_start3A_467 = tpu.memref_squeeze %dma_start3A_466 : memref<1x112x128xf32, #tpu.memory_space<hbm>> -> memref<112x128xf32, #tpu.memory_space<hbm>>
    %dma_start3A_468 = arith.constant 0 : i32
    %dma_start3A_469 = arith.constant 0 : i32
    %dma_start3A_470 = tpu.memref_slice %arg4[%add3A_458, %dma_start3A_468, %dma_start3A_469] : memref<2048x112x128xf32, #tpu.memory_space<hbm>> -> memref<1x112x128xf32, #tpu.memory_space<hbm>>
    %dma_start3A_471 = tpu.memref_squeeze %dma_start3A_470 : memref<1x112x128xf32, #tpu.memory_space<hbm>> -> memref<112x128xf32, #tpu.memory_space<hbm>>
    %dma_start3A_472 = arith.constant 0 : i32
    %dma_start3A_473 = arith.constant 0 : i32
    %dma_start3A_474 = tpu.memref_slice %arg6[%dma_start3A_459, %dma_start3A_472, %dma_start3A_473] : memref<8x112x128xf32, #tpu.memory_space<vmem>> -> memref<1x112x128xf32, #tpu.memory_space<vmem>>
    %dma_start3A_475 = tpu.memref_squeeze %dma_start3A_474 : memref<1x112x128xf32, #tpu.memory_space<vmem>> -> memref<112x128xf32, #tpu.memory_space<vmem>>
    tpu.enqueue_dma source(%dma_start3A_475 : memref<112x128xf32, #tpu.memory_space<vmem>>) target(%dma_start3A_471 : memref<112x128xf32, #tpu.memory_space<hbm>>) target_semaphore(%arg21 : memref<!tpu.dma_semaphore, #tpu.memory_space<semaphore_mem>>)
    %add3A_476 = arith.constant 4 : i32
    %add3A_477 = arith.addi %mul3A_2, %add3A_476 : i32
    %dma_wait3A_478 = arith.constant 4 : i32
    %dma_wait3A_479 = arith.constant 0 : i32
    %dma_wait3A_480 = arith.constant 0 : i32
    %dma_wait3A_481 = tpu.memref_slice %arg6[%dma_wait3A_478, %dma_wait3A_479, %dma_wait3A_480] : memref<8x112x128xf32, #tpu.memory_space<vmem>> -> memref<1x112x128xf32, #tpu.memory_space<vmem>>
    %dma_wait3A_482 = tpu.memref_squeeze %dma_wait3A_481 : memref<1x112x128xf32, #tpu.memory_space<vmem>> -> memref<112x128xf32, #tpu.memory_space<vmem>>
    %dma_wait3A_483 = arith.constant 0 : i32
    %dma_wait3A_484 = arith.constant 0 : i32
    %dma_wait3A_485 = tpu.memref_slice %arg4[%add3A_477, %dma_wait3A_483, %dma_wait3A_484] : memref<2048x112x128xf32, #tpu.memory_space<hbm>> -> memref<1x112x128xf32, #tpu.memory_space<hbm>>
    %dma_wait3A_486 = tpu.memref_squeeze %dma_wait3A_485 : memref<1x112x128xf32, #tpu.memory_space<hbm>> -> memref<112x128xf32, #tpu.memory_space<hbm>>
    %dma_wait3A_487 = arith.constant 0 : i32
    %dma_wait3A_488 = arith.constant 0 : i32
    %dma_wait3A_489 = tpu.memref_slice %arg4[%add3A_477, %dma_wait3A_487, %dma_wait3A_488] : memref<2048x112x128xf32, #tpu.memory_space<hbm>> -> memref<1x112x128xf32, #tpu.memory_space<hbm>>
    %dma_wait3A_490 = tpu.memref_squeeze %dma_wait3A_489 : memref<1x112x128xf32, #tpu.memory_space<hbm>> -> memref<112x128xf32, #tpu.memory_space<hbm>>
    %dma_wait3A_491 = arith.constant 0 : i32
    %dma_wait3A_492 = arith.constant 0 : i32
    %dma_wait3A_493 = tpu.memref_slice %arg6[%dma_wait3A_478, %dma_wait3A_491, %dma_wait3A_492] : memref<8x112x128xf32, #tpu.memory_space<vmem>> -> memref<1x112x128xf32, #tpu.memory_space<vmem>>
    %dma_wait3A_494 = tpu.memref_squeeze %dma_wait3A_493 : memref<1x112x128xf32, #tpu.memory_space<vmem>> -> memref<112x128xf32, #tpu.memory_space<vmem>>
    tpu.wait_dma2 semaphore(%arg19 : memref<!tpu.dma_semaphore, #tpu.memory_space<semaphore_mem>>) src(%dma_wait3A_494 : memref<112x128xf32, #tpu.memory_space<vmem>>) dst(%dma_wait3A_490 : memref<112x128xf32, #tpu.memory_space<hbm>>)
    %dma_start3A_495 = arith.constant 12 : i32
    %dma_start3A_496 = arith.constant 4 : i32
    %dma_start3A_497 = arith.constant 0 : i32
    %dma_start3A_498 = arith.constant 0 : i32
    %dma_start3A_499 = tpu.memref_slice %arg6[%dma_start3A_496, %dma_start3A_497, %dma_start3A_498] : memref<8x112x128xf32, #tpu.memory_space<vmem>> -> memref<1x112x128xf32, #tpu.memory_space<vmem>>
    %dma_start3A_500 = tpu.memref_squeeze %dma_start3A_499 : memref<1x112x128xf32, #tpu.memory_space<vmem>> -> memref<112x128xf32, #tpu.memory_space<vmem>>
    %dma_start3A_501 = arith.constant 0 : i32
    %dma_start3A_502 = tpu.memref_slice %arg5[%dma_start3A_495, %dma_start3A_501] : memref<64x128xi32, #tpu.memory_space<vmem>> -> memref<1x128xi32, #tpu.memory_space<vmem>>
    %dma_start3A_503 = tpu.memref_squeeze %dma_start3A_502 : memref<1x128xi32, #tpu.memory_space<vmem>> -> memref<128xi32, #tpu.memory_space<vmem>>
    %dma_start3A_504 = arith.constant 0 : i32
    %dma_start3A_505 = tpu.memref_slice %dma_start3A_503[%dma_start3A_504] : memref<128xi32, #tpu.memory_space<vmem>> -> memref<112xi32, #tpu.memory_space<vmem>>
    %dma_start3A_506 = arith.constant 0 : i32
    %dma_start3A_507 = arith.constant 0 : i32
    %dma_start3A_508 = tpu.memref_slice %arg2[%dma_start3A_506, %dma_start3A_507] : memref<100000x128xf32, #tpu.memory_space<hbm>> -> memref<100000x128xf32, #tpu.memory_space<hbm>>
    tpu.enqueue_indirect_dma source(%dma_start3A_508 : memref<100000x128xf32, #tpu.memory_space<hbm>>) target(%dma_start3A_500 : memref<112x128xf32, #tpu.memory_space<vmem>>) offsets(%dma_start3A_505 : memref<112xi32, #tpu.memory_space<vmem>>) semaphore(%arg11 : memref<!tpu.dma_semaphore, #tpu.memory_space<semaphore_mem>>)
    %dma_wait3A_509 = arith.constant 7 : i32
    %dma_wait3A_510 = arith.constant 7 : i32
    %dma_wait3A_511 = arith.constant 0 : i32
    %dma_wait3A_512 = arith.constant 0 : i32
    %dma_wait3A_513 = tpu.memref_slice %arg6[%dma_wait3A_510, %dma_wait3A_511, %dma_wait3A_512] : memref<8x112x128xf32, #tpu.memory_space<vmem>> -> memref<1x112x128xf32, #tpu.memory_space<vmem>>
    %dma_wait3A_514 = tpu.memref_squeeze %dma_wait3A_513 : memref<1x112x128xf32, #tpu.memory_space<vmem>> -> memref<112x128xf32, #tpu.memory_space<vmem>>
    %dma_wait3A_515 = arith.constant 0 : i32
    %dma_wait3A_516 = tpu.memref_slice %arg5[%dma_wait3A_509, %dma_wait3A_515] : memref<64x128xi32, #tpu.memory_space<vmem>> -> memref<1x128xi32, #tpu.memory_space<vmem>>
    %dma_wait3A_517 = tpu.memref_squeeze %dma_wait3A_516 : memref<1x128xi32, #tpu.memory_space<vmem>> -> memref<128xi32, #tpu.memory_space<vmem>>
    %dma_wait3A_518 = arith.constant 0 : i32
    %dma_wait3A_519 = tpu.memref_slice %dma_wait3A_517[%dma_wait3A_518] : memref<128xi32, #tpu.memory_space<vmem>> -> memref<112xi32, #tpu.memory_space<vmem>>
    %dma_wait3A_520 = arith.constant 0 : i32
    %dma_wait3A_521 = arith.constant 0 : i32
    %dma_wait3A_522 = tpu.memref_slice %arg2[%dma_wait3A_520, %dma_wait3A_521] : memref<100000x128xf32, #tpu.memory_space<hbm>> -> memref<100000x128xf32, #tpu.memory_space<hbm>>
    tpu.wait_indirect_dma semaphore(%arg14 : memref<!tpu.dma_semaphore, #tpu.memory_space<semaphore_mem>>) src(%dma_wait3A_522 : memref<100000x128xf32, #tpu.memory_space<hbm>>) dst(%dma_wait3A_514 : memref<112x128xf32, #tpu.memory_space<vmem>>)
    %add3A_523 = arith.constant 7 : i32
    %add3A_524 = arith.addi %mul3A_2, %add3A_523 : i32
    %dma_start3A_525 = arith.constant 7 : i32
    %dma_start3A_526 = arith.constant 0 : i32
    %dma_start3A_527 = arith.constant 0 : i32
    %dma_start3A_528 = tpu.memref_slice %arg6[%dma_start3A_525, %dma_start3A_526, %dma_start3A_527] : memref<8x112x128xf32, #tpu.memory_space<vmem>> -> memref<1x112x128xf32, #tpu.memory_space<vmem>>
    %dma_start3A_529 = tpu.memref_squeeze %dma_start3A_528 : memref<1x112x128xf32, #tpu.memory_space<vmem>> -> memref<112x128xf32, #tpu.memory_space<vmem>>
    %dma_start3A_530 = arith.constant 0 : i32
    %dma_start3A_531 = arith.constant 0 : i32
    %dma_start3A_532 = tpu.memref_slice %arg4[%add3A_524, %dma_start3A_530, %dma_start3A_531] : memref<2048x112x128xf32, #tpu.memory_space<hbm>> -> memref<1x112x128xf32, #tpu.memory_space<hbm>>
    %dma_start3A_533 = tpu.memref_squeeze %dma_start3A_532 : memref<1x112x128xf32, #tpu.memory_space<hbm>> -> memref<112x128xf32, #tpu.memory_space<hbm>>
    %dma_start3A_534 = arith.constant 0 : i32
    %dma_start3A_535 = arith.constant 0 : i32
    %dma_start3A_536 = tpu.memref_slice %arg4[%add3A_524, %dma_start3A_534, %dma_start3A_535] : memref<2048x112x128xf32, #tpu.memory_space<hbm>> -> memref<1x112x128xf32, #tpu.memory_space<hbm>>
    %dma_start3A_537 = tpu.memref_squeeze %dma_start3A_536 : memref<1x112x128xf32, #tpu.memory_space<hbm>> -> memref<112x128xf32, #tpu.memory_space<hbm>>
    %dma_start3A_538 = arith.constant 0 : i32
    %dma_start3A_539 = arith.constant 0 : i32
    %dma_start3A_540 = tpu.memref_slice %arg6[%dma_start3A_525, %dma_start3A_538, %dma_start3A_539] : memref<8x112x128xf32, #tpu.memory_space<vmem>> -> memref<1x112x128xf32, #tpu.memory_space<vmem>>
    %dma_start3A_541 = tpu.memref_squeeze %dma_start3A_540 : memref<1x112x128xf32, #tpu.memory_space<vmem>> -> memref<112x128xf32, #tpu.memory_space<vmem>>
    tpu.enqueue_dma source(%dma_start3A_541 : memref<112x128xf32, #tpu.memory_space<vmem>>) target(%dma_start3A_537 : memref<112x128xf32, #tpu.memory_space<hbm>>) target_semaphore(%arg22 : memref<!tpu.dma_semaphore, #tpu.memory_space<semaphore_mem>>)
    %add3A_542 = arith.constant 5 : i32
    %add3A_543 = arith.addi %mul3A_2, %add3A_542 : i32
    %dma_wait3A_544 = arith.constant 5 : i32
    %dma_wait3A_545 = arith.constant 0 : i32
    %dma_wait3A_546 = arith.constant 0 : i32
    %dma_wait3A_547 = tpu.memref_slice %arg6[%dma_wait3A_544, %dma_wait3A_545, %dma_wait3A_546] : memref<8x112x128xf32, #tpu.memory_space<vmem>> -> memref<1x112x128xf32, #tpu.memory_space<vmem>>
    %dma_wait3A_548 = tpu.memref_squeeze %dma_wait3A_547 : memref<1x112x128xf32, #tpu.memory_space<vmem>> -> memref<112x128xf32, #tpu.memory_space<vmem>>
    %dma_wait3A_549 = arith.constant 0 : i32
    %dma_wait3A_550 = arith.constant 0 : i32
    %dma_wait3A_551 = tpu.memref_slice %arg4[%add3A_543, %dma_wait3A_549, %dma_wait3A_550] : memref<2048x112x128xf32, #tpu.memory_space<hbm>> -> memref<1x112x128xf32, #tpu.memory_space<hbm>>
    %dma_wait3A_552 = tpu.memref_squeeze %dma_wait3A_551 : memref<1x112x128xf32, #tpu.memory_space<hbm>> -> memref<112x128xf32, #tpu.memory_space<hbm>>
    %dma_wait3A_553 = arith.constant 0 : i32
    %dma_wait3A_554 = arith.constant 0 : i32
    %dma_wait3A_555 = tpu.memref_slice %arg4[%add3A_543, %dma_wait3A_553, %dma_wait3A_554] : memref<2048x112x128xf32, #tpu.memory_space<hbm>> -> memref<1x112x128xf32, #tpu.memory_space<hbm>>
    %dma_wait3A_556 = tpu.memref_squeeze %dma_wait3A_555 : memref<1x112x128xf32, #tpu.memory_space<hbm>> -> memref<112x128xf32, #tpu.memory_space<hbm>>
    %dma_wait3A_557 = arith.constant 0 : i32
    %dma_wait3A_558 = arith.constant 0 : i32
    %dma_wait3A_559 = tpu.memref_slice %arg6[%dma_wait3A_544, %dma_wait3A_557, %dma_wait3A_558] : memref<8x112x128xf32, #tpu.memory_space<vmem>> -> memref<1x112x128xf32, #tpu.memory_space<vmem>>
    %dma_wait3A_560 = tpu.memref_squeeze %dma_wait3A_559 : memref<1x112x128xf32, #tpu.memory_space<vmem>> -> memref<112x128xf32, #tpu.memory_space<vmem>>
    tpu.wait_dma2 semaphore(%arg20 : memref<!tpu.dma_semaphore, #tpu.memory_space<semaphore_mem>>) src(%dma_wait3A_560 : memref<112x128xf32, #tpu.memory_space<vmem>>) dst(%dma_wait3A_556 : memref<112x128xf32, #tpu.memory_space<hbm>>)
    %dma_start3A_561 = arith.constant 13 : i32
    %dma_start3A_562 = arith.constant 5 : i32
    %dma_start3A_563 = arith.constant 0 : i32
    %dma_start3A_564 = arith.constant 0 : i32
    %dma_start3A_565 = tpu.memref_slice %arg6[%dma_start3A_562, %dma_start3A_563, %dma_start3A_564] : memref<8x112x128xf32, #tpu.memory_space<vmem>> -> memref<1x112x128xf32, #tpu.memory_space<vmem>>
    %dma_start3A_566 = tpu.memref_squeeze %dma_start3A_565 : memref<1x112x128xf32, #tpu.memory_space<vmem>> -> memref<112x128xf32, #tpu.memory_space<vmem>>
    %dma_start3A_567 = arith.constant 0 : i32
    %dma_start3A_568 = tpu.memref_slice %arg5[%dma_start3A_561, %dma_start3A_567] : memref<64x128xi32, #tpu.memory_space<vmem>> -> memref<1x128xi32, #tpu.memory_space<vmem>>
    %dma_start3A_569 = tpu.memref_squeeze %dma_start3A_568 : memref<1x128xi32, #tpu.memory_space<vmem>> -> memref<128xi32, #tpu.memory_space<vmem>>
    %dma_start3A_570 = arith.constant 0 : i32
    %dma_start3A_571 = tpu.memref_slice %dma_start3A_569[%dma_start3A_570] : memref<128xi32, #tpu.memory_space<vmem>> -> memref<112xi32, #tpu.memory_space<vmem>>
    %dma_start3A_572 = arith.constant 0 : i32
    %dma_start3A_573 = arith.constant 0 : i32
    %dma_start3A_574 = tpu.memref_slice %arg2[%dma_start3A_572, %dma_start3A_573] : memref<100000x128xf32, #tpu.memory_space<hbm>> -> memref<100000x128xf32, #tpu.memory_space<hbm>>
    tpu.enqueue_indirect_dma source(%dma_start3A_574 : memref<100000x128xf32, #tpu.memory_space<hbm>>) target(%dma_start3A_566 : memref<112x128xf32, #tpu.memory_space<vmem>>) offsets(%dma_start3A_571 : memref<112xi32, #tpu.memory_space<vmem>>) semaphore(%arg12 : memref<!tpu.dma_semaphore, #tpu.memory_space<semaphore_mem>>)
    %scan3A = arith.constant 0 : i32
    %scan3A_575 = arith.constant 1 : i32
    %scan3A_576 = arith.constant 6 : i32
    %scan3A_577 = arith.addi %scan3A_575, %scan3A_576 : i32
    %scan3A_578 = arith.constant 1 : i32
    scf.for %scan3A_1062 = %scan3A_575 to %scan3A_577 step %scan3A_578  : i32 {
      %mul3A_1063 = arith.constant 8 : i32
      %mul3A_1064 = arith.muli %scan3A_1062, %mul3A_1063 : i32
      %add3A_1065 = arith.constant 0 : i32
      %add3A_1066 = arith.addi %mul3A_1064, %add3A_1065 : i32
      %add3A_1067 = arith.constant 6 : i32
      %add3A_1068 = arith.addi %add3A_1066, %add3A_1067 : i32
      %dma_wait3A_1069 = arith.constant 0 : i32
      %dma_wait3A_1070 = arith.constant 0 : i32
      %dma_wait3A_1071 = arith.constant 0 : i32
      %dma_wait3A_1072 = tpu.memref_slice %arg6[%dma_wait3A_1069, %dma_wait3A_1070, %dma_wait3A_1071] : memref<8x112x128xf32, #tpu.memory_space<vmem>> -> memref<1x112x128xf32, #tpu.memory_space<vmem>>
      %dma_wait3A_1073 = tpu.memref_squeeze %dma_wait3A_1072 : memref<1x112x128xf32, #tpu.memory_space<vmem>> -> memref<112x128xf32, #tpu.memory_space<vmem>>
      %dma_wait3A_1074 = arith.constant 0 : i32
      %dma_wait3A_1075 = tpu.memref_slice %arg5[%add3A_1066, %dma_wait3A_1074] : memref<64x128xi32, #tpu.memory_space<vmem>> -> memref<1x128xi32, #tpu.memory_space<vmem>>
      %dma_wait3A_1076 = tpu.memref_squeeze %dma_wait3A_1075 : memref<1x128xi32, #tpu.memory_space<vmem>> -> memref<128xi32, #tpu.memory_space<vmem>>
      %dma_wait3A_1077 = arith.constant 0 : i32
      %dma_wait3A_1078 = tpu.memref_slice %dma_wait3A_1076[%dma_wait3A_1077] : memref<128xi32, #tpu.memory_space<vmem>> -> memref<112xi32, #tpu.memory_space<vmem>>
      %dma_wait3A_1079 = arith.constant 0 : i32
      %dma_wait3A_1080 = arith.constant 0 : i32
      %dma_wait3A_1081 = tpu.memref_slice %arg2[%dma_wait3A_1079, %dma_wait3A_1080] : memref<100000x128xf32, #tpu.memory_space<hbm>> -> memref<100000x128xf32, #tpu.memory_space<hbm>>
      tpu.wait_indirect_dma semaphore(%arg7 : memref<!tpu.dma_semaphore, #tpu.memory_space<semaphore_mem>>) src(%dma_wait3A_1081 : memref<100000x128xf32, #tpu.memory_space<hbm>>) dst(%dma_wait3A_1073 : memref<112x128xf32, #tpu.memory_space<vmem>>)
      %add3A_1082 = arith.addi %mul3A_2, %add3A_1066 : i32
      %dma_start3A_1083 = arith.constant 0 : i32
      %dma_start3A_1084 = arith.constant 0 : i32
      %dma_start3A_1085 = arith.constant 0 : i32
      %dma_start3A_1086 = tpu.memref_slice %arg6[%dma_start3A_1083, %dma_start3A_1084, %dma_start3A_1085] : memref<8x112x128xf32, #tpu.memory_space<vmem>> -> memref<1x112x128xf32, #tpu.memory_space<vmem>>
      %dma_start3A_1087 = tpu.memref_squeeze %dma_start3A_1086 : memref<1x112x128xf32, #tpu.memory_space<vmem>> -> memref<112x128xf32, #tpu.memory_space<vmem>>
      %dma_start3A_1088 = arith.constant 0 : i32
      %dma_start3A_1089 = arith.constant 0 : i32
      %dma_start3A_1090 = tpu.memref_slice %arg4[%add3A_1082, %dma_start3A_1088, %dma_start3A_1089] : memref<2048x112x128xf32, #tpu.memory_space<hbm>> -> memref<1x112x128xf32, #tpu.memory_space<hbm>>
      %dma_start3A_1091 = tpu.memref_squeeze %dma_start3A_1090 : memref<1x112x128xf32, #tpu.memory_space<hbm>> -> memref<112x128xf32, #tpu.memory_space<hbm>>
      %dma_start3A_1092 = arith.constant 0 : i32
      %dma_start3A_1093 = arith.constant 0 : i32
      %dma_start3A_1094 = tpu.memref_slice %arg4[%add3A_1082, %dma_start3A_1092, %dma_start3A_1093] : memref<2048x112x128xf32, #tpu.memory_space<hbm>> -> memref<1x112x128xf32, #tpu.memory_space<hbm>>
      %dma_start3A_1095 = tpu.memref_squeeze %dma_start3A_1094 : memref<1x112x128xf32, #tpu.memory_space<hbm>> -> memref<112x128xf32, #tpu.memory_space<hbm>>
      %dma_start3A_1096 = arith.constant 0 : i32
      %dma_start3A_1097 = arith.constant 0 : i32
      %dma_start3A_1098 = tpu.memref_slice %arg6[%dma_start3A_1083, %dma_start3A_1096, %dma_start3A_1097] : memref<8x112x128xf32, #tpu.memory_space<vmem>> -> memref<1x112x128xf32, #tpu.memory_space<vmem>>
      %dma_start3A_1099 = tpu.memref_squeeze %dma_start3A_1098 : memref<1x112x128xf32, #tpu.memory_space<vmem>> -> memref<112x128xf32, #tpu.memory_space<vmem>>
      tpu.enqueue_dma source(%dma_start3A_1099 : memref<112x128xf32, #tpu.memory_space<vmem>>) target(%dma_start3A_1095 : memref<112x128xf32, #tpu.memory_space<hbm>>) target_semaphore(%arg15 : memref<!tpu.dma_semaphore, #tpu.memory_space<semaphore_mem>>)
      %sub3A = arith.constant 8 : i32
      %sub3A_1100 = arith.subi %add3A_1068, %sub3A : i32
      %add3A_1101 = arith.addi %mul3A_2, %sub3A_1100 : i32
      %dma_wait3A_1102 = arith.constant 6 : i32
      %dma_wait3A_1103 = arith.constant 0 : i32
      %dma_wait3A_1104 = arith.constant 0 : i32
      %dma_wait3A_1105 = tpu.memref_slice %arg6[%dma_wait3A_1102, %dma_wait3A_1103, %dma_wait3A_1104] : memref<8x112x128xf32, #tpu.memory_space<vmem>> -> memref<1x112x128xf32, #tpu.memory_space<vmem>>
      %dma_wait3A_1106 = tpu.memref_squeeze %dma_wait3A_1105 : memref<1x112x128xf32, #tpu.memory_space<vmem>> -> memref<112x128xf32, #tpu.memory_space<vmem>>
      %dma_wait3A_1107 = arith.constant 0 : i32
      %dma_wait3A_1108 = arith.constant 0 : i32
      %dma_wait3A_1109 = tpu.memref_slice %arg4[%add3A_1101, %dma_wait3A_1107, %dma_wait3A_1108] : memref<2048x112x128xf32, #tpu.memory_space<hbm>> -> memref<1x112x128xf32, #tpu.memory_space<hbm>>
      %dma_wait3A_1110 = tpu.memref_squeeze %dma_wait3A_1109 : memref<1x112x128xf32, #tpu.memory_space<hbm>> -> memref<112x128xf32, #tpu.memory_space<hbm>>
      %dma_wait3A_1111 = arith.constant 0 : i32
      %dma_wait3A_1112 = arith.constant 0 : i32
      %dma_wait3A_1113 = tpu.memref_slice %arg4[%add3A_1101, %dma_wait3A_1111, %dma_wait3A_1112] : memref<2048x112x128xf32, #tpu.memory_space<hbm>> -> memref<1x112x128xf32, #tpu.memory_space<hbm>>
      %dma_wait3A_1114 = tpu.memref_squeeze %dma_wait3A_1113 : memref<1x112x128xf32, #tpu.memory_space<hbm>> -> memref<112x128xf32, #tpu.memory_space<hbm>>
      %dma_wait3A_1115 = arith.constant 0 : i32
      %dma_wait3A_1116 = arith.constant 0 : i32
      %dma_wait3A_1117 = tpu.memref_slice %arg6[%dma_wait3A_1102, %dma_wait3A_1115, %dma_wait3A_1116] : memref<8x112x128xf32, #tpu.memory_space<vmem>> -> memref<1x112x128xf32, #tpu.memory_space<vmem>>
      %dma_wait3A_1118 = tpu.memref_squeeze %dma_wait3A_1117 : memref<1x112x128xf32, #tpu.memory_space<vmem>> -> memref<112x128xf32, #tpu.memory_space<vmem>>
      tpu.wait_dma2 semaphore(%arg21 : memref<!tpu.dma_semaphore, #tpu.memory_space<semaphore_mem>>) src(%dma_wait3A_1118 : memref<112x128xf32, #tpu.memory_space<vmem>>) dst(%dma_wait3A_1114 : memref<112x128xf32, #tpu.memory_space<hbm>>)
      %dma_start3A_1119 = arith.constant 6 : i32
      %dma_start3A_1120 = arith.constant 0 : i32
      %dma_start3A_1121 = arith.constant 0 : i32
      %dma_start3A_1122 = tpu.memref_slice %arg6[%dma_start3A_1119, %dma_start3A_1120, %dma_start3A_1121] : memref<8x112x128xf32, #tpu.memory_space<vmem>> -> memref<1x112x128xf32, #tpu.memory_space<vmem>>
      %dma_start3A_1123 = tpu.memref_squeeze %dma_start3A_1122 : memref<1x112x128xf32, #tpu.memory_space<vmem>> -> memref<112x128xf32, #tpu.memory_space<vmem>>
      %dma_start3A_1124 = arith.constant 0 : i32
      %dma_start3A_1125 = tpu.memref_slice %arg5[%add3A_1068, %dma_start3A_1124] : memref<64x128xi32, #tpu.memory_space<vmem>> -> memref<1x128xi32, #tpu.memory_space<vmem>>
      %dma_start3A_1126 = tpu.memref_squeeze %dma_start3A_1125 : memref<1x128xi32, #tpu.memory_space<vmem>> -> memref<128xi32, #tpu.memory_space<vmem>>
      %dma_start3A_1127 = arith.constant 0 : i32
      %dma_start3A_1128 = tpu.memref_slice %dma_start3A_1126[%dma_start3A_1127] : memref<128xi32, #tpu.memory_space<vmem>> -> memref<112xi32, #tpu.memory_space<vmem>>
      %dma_start3A_1129 = arith.constant 0 : i32
      %dma_start3A_1130 = arith.constant 0 : i32
      %dma_start3A_1131 = tpu.memref_slice %arg2[%dma_start3A_1129, %dma_start3A_1130] : memref<100000x128xf32, #tpu.memory_space<hbm>> -> memref<100000x128xf32, #tpu.memory_space<hbm>>
      tpu.enqueue_indirect_dma source(%dma_start3A_1131 : memref<100000x128xf32, #tpu.memory_space<hbm>>) target(%dma_start3A_1123 : memref<112x128xf32, #tpu.memory_space<vmem>>) offsets(%dma_start3A_1128 : memref<112xi32, #tpu.memory_space<vmem>>) semaphore(%arg13 : memref<!tpu.dma_semaphore, #tpu.memory_space<semaphore_mem>>)
      %mul3A_1132 = arith.constant 8 : i32
      %mul3A_1133 = arith.muli %scan3A_1062, %mul3A_1132 : i32
      %add3A_1134 = arith.constant 1 : i32
      %add3A_1135 = arith.addi %mul3A_1133, %add3A_1134 : i32
      %add3A_1136 = arith.constant 6 : i32
      %add3A_1137 = arith.addi %add3A_1135, %add3A_1136 : i32
      %dma_wait3A_1138 = arith.constant 1 : i32
      %dma_wait3A_1139 = arith.constant 0 : i32
      %dma_wait3A_1140 = arith.constant 0 : i32
      %dma_wait3A_1141 = tpu.memref_slice %arg6[%dma_wait3A_1138, %dma_wait3A_1139, %dma_wait3A_1140] : memref<8x112x128xf32, #tpu.memory_space<vmem>> -> memref<1x112x128xf32, #tpu.memory_space<vmem>>
      %dma_wait3A_1142 = tpu.memref_squeeze %dma_wait3A_1141 : memref<1x112x128xf32, #tpu.memory_space<vmem>> -> memref<112x128xf32, #tpu.memory_space<vmem>>
      %dma_wait3A_1143 = arith.constant 0 : i32
      %dma_wait3A_1144 = tpu.memref_slice %arg5[%add3A_1135, %dma_wait3A_1143] : memref<64x128xi32, #tpu.memory_space<vmem>> -> memref<1x128xi32, #tpu.memory_space<vmem>>
      %dma_wait3A_1145 = tpu.memref_squeeze %dma_wait3A_1144 : memref<1x128xi32, #tpu.memory_space<vmem>> -> memref<128xi32, #tpu.memory_space<vmem>>
      %dma_wait3A_1146 = arith.constant 0 : i32
      %dma_wait3A_1147 = tpu.memref_slice %dma_wait3A_1145[%dma_wait3A_1146] : memref<128xi32, #tpu.memory_space<vmem>> -> memref<112xi32, #tpu.memory_space<vmem>>
      %dma_wait3A_1148 = arith.constant 0 : i32
      %dma_wait3A_1149 = arith.constant 0 : i32
      %dma_wait3A_1150 = tpu.memref_slice %arg2[%dma_wait3A_1148, %dma_wait3A_1149] : memref<100000x128xf32, #tpu.memory_space<hbm>> -> memref<100000x128xf32, #tpu.memory_space<hbm>>
      tpu.wait_indirect_dma semaphore(%arg8 : memref<!tpu.dma_semaphore, #tpu.memory_space<semaphore_mem>>) src(%dma_wait3A_1150 : memref<100000x128xf32, #tpu.memory_space<hbm>>) dst(%dma_wait3A_1142 : memref<112x128xf32, #tpu.memory_space<vmem>>)
      %add3A_1151 = arith.addi %mul3A_2, %add3A_1135 : i32
      %dma_start3A_1152 = arith.constant 1 : i32
      %dma_start3A_1153 = arith.constant 0 : i32
      %dma_start3A_1154 = arith.constant 0 : i32
      %dma_start3A_1155 = tpu.memref_slice %arg6[%dma_start3A_1152, %dma_start3A_1153, %dma_start3A_1154] : memref<8x112x128xf32, #tpu.memory_space<vmem>> -> memref<1x112x128xf32, #tpu.memory_space<vmem>>
      %dma_start3A_1156 = tpu.memref_squeeze %dma_start3A_1155 : memref<1x112x128xf32, #tpu.memory_space<vmem>> -> memref<112x128xf32, #tpu.memory_space<vmem>>
      %dma_start3A_1157 = arith.constant 0 : i32
      %dma_start3A_1158 = arith.constant 0 : i32
      %dma_start3A_1159 = tpu.memref_slice %arg4[%add3A_1151, %dma_start3A_1157, %dma_start3A_1158] : memref<2048x112x128xf32, #tpu.memory_space<hbm>> -> memref<1x112x128xf32, #tpu.memory_space<hbm>>
      %dma_start3A_1160 = tpu.memref_squeeze %dma_start3A_1159 : memref<1x112x128xf32, #tpu.memory_space<hbm>> -> memref<112x128xf32, #tpu.memory_space<hbm>>
      %dma_start3A_1161 = arith.constant 0 : i32
      %dma_start3A_1162 = arith.constant 0 : i32
      %dma_start3A_1163 = tpu.memref_slice %arg4[%add3A_1151, %dma_start3A_1161, %dma_start3A_1162] : memref<2048x112x128xf32, #tpu.memory_space<hbm>> -> memref<1x112x128xf32, #tpu.memory_space<hbm>>
      %dma_start3A_1164 = tpu.memref_squeeze %dma_start3A_1163 : memref<1x112x128xf32, #tpu.memory_space<hbm>> -> memref<112x128xf32, #tpu.memory_space<hbm>>
      %dma_start3A_1165 = arith.constant 0 : i32
      %dma_start3A_1166 = arith.constant 0 : i32
      %dma_start3A_1167 = tpu.memref_slice %arg6[%dma_start3A_1152, %dma_start3A_1165, %dma_start3A_1166] : memref<8x112x128xf32, #tpu.memory_space<vmem>> -> memref<1x112x128xf32, #tpu.memory_space<vmem>>
      %dma_start3A_1168 = tpu.memref_squeeze %dma_start3A_1167 : memref<1x112x128xf32, #tpu.memory_space<vmem>> -> memref<112x128xf32, #tpu.memory_space<vmem>>
      tpu.enqueue_dma source(%dma_start3A_1168 : memref<112x128xf32, #tpu.memory_space<vmem>>) target(%dma_start3A_1164 : memref<112x128xf32, #tpu.memory_space<hbm>>) target_semaphore(%arg16 : memref<!tpu.dma_semaphore, #tpu.memory_space<semaphore_mem>>)
      %sub3A_1169 = arith.constant 8 : i32
      %sub3A_1170 = arith.subi %add3A_1137, %sub3A_1169 : i32
      %add3A_1171 = arith.addi %mul3A_2, %sub3A_1170 : i32
      %dma_wait3A_1172 = arith.constant 7 : i32
      %dma_wait3A_1173 = arith.constant 0 : i32
      %dma_wait3A_1174 = arith.constant 0 : i32
      %dma_wait3A_1175 = tpu.memref_slice %arg6[%dma_wait3A_1172, %dma_wait3A_1173, %dma_wait3A_1174] : memref<8x112x128xf32, #tpu.memory_space<vmem>> -> memref<1x112x128xf32, #tpu.memory_space<vmem>>
      %dma_wait3A_1176 = tpu.memref_squeeze %dma_wait3A_1175 : memref<1x112x128xf32, #tpu.memory_space<vmem>> -> memref<112x128xf32, #tpu.memory_space<vmem>>
      %dma_wait3A_1177 = arith.constant 0 : i32
      %dma_wait3A_1178 = arith.constant 0 : i32
      %dma_wait3A_1179 = tpu.memref_slice %arg4[%add3A_1171, %dma_wait3A_1177, %dma_wait3A_1178] : memref<2048x112x128xf32, #tpu.memory_space<hbm>> -> memref<1x112x128xf32, #tpu.memory_space<hbm>>
      %dma_wait3A_1180 = tpu.memref_squeeze %dma_wait3A_1179 : memref<1x112x128xf32, #tpu.memory_space<hbm>> -> memref<112x128xf32, #tpu.memory_space<hbm>>
      %dma_wait3A_1181 = arith.constant 0 : i32
      %dma_wait3A_1182 = arith.constant 0 : i32
      %dma_wait3A_1183 = tpu.memref_slice %arg4[%add3A_1171, %dma_wait3A_1181, %dma_wait3A_1182] : memref<2048x112x128xf32, #tpu.memory_space<hbm>> -> memref<1x112x128xf32, #tpu.memory_space<hbm>>
      %dma_wait3A_1184 = tpu.memref_squeeze %dma_wait3A_1183 : memref<1x112x128xf32, #tpu.memory_space<hbm>> -> memref<112x128xf32, #tpu.memory_space<hbm>>
      %dma_wait3A_1185 = arith.constant 0 : i32
      %dma_wait3A_1186 = arith.constant 0 : i32
      %dma_wait3A_1187 = tpu.memref_slice %arg6[%dma_wait3A_1172, %dma_wait3A_1185, %dma_wait3A_1186] : memref<8x112x128xf32, #tpu.memory_space<vmem>> -> memref<1x112x128xf32, #tpu.memory_space<vmem>>
      %dma_wait3A_1188 = tpu.memref_squeeze %dma_wait3A_1187 : memref<1x112x128xf32, #tpu.memory_space<vmem>> -> memref<112x128xf32, #tpu.memory_space<vmem>>
      tpu.wait_dma2 semaphore(%arg22 : memref<!tpu.dma_semaphore, #tpu.memory_space<semaphore_mem>>) src(%dma_wait3A_1188 : memref<112x128xf32, #tpu.memory_space<vmem>>) dst(%dma_wait3A_1184 : memref<112x128xf32, #tpu.memory_space<hbm>>)
      %dma_start3A_1189 = arith.constant 7 : i32
      %dma_start3A_1190 = arith.constant 0 : i32
      %dma_start3A_1191 = arith.constant 0 : i32
      %dma_start3A_1192 = tpu.memref_slice %arg6[%dma_start3A_1189, %dma_start3A_1190, %dma_start3A_1191] : memref<8x112x128xf32, #tpu.memory_space<vmem>> -> memref<1x112x128xf32, #tpu.memory_space<vmem>>
      %dma_start3A_1193 = tpu.memref_squeeze %dma_start3A_1192 : memref<1x112x128xf32, #tpu.memory_space<vmem>> -> memref<112x128xf32, #tpu.memory_space<vmem>>
      %dma_start3A_1194 = arith.constant 0 : i32
      %dma_start3A_1195 = tpu.memref_slice %arg5[%add3A_1137, %dma_start3A_1194] : memref<64x128xi32, #tpu.memory_space<vmem>> -> memref<1x128xi32, #tpu.memory_space<vmem>>
      %dma_start3A_1196 = tpu.memref_squeeze %dma_start3A_1195 : memref<1x128xi32, #tpu.memory_space<vmem>> -> memref<128xi32, #tpu.memory_space<vmem>>
      %dma_start3A_1197 = arith.constant 0 : i32
      %dma_start3A_1198 = tpu.memref_slice %dma_start3A_1196[%dma_start3A_1197] : memref<128xi32, #tpu.memory_space<vmem>> -> memref<112xi32, #tpu.memory_space<vmem>>
      %dma_start3A_1199 = arith.constant 0 : i32
      %dma_start3A_1200 = arith.constant 0 : i32
      %dma_start3A_1201 = tpu.memref_slice %arg2[%dma_start3A_1199, %dma_start3A_1200] : memref<100000x128xf32, #tpu.memory_space<hbm>> -> memref<100000x128xf32, #tpu.memory_space<hbm>>
      tpu.enqueue_indirect_dma source(%dma_start3A_1201 : memref<100000x128xf32, #tpu.memory_space<hbm>>) target(%dma_start3A_1193 : memref<112x128xf32, #tpu.memory_space<vmem>>) offsets(%dma_start3A_1198 : memref<112xi32, #tpu.memory_space<vmem>>) semaphore(%arg14 : memref<!tpu.dma_semaphore, #tpu.memory_space<semaphore_mem>>)
      %mul3A_1202 = arith.constant 8 : i32
      %mul3A_1203 = arith.muli %scan3A_1062, %mul3A_1202 : i32
      %add3A_1204 = arith.constant 2 : i32
      %add3A_1205 = arith.addi %mul3A_1203, %add3A_1204 : i32
      %add3A_1206 = arith.constant 6 : i32
      %add3A_1207 = arith.addi %add3A_1205, %add3A_1206 : i32
      %dma_wait3A_1208 = arith.constant 2 : i32
      %dma_wait3A_1209 = arith.constant 0 : i32
      %dma_wait3A_1210 = arith.constant 0 : i32
      %dma_wait3A_1211 = tpu.memref_slice %arg6[%dma_wait3A_1208, %dma_wait3A_1209, %dma_wait3A_1210] : memref<8x112x128xf32, #tpu.memory_space<vmem>> -> memref<1x112x128xf32, #tpu.memory_space<vmem>>
      %dma_wait3A_1212 = tpu.memref_squeeze %dma_wait3A_1211 : memref<1x112x128xf32, #tpu.memory_space<vmem>> -> memref<112x128xf32, #tpu.memory_space<vmem>>
      %dma_wait3A_1213 = arith.constant 0 : i32
      %dma_wait3A_1214 = tpu.memref_slice %arg5[%add3A_1205, %dma_wait3A_1213] : memref<64x128xi32, #tpu.memory_space<vmem>> -> memref<1x128xi32, #tpu.memory_space<vmem>>
      %dma_wait3A_1215 = tpu.memref_squeeze %dma_wait3A_1214 : memref<1x128xi32, #tpu.memory_space<vmem>> -> memref<128xi32, #tpu.memory_space<vmem>>
      %dma_wait3A_1216 = arith.constant 0 : i32
      %dma_wait3A_1217 = tpu.memref_slice %dma_wait3A_1215[%dma_wait3A_1216] : memref<128xi32, #tpu.memory_space<vmem>> -> memref<112xi32, #tpu.memory_space<vmem>>
      %dma_wait3A_1218 = arith.constant 0 : i32
      %dma_wait3A_1219 = arith.constant 0 : i32
      %dma_wait3A_1220 = tpu.memref_slice %arg2[%dma_wait3A_1218, %dma_wait3A_1219] : memref<100000x128xf32, #tpu.memory_space<hbm>> -> memref<100000x128xf32, #tpu.memory_space<hbm>>
      tpu.wait_indirect_dma semaphore(%arg9 : memref<!tpu.dma_semaphore, #tpu.memory_space<semaphore_mem>>) src(%dma_wait3A_1220 : memref<100000x128xf32, #tpu.memory_space<hbm>>) dst(%dma_wait3A_1212 : memref<112x128xf32, #tpu.memory_space<vmem>>)
      %add3A_1221 = arith.addi %mul3A_2, %add3A_1205 : i32
      %dma_start3A_1222 = arith.constant 2 : i32
      %dma_start3A_1223 = arith.constant 0 : i32
      %dma_start3A_1224 = arith.constant 0 : i32
      %dma_start3A_1225 = tpu.memref_slice %arg6[%dma_start3A_1222, %dma_start3A_1223, %dma_start3A_1224] : memref<8x112x128xf32, #tpu.memory_space<vmem>> -> memref<1x112x128xf32, #tpu.memory_space<vmem>>
      %dma_start3A_1226 = tpu.memref_squeeze %dma_start3A_1225 : memref<1x112x128xf32, #tpu.memory_space<vmem>> -> memref<112x128xf32, #tpu.memory_space<vmem>>
      %dma_start3A_1227 = arith.constant 0 : i32
      %dma_start3A_1228 = arith.constant 0 : i32
      %dma_start3A_1229 = tpu.memref_slice %arg4[%add3A_1221, %dma_start3A_1227, %dma_start3A_1228] : memref<2048x112x128xf32, #tpu.memory_space<hbm>> -> memref<1x112x128xf32, #tpu.memory_space<hbm>>
      %dma_start3A_1230 = tpu.memref_squeeze %dma_start3A_1229 : memref<1x112x128xf32, #tpu.memory_space<hbm>> -> memref<112x128xf32, #tpu.memory_space<hbm>>
      %dma_start3A_1231 = arith.constant 0 : i32
      %dma_start3A_1232 = arith.constant 0 : i32
      %dma_start3A_1233 = tpu.memref_slice %arg4[%add3A_1221, %dma_start3A_1231, %dma_start3A_1232] : memref<2048x112x128xf32, #tpu.memory_space<hbm>> -> memref<1x112x128xf32, #tpu.memory_space<hbm>>
      %dma_start3A_1234 = tpu.memref_squeeze %dma_start3A_1233 : memref<1x112x128xf32, #tpu.memory_space<hbm>> -> memref<112x128xf32, #tpu.memory_space<hbm>>
      %dma_start3A_1235 = arith.constant 0 : i32
      %dma_start3A_1236 = arith.constant 0 : i32
      %dma_start3A_1237 = tpu.memref_slice %arg6[%dma_start3A_1222, %dma_start3A_1235, %dma_start3A_1236] : memref<8x112x128xf32, #tpu.memory_space<vmem>> -> memref<1x112x128xf32, #tpu.memory_space<vmem>>
      %dma_start3A_1238 = tpu.memref_squeeze %dma_start3A_1237 : memref<1x112x128xf32, #tpu.memory_space<vmem>> -> memref<112x128xf32, #tpu.memory_space<vmem>>
      tpu.enqueue_dma source(%dma_start3A_1238 : memref<112x128xf32, #tpu.memory_space<vmem>>) target(%dma_start3A_1234 : memref<112x128xf32, #tpu.memory_space<hbm>>) target_semaphore(%arg17 : memref<!tpu.dma_semaphore, #tpu.memory_space<semaphore_mem>>)
      %sub3A_1239 = arith.constant 8 : i32
      %sub3A_1240 = arith.subi %add3A_1207, %sub3A_1239 : i32
      %add3A_1241 = arith.addi %mul3A_2, %sub3A_1240 : i32
      %dma_wait3A_1242 = arith.constant 0 : i32
      %dma_wait3A_1243 = arith.constant 0 : i32
      %dma_wait3A_1244 = arith.constant 0 : i32
      %dma_wait3A_1245 = tpu.memref_slice %arg6[%dma_wait3A_1242, %dma_wait3A_1243, %dma_wait3A_1244] : memref<8x112x128xf32, #tpu.memory_space<vmem>> -> memref<1x112x128xf32, #tpu.memory_space<vmem>>
      %dma_wait3A_1246 = tpu.memref_squeeze %dma_wait3A_1245 : memref<1x112x128xf32, #tpu.memory_space<vmem>> -> memref<112x128xf32, #tpu.memory_space<vmem>>
      %dma_wait3A_1247 = arith.constant 0 : i32
      %dma_wait3A_1248 = arith.constant 0 : i32
      %dma_wait3A_1249 = tpu.memref_slice %arg4[%add3A_1241, %dma_wait3A_1247, %dma_wait3A_1248] : memref<2048x112x128xf32, #tpu.memory_space<hbm>> -> memref<1x112x128xf32, #tpu.memory_space<hbm>>
      %dma_wait3A_1250 = tpu.memref_squeeze %dma_wait3A_1249 : memref<1x112x128xf32, #tpu.memory_space<hbm>> -> memref<112x128xf32, #tpu.memory_space<hbm>>
      %dma_wait3A_1251 = arith.constant 0 : i32
      %dma_wait3A_1252 = arith.constant 0 : i32
      %dma_wait3A_1253 = tpu.memref_slice %arg4[%add3A_1241, %dma_wait3A_1251, %dma_wait3A_1252] : memref<2048x112x128xf32, #tpu.memory_space<hbm>> -> memref<1x112x128xf32, #tpu.memory_space<hbm>>
      %dma_wait3A_1254 = tpu.memref_squeeze %dma_wait3A_1253 : memref<1x112x128xf32, #tpu.memory_space<hbm>> -> memref<112x128xf32, #tpu.memory_space<hbm>>
      %dma_wait3A_1255 = arith.constant 0 : i32
      %dma_wait3A_1256 = arith.constant 0 : i32
      %dma_wait3A_1257 = tpu.memref_slice %arg6[%dma_wait3A_1242, %dma_wait3A_1255, %dma_wait3A_1256] : memref<8x112x128xf32, #tpu.memory_space<vmem>> -> memref<1x112x128xf32, #tpu.memory_space<vmem>>
      %dma_wait3A_1258 = tpu.memref_squeeze %dma_wait3A_1257 : memref<1x112x128xf32, #tpu.memory_space<vmem>> -> memref<112x128xf32, #tpu.memory_space<vmem>>
      tpu.wait_dma2 semaphore(%arg15 : memref<!tpu.dma_semaphore, #tpu.memory_space<semaphore_mem>>) src(%dma_wait3A_1258 : memref<112x128xf32, #tpu.memory_space<vmem>>) dst(%dma_wait3A_1254 : memref<112x128xf32, #tpu.memory_space<hbm>>)
      %dma_start3A_1259 = arith.constant 0 : i32
      %dma_start3A_1260 = arith.constant 0 : i32
      %dma_start3A_1261 = arith.constant 0 : i32
      %dma_start3A_1262 = tpu.memref_slice %arg6[%dma_start3A_1259, %dma_start3A_1260, %dma_start3A_1261] : memref<8x112x128xf32, #tpu.memory_space<vmem>> -> memref<1x112x128xf32, #tpu.memory_space<vmem>>
      %dma_start3A_1263 = tpu.memref_squeeze %dma_start3A_1262 : memref<1x112x128xf32, #tpu.memory_space<vmem>> -> memref<112x128xf32, #tpu.memory_space<vmem>>
      %dma_start3A_1264 = arith.constant 0 : i32
      %dma_start3A_1265 = tpu.memref_slice %arg5[%add3A_1207, %dma_start3A_1264] : memref<64x128xi32, #tpu.memory_space<vmem>> -> memref<1x128xi32, #tpu.memory_space<vmem>>
      %dma_start3A_1266 = tpu.memref_squeeze %dma_start3A_1265 : memref<1x128xi32, #tpu.memory_space<vmem>> -> memref<128xi32, #tpu.memory_space<vmem>>
      %dma_start3A_1267 = arith.constant 0 : i32
      %dma_start3A_1268 = tpu.memref_slice %dma_start3A_1266[%dma_start3A_1267] : memref<128xi32, #tpu.memory_space<vmem>> -> memref<112xi32, #tpu.memory_space<vmem>>
      %dma_start3A_1269 = arith.constant 0 : i32
      %dma_start3A_1270 = arith.constant 0 : i32
      %dma_start3A_1271 = tpu.memref_slice %arg2[%dma_start3A_1269, %dma_start3A_1270] : memref<100000x128xf32, #tpu.memory_space<hbm>> -> memref<100000x128xf32, #tpu.memory_space<hbm>>
      tpu.enqueue_indirect_dma source(%dma_start3A_1271 : memref<100000x128xf32, #tpu.memory_space<hbm>>) target(%dma_start3A_1263 : memref<112x128xf32, #tpu.memory_space<vmem>>) offsets(%dma_start3A_1268 : memref<112xi32, #tpu.memory_space<vmem>>) semaphore(%arg7 : memref<!tpu.dma_semaphore, #tpu.memory_space<semaphore_mem>>)
      %mul3A_1272 = arith.constant 8 : i32
      %mul3A_1273 = arith.muli %scan3A_1062, %mul3A_1272 : i32
      %add3A_1274 = arith.constant 3 : i32
      %add3A_1275 = arith.addi %mul3A_1273, %add3A_1274 : i32
      %add3A_1276 = arith.constant 6 : i32
      %add3A_1277 = arith.addi %add3A_1275, %add3A_1276 : i32
      %dma_wait3A_1278 = arith.constant 3 : i32
      %dma_wait3A_1279 = arith.constant 0 : i32
      %dma_wait3A_1280 = arith.constant 0 : i32
      %dma_wait3A_1281 = tpu.memref_slice %arg6[%dma_wait3A_1278, %dma_wait3A_1279, %dma_wait3A_1280] : memref<8x112x128xf32, #tpu.memory_space<vmem>> -> memref<1x112x128xf32, #tpu.memory_space<vmem>>
      %dma_wait3A_1282 = tpu.memref_squeeze %dma_wait3A_1281 : memref<1x112x128xf32, #tpu.memory_space<vmem>> -> memref<112x128xf32, #tpu.memory_space<vmem>>
      %dma_wait3A_1283 = arith.constant 0 : i32
      %dma_wait3A_1284 = tpu.memref_slice %arg5[%add3A_1275, %dma_wait3A_1283] : memref<64x128xi32, #tpu.memory_space<vmem>> -> memref<1x128xi32, #tpu.memory_space<vmem>>
      %dma_wait3A_1285 = tpu.memref_squeeze %dma_wait3A_1284 : memref<1x128xi32, #tpu.memory_space<vmem>> -> memref<128xi32, #tpu.memory_space<vmem>>
      %dma_wait3A_1286 = arith.constant 0 : i32
      %dma_wait3A_1287 = tpu.memref_slice %dma_wait3A_1285[%dma_wait3A_1286] : memref<128xi32, #tpu.memory_space<vmem>> -> memref<112xi32, #tpu.memory_space<vmem>>
      %dma_wait3A_1288 = arith.constant 0 : i32
      %dma_wait3A_1289 = arith.constant 0 : i32
      %dma_wait3A_1290 = tpu.memref_slice %arg2[%dma_wait3A_1288, %dma_wait3A_1289] : memref<100000x128xf32, #tpu.memory_space<hbm>> -> memref<100000x128xf32, #tpu.memory_space<hbm>>
      tpu.wait_indirect_dma semaphore(%arg10 : memref<!tpu.dma_semaphore, #tpu.memory_space<semaphore_mem>>) src(%dma_wait3A_1290 : memref<100000x128xf32, #tpu.memory_space<hbm>>) dst(%dma_wait3A_1282 : memref<112x128xf32, #tpu.memory_space<vmem>>)
      %add3A_1291 = arith.addi %mul3A_2, %add3A_1275 : i32
      %dma_start3A_1292 = arith.constant 3 : i32
      %dma_start3A_1293 = arith.constant 0 : i32
      %dma_start3A_1294 = arith.constant 0 : i32
      %dma_start3A_1295 = tpu.memref_slice %arg6[%dma_start3A_1292, %dma_start3A_1293, %dma_start3A_1294] : memref<8x112x128xf32, #tpu.memory_space<vmem>> -> memref<1x112x128xf32, #tpu.memory_space<vmem>>
      %dma_start3A_1296 = tpu.memref_squeeze %dma_start3A_1295 : memref<1x112x128xf32, #tpu.memory_space<vmem>> -> memref<112x128xf32, #tpu.memory_space<vmem>>
      %dma_start3A_1297 = arith.constant 0 : i32
      %dma_start3A_1298 = arith.constant 0 : i32
      %dma_start3A_1299 = tpu.memref_slice %arg4[%add3A_1291, %dma_start3A_1297, %dma_start3A_1298] : memref<2048x112x128xf32, #tpu.memory_space<hbm>> -> memref<1x112x128xf32, #tpu.memory_space<hbm>>
      %dma_start3A_1300 = tpu.memref_squeeze %dma_start3A_1299 : memref<1x112x128xf32, #tpu.memory_space<hbm>> -> memref<112x128xf32, #tpu.memory_space<hbm>>
      %dma_start3A_1301 = arith.constant 0 : i32
      %dma_start3A_1302 = arith.constant 0 : i32
      %dma_start3A_1303 = tpu.memref_slice %arg4[%add3A_1291, %dma_start3A_1301, %dma_start3A_1302] : memref<2048x112x128xf32, #tpu.memory_space<hbm>> -> memref<1x112x128xf32, #tpu.memory_space<hbm>>
      %dma_start3A_1304 = tpu.memref_squeeze %dma_start3A_1303 : memref<1x112x128xf32, #tpu.memory_space<hbm>> -> memref<112x128xf32, #tpu.memory_space<hbm>>
      %dma_start3A_1305 = arith.constant 0 : i32
      %dma_start3A_1306 = arith.constant 0 : i32
      %dma_start3A_1307 = tpu.memref_slice %arg6[%dma_start3A_1292, %dma_start3A_1305, %dma_start3A_1306] : memref<8x112x128xf32, #tpu.memory_space<vmem>> -> memref<1x112x128xf32, #tpu.memory_space<vmem>>
      %dma_start3A_1308 = tpu.memref_squeeze %dma_start3A_1307 : memref<1x112x128xf32, #tpu.memory_space<vmem>> -> memref<112x128xf32, #tpu.memory_space<vmem>>
      tpu.enqueue_dma source(%dma_start3A_1308 : memref<112x128xf32, #tpu.memory_space<vmem>>) target(%dma_start3A_1304 : memref<112x128xf32, #tpu.memory_space<hbm>>) target_semaphore(%arg18 : memref<!tpu.dma_semaphore, #tpu.memory_space<semaphore_mem>>)
      %sub3A_1309 = arith.constant 8 : i32
      %sub3A_1310 = arith.subi %add3A_1277, %sub3A_1309 : i32
      %add3A_1311 = arith.addi %mul3A_2, %sub3A_1310 : i32
      %dma_wait3A_1312 = arith.constant 1 : i32
      %dma_wait3A_1313 = arith.constant 0 : i32
      %dma_wait3A_1314 = arith.constant 0 : i32
      %dma_wait3A_1315 = tpu.memref_slice %arg6[%dma_wait3A_1312, %dma_wait3A_1313, %dma_wait3A_1314] : memref<8x112x128xf32, #tpu.memory_space<vmem>> -> memref<1x112x128xf32, #tpu.memory_space<vmem>>
      %dma_wait3A_1316 = tpu.memref_squeeze %dma_wait3A_1315 : memref<1x112x128xf32, #tpu.memory_space<vmem>> -> memref<112x128xf32, #tpu.memory_space<vmem>>
      %dma_wait3A_1317 = arith.constant 0 : i32
      %dma_wait3A_1318 = arith.constant 0 : i32
      %dma_wait3A_1319 = tpu.memref_slice %arg4[%add3A_1311, %dma_wait3A_1317, %dma_wait3A_1318] : memref<2048x112x128xf32, #tpu.memory_space<hbm>> -> memref<1x112x128xf32, #tpu.memory_space<hbm>>
      %dma_wait3A_1320 = tpu.memref_squeeze %dma_wait3A_1319 : memref<1x112x128xf32, #tpu.memory_space<hbm>> -> memref<112x128xf32, #tpu.memory_space<hbm>>
      %dma_wait3A_1321 = arith.constant 0 : i32
      %dma_wait3A_1322 = arith.constant 0 : i32
      %dma_wait3A_1323 = tpu.memref_slice %arg4[%add3A_1311, %dma_wait3A_1321, %dma_wait3A_1322] : memref<2048x112x128xf32, #tpu.memory_space<hbm>> -> memref<1x112x128xf32, #tpu.memory_space<hbm>>
      %dma_wait3A_1324 = tpu.memref_squeeze %dma_wait3A_1323 : memref<1x112x128xf32, #tpu.memory_space<hbm>> -> memref<112x128xf32, #tpu.memory_space<hbm>>
      %dma_wait3A_1325 = arith.constant 0 : i32
      %dma_wait3A_1326 = arith.constant 0 : i32
      %dma_wait3A_1327 = tpu.memref_slice %arg6[%dma_wait3A_1312, %dma_wait3A_1325, %dma_wait3A_1326] : memref<8x112x128xf32, #tpu.memory_space<vmem>> -> memref<1x112x128xf32, #tpu.memory_space<vmem>>
      %dma_wait3A_1328 = tpu.memref_squeeze %dma_wait3A_1327 : memref<1x112x128xf32, #tpu.memory_space<vmem>> -> memref<112x128xf32, #tpu.memory_space<vmem>>
      tpu.wait_dma2 semaphore(%arg16 : memref<!tpu.dma_semaphore, #tpu.memory_space<semaphore_mem>>) src(%dma_wait3A_1328 : memref<112x128xf32, #tpu.memory_space<vmem>>) dst(%dma_wait3A_1324 : memref<112x128xf32, #tpu.memory_space<hbm>>)
      %dma_start3A_1329 = arith.constant 1 : i32
      %dma_start3A_1330 = arith.constant 0 : i32
      %dma_start3A_1331 = arith.constant 0 : i32
      %dma_start3A_1332 = tpu.memref_slice %arg6[%dma_start3A_1329, %dma_start3A_1330, %dma_start3A_1331] : memref<8x112x128xf32, #tpu.memory_space<vmem>> -> memref<1x112x128xf32, #tpu.memory_space<vmem>>
      %dma_start3A_1333 = tpu.memref_squeeze %dma_start3A_1332 : memref<1x112x128xf32, #tpu.memory_space<vmem>> -> memref<112x128xf32, #tpu.memory_space<vmem>>
      %dma_start3A_1334 = arith.constant 0 : i32
      %dma_start3A_1335 = tpu.memref_slice %arg5[%add3A_1277, %dma_start3A_1334] : memref<64x128xi32, #tpu.memory_space<vmem>> -> memref<1x128xi32, #tpu.memory_space<vmem>>
      %dma_start3A_1336 = tpu.memref_squeeze %dma_start3A_1335 : memref<1x128xi32, #tpu.memory_space<vmem>> -> memref<128xi32, #tpu.memory_space<vmem>>
      %dma_start3A_1337 = arith.constant 0 : i32
      %dma_start3A_1338 = tpu.memref_slice %dma_start3A_1336[%dma_start3A_1337] : memref<128xi32, #tpu.memory_space<vmem>> -> memref<112xi32, #tpu.memory_space<vmem>>
      %dma_start3A_1339 = arith.constant 0 : i32
      %dma_start3A_1340 = arith.constant 0 : i32
      %dma_start3A_1341 = tpu.memref_slice %arg2[%dma_start3A_1339, %dma_start3A_1340] : memref<100000x128xf32, #tpu.memory_space<hbm>> -> memref<100000x128xf32, #tpu.memory_space<hbm>>
      tpu.enqueue_indirect_dma source(%dma_start3A_1341 : memref<100000x128xf32, #tpu.memory_space<hbm>>) target(%dma_start3A_1333 : memref<112x128xf32, #tpu.memory_space<vmem>>) offsets(%dma_start3A_1338 : memref<112xi32, #tpu.memory_space<vmem>>) semaphore(%arg8 : memref<!tpu.dma_semaphore, #tpu.memory_space<semaphore_mem>>)
      %mul3A_1342 = arith.constant 8 : i32
      %mul3A_1343 = arith.muli %scan3A_1062, %mul3A_1342 : i32
      %add3A_1344 = arith.constant 4 : i32
      %add3A_1345 = arith.addi %mul3A_1343, %add3A_1344 : i32
      %add3A_1346 = arith.constant 6 : i32
      %add3A_1347 = arith.addi %add3A_1345, %add3A_1346 : i32
      %dma_wait3A_1348 = arith.constant 4 : i32
      %dma_wait3A_1349 = arith.constant 0 : i32
      %dma_wait3A_1350 = arith.constant 0 : i32
      %dma_wait3A_1351 = tpu.memref_slice %arg6[%dma_wait3A_1348, %dma_wait3A_1349, %dma_wait3A_1350] : memref<8x112x128xf32, #tpu.memory_space<vmem>> -> memref<1x112x128xf32, #tpu.memory_space<vmem>>
      %dma_wait3A_1352 = tpu.memref_squeeze %dma_wait3A_1351 : memref<1x112x128xf32, #tpu.memory_space<vmem>> -> memref<112x128xf32, #tpu.memory_space<vmem>>
      %dma_wait3A_1353 = arith.constant 0 : i32
      %dma_wait3A_1354 = tpu.memref_slice %arg5[%add3A_1345, %dma_wait3A_1353] : memref<64x128xi32, #tpu.memory_space<vmem>> -> memref<1x128xi32, #tpu.memory_space<vmem>>
      %dma_wait3A_1355 = tpu.memref_squeeze %dma_wait3A_1354 : memref<1x128xi32, #tpu.memory_space<vmem>> -> memref<128xi32, #tpu.memory_space<vmem>>
      %dma_wait3A_1356 = arith.constant 0 : i32
      %dma_wait3A_1357 = tpu.memref_slice %dma_wait3A_1355[%dma_wait3A_1356] : memref<128xi32, #tpu.memory_space<vmem>> -> memref<112xi32, #tpu.memory_space<vmem>>
      %dma_wait3A_1358 = arith.constant 0 : i32
      %dma_wait3A_1359 = arith.constant 0 : i32
      %dma_wait3A_1360 = tpu.memref_slice %arg2[%dma_wait3A_1358, %dma_wait3A_1359] : memref<100000x128xf32, #tpu.memory_space<hbm>> -> memref<100000x128xf32, #tpu.memory_space<hbm>>
      tpu.wait_indirect_dma semaphore(%arg11 : memref<!tpu.dma_semaphore, #tpu.memory_space<semaphore_mem>>) src(%dma_wait3A_1360 : memref<100000x128xf32, #tpu.memory_space<hbm>>) dst(%dma_wait3A_1352 : memref<112x128xf32, #tpu.memory_space<vmem>>)
      %add3A_1361 = arith.addi %mul3A_2, %add3A_1345 : i32
      %dma_start3A_1362 = arith.constant 4 : i32
      %dma_start3A_1363 = arith.constant 0 : i32
      %dma_start3A_1364 = arith.constant 0 : i32
      %dma_start3A_1365 = tpu.memref_slice %arg6[%dma_start3A_1362, %dma_start3A_1363, %dma_start3A_1364] : memref<8x112x128xf32, #tpu.memory_space<vmem>> -> memref<1x112x128xf32, #tpu.memory_space<vmem>>
      %dma_start3A_1366 = tpu.memref_squeeze %dma_start3A_1365 : memref<1x112x128xf32, #tpu.memory_space<vmem>> -> memref<112x128xf32, #tpu.memory_space<vmem>>
      %dma_start3A_1367 = arith.constant 0 : i32
      %dma_start3A_1368 = arith.constant 0 : i32
      %dma_start3A_1369 = tpu.memref_slice %arg4[%add3A_1361, %dma_start3A_1367, %dma_start3A_1368] : memref<2048x112x128xf32, #tpu.memory_space<hbm>> -> memref<1x112x128xf32, #tpu.memory_space<hbm>>
      %dma_start3A_1370 = tpu.memref_squeeze %dma_start3A_1369 : memref<1x112x128xf32, #tpu.memory_space<hbm>> -> memref<112x128xf32, #tpu.memory_space<hbm>>
      %dma_start3A_1371 = arith.constant 0 : i32
      %dma_start3A_1372 = arith.constant 0 : i32
      %dma_start3A_1373 = tpu.memref_slice %arg4[%add3A_1361, %dma_start3A_1371, %dma_start3A_1372] : memref<2048x112x128xf32, #tpu.memory_space<hbm>> -> memref<1x112x128xf32, #tpu.memory_space<hbm>>
      %dma_start3A_1374 = tpu.memref_squeeze %dma_start3A_1373 : memref<1x112x128xf32, #tpu.memory_space<hbm>> -> memref<112x128xf32, #tpu.memory_space<hbm>>
      %dma_start3A_1375 = arith.constant 0 : i32
      %dma_start3A_1376 = arith.constant 0 : i32
      %dma_start3A_1377 = tpu.memref_slice %arg6[%dma_start3A_1362, %dma_start3A_1375, %dma_start3A_1376] : memref<8x112x128xf32, #tpu.memory_space<vmem>> -> memref<1x112x128xf32, #tpu.memory_space<vmem>>
      %dma_start3A_1378 = tpu.memref_squeeze %dma_start3A_1377 : memref<1x112x128xf32, #tpu.memory_space<vmem>> -> memref<112x128xf32, #tpu.memory_space<vmem>>
      tpu.enqueue_dma source(%dma_start3A_1378 : memref<112x128xf32, #tpu.memory_space<vmem>>) target(%dma_start3A_1374 : memref<112x128xf32, #tpu.memory_space<hbm>>) target_semaphore(%arg19 : memref<!tpu.dma_semaphore, #tpu.memory_space<semaphore_mem>>)
      %sub3A_1379 = arith.constant 8 : i32
      %sub3A_1380 = arith.subi %add3A_1347, %sub3A_1379 : i32
      %add3A_1381 = arith.addi %mul3A_2, %sub3A_1380 : i32
      %dma_wait3A_1382 = arith.constant 2 : i32
      %dma_wait3A_1383 = arith.constant 0 : i32
      %dma_wait3A_1384 = arith.constant 0 : i32
      %dma_wait3A_1385 = tpu.memref_slice %arg6[%dma_wait3A_1382, %dma_wait3A_1383, %dma_wait3A_1384] : memref<8x112x128xf32, #tpu.memory_space<vmem>> -> memref<1x112x128xf32, #tpu.memory_space<vmem>>
      %dma_wait3A_1386 = tpu.memref_squeeze %dma_wait3A_1385 : memref<1x112x128xf32, #tpu.memory_space<vmem>> -> memref<112x128xf32, #tpu.memory_space<vmem>>
      %dma_wait3A_1387 = arith.constant 0 : i32
      %dma_wait3A_1388 = arith.constant 0 : i32
      %dma_wait3A_1389 = tpu.memref_slice %arg4[%add3A_1381, %dma_wait3A_1387, %dma_wait3A_1388] : memref<2048x112x128xf32, #tpu.memory_space<hbm>> -> memref<1x112x128xf32, #tpu.memory_space<hbm>>
      %dma_wait3A_1390 = tpu.memref_squeeze %dma_wait3A_1389 : memref<1x112x128xf32, #tpu.memory_space<hbm>> -> memref<112x128xf32, #tpu.memory_space<hbm>>
      %dma_wait3A_1391 = arith.constant 0 : i32
      %dma_wait3A_1392 = arith.constant 0 : i32
      %dma_wait3A_1393 = tpu.memref_slice %arg4[%add3A_1381, %dma_wait3A_1391, %dma_wait3A_1392] : memref<2048x112x128xf32, #tpu.memory_space<hbm>> -> memref<1x112x128xf32, #tpu.memory_space<hbm>>
      %dma_wait3A_1394 = tpu.memref_squeeze %dma_wait3A_1393 : memref<1x112x128xf32, #tpu.memory_space<hbm>> -> memref<112x128xf32, #tpu.memory_space<hbm>>
      %dma_wait3A_1395 = arith.constant 0 : i32
      %dma_wait3A_1396 = arith.constant 0 : i32
      %dma_wait3A_1397 = tpu.memref_slice %arg6[%dma_wait3A_1382, %dma_wait3A_1395, %dma_wait3A_1396] : memref<8x112x128xf32, #tpu.memory_space<vmem>> -> memref<1x112x128xf32, #tpu.memory_space<vmem>>
      %dma_wait3A_1398 = tpu.memref_squeeze %dma_wait3A_1397 : memref<1x112x128xf32, #tpu.memory_space<vmem>> -> memref<112x128xf32, #tpu.memory_space<vmem>>
      tpu.wait_dma2 semaphore(%arg17 : memref<!tpu.dma_semaphore, #tpu.memory_space<semaphore_mem>>) src(%dma_wait3A_1398 : memref<112x128xf32, #tpu.memory_space<vmem>>) dst(%dma_wait3A_1394 : memref<112x128xf32, #tpu.memory_space<hbm>>)
      %dma_start3A_1399 = arith.constant 2 : i32
      %dma_start3A_1400 = arith.constant 0 : i32
      %dma_start3A_1401 = arith.constant 0 : i32
      %dma_start3A_1402 = tpu.memref_slice %arg6[%dma_start3A_1399, %dma_start3A_1400, %dma_start3A_1401] : memref<8x112x128xf32, #tpu.memory_space<vmem>> -> memref<1x112x128xf32, #tpu.memory_space<vmem>>
      %dma_start3A_1403 = tpu.memref_squeeze %dma_start3A_1402 : memref<1x112x128xf32, #tpu.memory_space<vmem>> -> memref<112x128xf32, #tpu.memory_space<vmem>>
      %dma_start3A_1404 = arith.constant 0 : i32
      %dma_start3A_1405 = tpu.memref_slice %arg5[%add3A_1347, %dma_start3A_1404] : memref<64x128xi32, #tpu.memory_space<vmem>> -> memref<1x128xi32, #tpu.memory_space<vmem>>
      %dma_start3A_1406 = tpu.memref_squeeze %dma_start3A_1405 : memref<1x128xi32, #tpu.memory_space<vmem>> -> memref<128xi32, #tpu.memory_space<vmem>>
      %dma_start3A_1407 = arith.constant 0 : i32
      %dma_start3A_1408 = tpu.memref_slice %dma_start3A_1406[%dma_start3A_1407] : memref<128xi32, #tpu.memory_space<vmem>> -> memref<112xi32, #tpu.memory_space<vmem>>
      %dma_start3A_1409 = arith.constant 0 : i32
      %dma_start3A_1410 = arith.constant 0 : i32
      %dma_start3A_1411 = tpu.memref_slice %arg2[%dma_start3A_1409, %dma_start3A_1410] : memref<100000x128xf32, #tpu.memory_space<hbm>> -> memref<100000x128xf32, #tpu.memory_space<hbm>>
      tpu.enqueue_indirect_dma source(%dma_start3A_1411 : memref<100000x128xf32, #tpu.memory_space<hbm>>) target(%dma_start3A_1403 : memref<112x128xf32, #tpu.memory_space<vmem>>) offsets(%dma_start3A_1408 : memref<112xi32, #tpu.memory_space<vmem>>) semaphore(%arg9 : memref<!tpu.dma_semaphore, #tpu.memory_space<semaphore_mem>>)
      %mul3A_1412 = arith.constant 8 : i32
      %mul3A_1413 = arith.muli %scan3A_1062, %mul3A_1412 : i32
      %add3A_1414 = arith.constant 5 : i32
      %add3A_1415 = arith.addi %mul3A_1413, %add3A_1414 : i32
      %add3A_1416 = arith.constant 6 : i32
      %add3A_1417 = arith.addi %add3A_1415, %add3A_1416 : i32
      %dma_wait3A_1418 = arith.constant 5 : i32
      %dma_wait3A_1419 = arith.constant 0 : i32
      %dma_wait3A_1420 = arith.constant 0 : i32
      %dma_wait3A_1421 = tpu.memref_slice %arg6[%dma_wait3A_1418, %dma_wait3A_1419, %dma_wait3A_1420] : memref<8x112x128xf32, #tpu.memory_space<vmem>> -> memref<1x112x128xf32, #tpu.memory_space<vmem>>
      %dma_wait3A_1422 = tpu.memref_squeeze %dma_wait3A_1421 : memref<1x112x128xf32, #tpu.memory_space<vmem>> -> memref<112x128xf32, #tpu.memory_space<vmem>>
      %dma_wait3A_1423 = arith.constant 0 : i32
      %dma_wait3A_1424 = tpu.memref_slice %arg5[%add3A_1415, %dma_wait3A_1423] : memref<64x128xi32, #tpu.memory_space<vmem>> -> memref<1x128xi32, #tpu.memory_space<vmem>>
      %dma_wait3A_1425 = tpu.memref_squeeze %dma_wait3A_1424 : memref<1x128xi32, #tpu.memory_space<vmem>> -> memref<128xi32, #tpu.memory_space<vmem>>
      %dma_wait3A_1426 = arith.constant 0 : i32
      %dma_wait3A_1427 = tpu.memref_slice %dma_wait3A_1425[%dma_wait3A_1426] : memref<128xi32, #tpu.memory_space<vmem>> -> memref<112xi32, #tpu.memory_space<vmem>>
      %dma_wait3A_1428 = arith.constant 0 : i32
      %dma_wait3A_1429 = arith.constant 0 : i32
      %dma_wait3A_1430 = tpu.memref_slice %arg2[%dma_wait3A_1428, %dma_wait3A_1429] : memref<100000x128xf32, #tpu.memory_space<hbm>> -> memref<100000x128xf32, #tpu.memory_space<hbm>>
      tpu.wait_indirect_dma semaphore(%arg12 : memref<!tpu.dma_semaphore, #tpu.memory_space<semaphore_mem>>) src(%dma_wait3A_1430 : memref<100000x128xf32, #tpu.memory_space<hbm>>) dst(%dma_wait3A_1422 : memref<112x128xf32, #tpu.memory_space<vmem>>)
      %add3A_1431 = arith.addi %mul3A_2, %add3A_1415 : i32
      %dma_start3A_1432 = arith.constant 5 : i32
      %dma_start3A_1433 = arith.constant 0 : i32
      %dma_start3A_1434 = arith.constant 0 : i32
      %dma_start3A_1435 = tpu.memref_slice %arg6[%dma_start3A_1432, %dma_start3A_1433, %dma_start3A_1434] : memref<8x112x128xf32, #tpu.memory_space<vmem>> -> memref<1x112x128xf32, #tpu.memory_space<vmem>>
      %dma_start3A_1436 = tpu.memref_squeeze %dma_start3A_1435 : memref<1x112x128xf32, #tpu.memory_space<vmem>> -> memref<112x128xf32, #tpu.memory_space<vmem>>
      %dma_start3A_1437 = arith.constant 0 : i32
      %dma_start3A_1438 = arith.constant 0 : i32
      %dma_start3A_1439 = tpu.memref_slice %arg4[%add3A_1431, %dma_start3A_1437, %dma_start3A_1438] : memref<2048x112x128xf32, #tpu.memory_space<hbm>> -> memref<1x112x128xf32, #tpu.memory_space<hbm>>
      %dma_start3A_1440 = tpu.memref_squeeze %dma_start3A_1439 : memref<1x112x128xf32, #tpu.memory_space<hbm>> -> memref<112x128xf32, #tpu.memory_space<hbm>>
      %dma_start3A_1441 = arith.constant 0 : i32
      %dma_start3A_1442 = arith.constant 0 : i32
      %dma_start3A_1443 = tpu.memref_slice %arg4[%add3A_1431, %dma_start3A_1441, %dma_start3A_1442] : memref<2048x112x128xf32, #tpu.memory_space<hbm>> -> memref<1x112x128xf32, #tpu.memory_space<hbm>>
      %dma_start3A_1444 = tpu.memref_squeeze %dma_start3A_1443 : memref<1x112x128xf32, #tpu.memory_space<hbm>> -> memref<112x128xf32, #tpu.memory_space<hbm>>
      %dma_start3A_1445 = arith.constant 0 : i32
      %dma_start3A_1446 = arith.constant 0 : i32
      %dma_start3A_1447 = tpu.memref_slice %arg6[%dma_start3A_1432, %dma_start3A_1445, %dma_start3A_1446] : memref<8x112x128xf32, #tpu.memory_space<vmem>> -> memref<1x112x128xf32, #tpu.memory_space<vmem>>
      %dma_start3A_1448 = tpu.memref_squeeze %dma_start3A_1447 : memref<1x112x128xf32, #tpu.memory_space<vmem>> -> memref<112x128xf32, #tpu.memory_space<vmem>>
      tpu.enqueue_dma source(%dma_start3A_1448 : memref<112x128xf32, #tpu.memory_space<vmem>>) target(%dma_start3A_1444 : memref<112x128xf32, #tpu.memory_space<hbm>>) target_semaphore(%arg20 : memref<!tpu.dma_semaphore, #tpu.memory_space<semaphore_mem>>)
      %sub3A_1449 = arith.constant 8 : i32
      %sub3A_1450 = arith.subi %add3A_1417, %sub3A_1449 : i32
      %add3A_1451 = arith.addi %mul3A_2, %sub3A_1450 : i32
      %dma_wait3A_1452 = arith.constant 3 : i32
      %dma_wait3A_1453 = arith.constant 0 : i32
      %dma_wait3A_1454 = arith.constant 0 : i32
      %dma_wait3A_1455 = tpu.memref_slice %arg6[%dma_wait3A_1452, %dma_wait3A_1453, %dma_wait3A_1454] : memref<8x112x128xf32, #tpu.memory_space<vmem>> -> memref<1x112x128xf32, #tpu.memory_space<vmem>>
      %dma_wait3A_1456 = tpu.memref_squeeze %dma_wait3A_1455 : memref<1x112x128xf32, #tpu.memory_space<vmem>> -> memref<112x128xf32, #tpu.memory_space<vmem>>
      %dma_wait3A_1457 = arith.constant 0 : i32
      %dma_wait3A_1458 = arith.constant 0 : i32
      %dma_wait3A_1459 = tpu.memref_slice %arg4[%add3A_1451, %dma_wait3A_1457, %dma_wait3A_1458] : memref<2048x112x128xf32, #tpu.memory_space<hbm>> -> memref<1x112x128xf32, #tpu.memory_space<hbm>>
      %dma_wait3A_1460 = tpu.memref_squeeze %dma_wait3A_1459 : memref<1x112x128xf32, #tpu.memory_space<hbm>> -> memref<112x128xf32, #tpu.memory_space<hbm>>
      %dma_wait3A_1461 = arith.constant 0 : i32
      %dma_wait3A_1462 = arith.constant 0 : i32
      %dma_wait3A_1463 = tpu.memref_slice %arg4[%add3A_1451, %dma_wait3A_1461, %dma_wait3A_1462] : memref<2048x112x128xf32, #tpu.memory_space<hbm>> -> memref<1x112x128xf32, #tpu.memory_space<hbm>>
      %dma_wait3A_1464 = tpu.memref_squeeze %dma_wait3A_1463 : memref<1x112x128xf32, #tpu.memory_space<hbm>> -> memref<112x128xf32, #tpu.memory_space<hbm>>
      %dma_wait3A_1465 = arith.constant 0 : i32
      %dma_wait3A_1466 = arith.constant 0 : i32
      %dma_wait3A_1467 = tpu.memref_slice %arg6[%dma_wait3A_1452, %dma_wait3A_1465, %dma_wait3A_1466] : memref<8x112x128xf32, #tpu.memory_space<vmem>> -> memref<1x112x128xf32, #tpu.memory_space<vmem>>
      %dma_wait3A_1468 = tpu.memref_squeeze %dma_wait3A_1467 : memref<1x112x128xf32, #tpu.memory_space<vmem>> -> memref<112x128xf32, #tpu.memory_space<vmem>>
      tpu.wait_dma2 semaphore(%arg18 : memref<!tpu.dma_semaphore, #tpu.memory_space<semaphore_mem>>) src(%dma_wait3A_1468 : memref<112x128xf32, #tpu.memory_space<vmem>>) dst(%dma_wait3A_1464 : memref<112x128xf32, #tpu.memory_space<hbm>>)
      %dma_start3A_1469 = arith.constant 3 : i32
      %dma_start3A_1470 = arith.constant 0 : i32
      %dma_start3A_1471 = arith.constant 0 : i32
      %dma_start3A_1472 = tpu.memref_slice %arg6[%dma_start3A_1469, %dma_start3A_1470, %dma_start3A_1471] : memref<8x112x128xf32, #tpu.memory_space<vmem>> -> memref<1x112x128xf32, #tpu.memory_space<vmem>>
      %dma_start3A_1473 = tpu.memref_squeeze %dma_start3A_1472 : memref<1x112x128xf32, #tpu.memory_space<vmem>> -> memref<112x128xf32, #tpu.memory_space<vmem>>
      %dma_start3A_1474 = arith.constant 0 : i32
      %dma_start3A_1475 = tpu.memref_slice %arg5[%add3A_1417, %dma_start3A_1474] : memref<64x128xi32, #tpu.memory_space<vmem>> -> memref<1x128xi32, #tpu.memory_space<vmem>>
      %dma_start3A_1476 = tpu.memref_squeeze %dma_start3A_1475 : memref<1x128xi32, #tpu.memory_space<vmem>> -> memref<128xi32, #tpu.memory_space<vmem>>
      %dma_start3A_1477 = arith.constant 0 : i32
      %dma_start3A_1478 = tpu.memref_slice %dma_start3A_1476[%dma_start3A_1477] : memref<128xi32, #tpu.memory_space<vmem>> -> memref<112xi32, #tpu.memory_space<vmem>>
      %dma_start3A_1479 = arith.constant 0 : i32
      %dma_start3A_1480 = arith.constant 0 : i32
      %dma_start3A_1481 = tpu.memref_slice %arg2[%dma_start3A_1479, %dma_start3A_1480] : memref<100000x128xf32, #tpu.memory_space<hbm>> -> memref<100000x128xf32, #tpu.memory_space<hbm>>
      tpu.enqueue_indirect_dma source(%dma_start3A_1481 : memref<100000x128xf32, #tpu.memory_space<hbm>>) target(%dma_start3A_1473 : memref<112x128xf32, #tpu.memory_space<vmem>>) offsets(%dma_start3A_1478 : memref<112xi32, #tpu.memory_space<vmem>>) semaphore(%arg10 : memref<!tpu.dma_semaphore, #tpu.memory_space<semaphore_mem>>)
      %mul3A_1482 = arith.constant 8 : i32
      %mul3A_1483 = arith.muli %scan3A_1062, %mul3A_1482 : i32
      %add3A_1484 = arith.constant 6 : i32
      %add3A_1485 = arith.addi %mul3A_1483, %add3A_1484 : i32
      %add3A_1486 = arith.constant 6 : i32
      %add3A_1487 = arith.addi %add3A_1485, %add3A_1486 : i32
      %dma_wait3A_1488 = arith.constant 6 : i32
      %dma_wait3A_1489 = arith.constant 0 : i32
      %dma_wait3A_1490 = arith.constant 0 : i32
      %dma_wait3A_1491 = tpu.memref_slice %arg6[%dma_wait3A_1488, %dma_wait3A_1489, %dma_wait3A_1490] : memref<8x112x128xf32, #tpu.memory_space<vmem>> -> memref<1x112x128xf32, #tpu.memory_space<vmem>>
      %dma_wait3A_1492 = tpu.memref_squeeze %dma_wait3A_1491 : memref<1x112x128xf32, #tpu.memory_space<vmem>> -> memref<112x128xf32, #tpu.memory_space<vmem>>
      %dma_wait3A_1493 = arith.constant 0 : i32
      %dma_wait3A_1494 = tpu.memref_slice %arg5[%add3A_1485, %dma_wait3A_1493] : memref<64x128xi32, #tpu.memory_space<vmem>> -> memref<1x128xi32, #tpu.memory_space<vmem>>
      %dma_wait3A_1495 = tpu.memref_squeeze %dma_wait3A_1494 : memref<1x128xi32, #tpu.memory_space<vmem>> -> memref<128xi32, #tpu.memory_space<vmem>>
      %dma_wait3A_1496 = arith.constant 0 : i32
      %dma_wait3A_1497 = tpu.memref_slice %dma_wait3A_1495[%dma_wait3A_1496] : memref<128xi32, #tpu.memory_space<vmem>> -> memref<112xi32, #tpu.memory_space<vmem>>
      %dma_wait3A_1498 = arith.constant 0 : i32
      %dma_wait3A_1499 = arith.constant 0 : i32
      %dma_wait3A_1500 = tpu.memref_slice %arg2[%dma_wait3A_1498, %dma_wait3A_1499] : memref<100000x128xf32, #tpu.memory_space<hbm>> -> memref<100000x128xf32, #tpu.memory_space<hbm>>
      tpu.wait_indirect_dma semaphore(%arg13 : memref<!tpu.dma_semaphore, #tpu.memory_space<semaphore_mem>>) src(%dma_wait3A_1500 : memref<100000x128xf32, #tpu.memory_space<hbm>>) dst(%dma_wait3A_1492 : memref<112x128xf32, #tpu.memory_space<vmem>>)
      %add3A_1501 = arith.addi %mul3A_2, %add3A_1485 : i32
      %dma_start3A_1502 = arith.constant 6 : i32
      %dma_start3A_1503 = arith.constant 0 : i32
      %dma_start3A_1504 = arith.constant 0 : i32
      %dma_start3A_1505 = tpu.memref_slice %arg6[%dma_start3A_1502, %dma_start3A_1503, %dma_start3A_1504] : memref<8x112x128xf32, #tpu.memory_space<vmem>> -> memref<1x112x128xf32, #tpu.memory_space<vmem>>
      %dma_start3A_1506 = tpu.memref_squeeze %dma_start3A_1505 : memref<1x112x128xf32, #tpu.memory_space<vmem>> -> memref<112x128xf32, #tpu.memory_space<vmem>>
      %dma_start3A_1507 = arith.constant 0 : i32
      %dma_start3A_1508 = arith.constant 0 : i32
      %dma_start3A_1509 = tpu.memref_slice %arg4[%add3A_1501, %dma_start3A_1507, %dma_start3A_1508] : memref<2048x112x128xf32, #tpu.memory_space<hbm>> -> memref<1x112x128xf32, #tpu.memory_space<hbm>>
      %dma_start3A_1510 = tpu.memref_squeeze %dma_start3A_1509 : memref<1x112x128xf32, #tpu.memory_space<hbm>> -> memref<112x128xf32, #tpu.memory_space<hbm>>
      %dma_start3A_1511 = arith.constant 0 : i32
      %dma_start3A_1512 = arith.constant 0 : i32
      %dma_start3A_1513 = tpu.memref_slice %arg4[%add3A_1501, %dma_start3A_1511, %dma_start3A_1512] : memref<2048x112x128xf32, #tpu.memory_space<hbm>> -> memref<1x112x128xf32, #tpu.memory_space<hbm>>
      %dma_start3A_1514 = tpu.memref_squeeze %dma_start3A_1513 : memref<1x112x128xf32, #tpu.memory_space<hbm>> -> memref<112x128xf32, #tpu.memory_space<hbm>>
      %dma_start3A_1515 = arith.constant 0 : i32
      %dma_start3A_1516 = arith.constant 0 : i32
      %dma_start3A_1517 = tpu.memref_slice %arg6[%dma_start3A_1502, %dma_start3A_1515, %dma_start3A_1516] : memref<8x112x128xf32, #tpu.memory_space<vmem>> -> memref<1x112x128xf32, #tpu.memory_space<vmem>>
      %dma_start3A_1518 = tpu.memref_squeeze %dma_start3A_1517 : memref<1x112x128xf32, #tpu.memory_space<vmem>> -> memref<112x128xf32, #tpu.memory_space<vmem>>
      tpu.enqueue_dma source(%dma_start3A_1518 : memref<112x128xf32, #tpu.memory_space<vmem>>) target(%dma_start3A_1514 : memref<112x128xf32, #tpu.memory_space<hbm>>) target_semaphore(%arg21 : memref<!tpu.dma_semaphore, #tpu.memory_space<semaphore_mem>>)
      %sub3A_1519 = arith.constant 8 : i32
      %sub3A_1520 = arith.subi %add3A_1487, %sub3A_1519 : i32
      %add3A_1521 = arith.addi %mul3A_2, %sub3A_1520 : i32
      %dma_wait3A_1522 = arith.constant 4 : i32
      %dma_wait3A_1523 = arith.constant 0 : i32
      %dma_wait3A_1524 = arith.constant 0 : i32
      %dma_wait3A_1525 = tpu.memref_slice %arg6[%dma_wait3A_1522, %dma_wait3A_1523, %dma_wait3A_1524] : memref<8x112x128xf32, #tpu.memory_space<vmem>> -> memref<1x112x128xf32, #tpu.memory_space<vmem>>
      %dma_wait3A_1526 = tpu.memref_squeeze %dma_wait3A_1525 : memref<1x112x128xf32, #tpu.memory_space<vmem>> -> memref<112x128xf32, #tpu.memory_space<vmem>>
      %dma_wait3A_1527 = arith.constant 0 : i32
      %dma_wait3A_1528 = arith.constant 0 : i32
      %dma_wait3A_1529 = tpu.memref_slice %arg4[%add3A_1521, %dma_wait3A_1527, %dma_wait3A_1528] : memref<2048x112x128xf32, #tpu.memory_space<hbm>> -> memref<1x112x128xf32, #tpu.memory_space<hbm>>
      %dma_wait3A_1530 = tpu.memref_squeeze %dma_wait3A_1529 : memref<1x112x128xf32, #tpu.memory_space<hbm>> -> memref<112x128xf32, #tpu.memory_space<hbm>>
      %dma_wait3A_1531 = arith.constant 0 : i32
      %dma_wait3A_1532 = arith.constant 0 : i32
      %dma_wait3A_1533 = tpu.memref_slice %arg4[%add3A_1521, %dma_wait3A_1531, %dma_wait3A_1532] : memref<2048x112x128xf32, #tpu.memory_space<hbm>> -> memref<1x112x128xf32, #tpu.memory_space<hbm>>
      %dma_wait3A_1534 = tpu.memref_squeeze %dma_wait3A_1533 : memref<1x112x128xf32, #tpu.memory_space<hbm>> -> memref<112x128xf32, #tpu.memory_space<hbm>>
      %dma_wait3A_1535 = arith.constant 0 : i32
      %dma_wait3A_1536 = arith.constant 0 : i32
      %dma_wait3A_1537 = tpu.memref_slice %arg6[%dma_wait3A_1522, %dma_wait3A_1535, %dma_wait3A_1536] : memref<8x112x128xf32, #tpu.memory_space<vmem>> -> memref<1x112x128xf32, #tpu.memory_space<vmem>>
      %dma_wait3A_1538 = tpu.memref_squeeze %dma_wait3A_1537 : memref<1x112x128xf32, #tpu.memory_space<vmem>> -> memref<112x128xf32, #tpu.memory_space<vmem>>
      tpu.wait_dma2 semaphore(%arg19 : memref<!tpu.dma_semaphore, #tpu.memory_space<semaphore_mem>>) src(%dma_wait3A_1538 : memref<112x128xf32, #tpu.memory_space<vmem>>) dst(%dma_wait3A_1534 : memref<112x128xf32, #tpu.memory_space<hbm>>)
      %dma_start3A_1539 = arith.constant 4 : i32
      %dma_start3A_1540 = arith.constant 0 : i32
      %dma_start3A_1541 = arith.constant 0 : i32
      %dma_start3A_1542 = tpu.memref_slice %arg6[%dma_start3A_1539, %dma_start3A_1540, %dma_start3A_1541] : memref<8x112x128xf32, #tpu.memory_space<vmem>> -> memref<1x112x128xf32, #tpu.memory_space<vmem>>
      %dma_start3A_1543 = tpu.memref_squeeze %dma_start3A_1542 : memref<1x112x128xf32, #tpu.memory_space<vmem>> -> memref<112x128xf32, #tpu.memory_space<vmem>>
      %dma_start3A_1544 = arith.constant 0 : i32
      %dma_start3A_1545 = tpu.memref_slice %arg5[%add3A_1487, %dma_start3A_1544] : memref<64x128xi32, #tpu.memory_space<vmem>> -> memref<1x128xi32, #tpu.memory_space<vmem>>
      %dma_start3A_1546 = tpu.memref_squeeze %dma_start3A_1545 : memref<1x128xi32, #tpu.memory_space<vmem>> -> memref<128xi32, #tpu.memory_space<vmem>>
      %dma_start3A_1547 = arith.constant 0 : i32
      %dma_start3A_1548 = tpu.memref_slice %dma_start3A_1546[%dma_start3A_1547] : memref<128xi32, #tpu.memory_space<vmem>> -> memref<112xi32, #tpu.memory_space<vmem>>
      %dma_start3A_1549 = arith.constant 0 : i32
      %dma_start3A_1550 = arith.constant 0 : i32
      %dma_start3A_1551 = tpu.memref_slice %arg2[%dma_start3A_1549, %dma_start3A_1550] : memref<100000x128xf32, #tpu.memory_space<hbm>> -> memref<100000x128xf32, #tpu.memory_space<hbm>>
      tpu.enqueue_indirect_dma source(%dma_start3A_1551 : memref<100000x128xf32, #tpu.memory_space<hbm>>) target(%dma_start3A_1543 : memref<112x128xf32, #tpu.memory_space<vmem>>) offsets(%dma_start3A_1548 : memref<112xi32, #tpu.memory_space<vmem>>) semaphore(%arg11 : memref<!tpu.dma_semaphore, #tpu.memory_space<semaphore_mem>>)
      %mul3A_1552 = arith.constant 8 : i32
      %mul3A_1553 = arith.muli %scan3A_1062, %mul3A_1552 : i32
      %add3A_1554 = arith.constant 7 : i32
      %add3A_1555 = arith.addi %mul3A_1553, %add3A_1554 : i32
      %add3A_1556 = arith.constant 6 : i32
      %add3A_1557 = arith.addi %add3A_1555, %add3A_1556 : i32
      %dma_wait3A_1558 = arith.constant 7 : i32
      %dma_wait3A_1559 = arith.constant 0 : i32
      %dma_wait3A_1560 = arith.constant 0 : i32
      %dma_wait3A_1561 = tpu.memref_slice %arg6[%dma_wait3A_1558, %dma_wait3A_1559, %dma_wait3A_1560] : memref<8x112x128xf32, #tpu.memory_space<vmem>> -> memref<1x112x128xf32, #tpu.memory_space<vmem>>
      %dma_wait3A_1562 = tpu.memref_squeeze %dma_wait3A_1561 : memref<1x112x128xf32, #tpu.memory_space<vmem>> -> memref<112x128xf32, #tpu.memory_space<vmem>>
      %dma_wait3A_1563 = arith.constant 0 : i32
      %dma_wait3A_1564 = tpu.memref_slice %arg5[%add3A_1555, %dma_wait3A_1563] : memref<64x128xi32, #tpu.memory_space<vmem>> -> memref<1x128xi32, #tpu.memory_space<vmem>>
      %dma_wait3A_1565 = tpu.memref_squeeze %dma_wait3A_1564 : memref<1x128xi32, #tpu.memory_space<vmem>> -> memref<128xi32, #tpu.memory_space<vmem>>
      %dma_wait3A_1566 = arith.constant 0 : i32
      %dma_wait3A_1567 = tpu.memref_slice %dma_wait3A_1565[%dma_wait3A_1566] : memref<128xi32, #tpu.memory_space<vmem>> -> memref<112xi32, #tpu.memory_space<vmem>>
      %dma_wait3A_1568 = arith.constant 0 : i32
      %dma_wait3A_1569 = arith.constant 0 : i32
      %dma_wait3A_1570 = tpu.memref_slice %arg2[%dma_wait3A_1568, %dma_wait3A_1569] : memref<100000x128xf32, #tpu.memory_space<hbm>> -> memref<100000x128xf32, #tpu.memory_space<hbm>>
      tpu.wait_indirect_dma semaphore(%arg14 : memref<!tpu.dma_semaphore, #tpu.memory_space<semaphore_mem>>) src(%dma_wait3A_1570 : memref<100000x128xf32, #tpu.memory_space<hbm>>) dst(%dma_wait3A_1562 : memref<112x128xf32, #tpu.memory_space<vmem>>)
      %add3A_1571 = arith.addi %mul3A_2, %add3A_1555 : i32
      %dma_start3A_1572 = arith.constant 7 : i32
      %dma_start3A_1573 = arith.constant 0 : i32
      %dma_start3A_1574 = arith.constant 0 : i32
      %dma_start3A_1575 = tpu.memref_slice %arg6[%dma_start3A_1572, %dma_start3A_1573, %dma_start3A_1574] : memref<8x112x128xf32, #tpu.memory_space<vmem>> -> memref<1x112x128xf32, #tpu.memory_space<vmem>>
      %dma_start3A_1576 = tpu.memref_squeeze %dma_start3A_1575 : memref<1x112x128xf32, #tpu.memory_space<vmem>> -> memref<112x128xf32, #tpu.memory_space<vmem>>
      %dma_start3A_1577 = arith.constant 0 : i32
      %dma_start3A_1578 = arith.constant 0 : i32
      %dma_start3A_1579 = tpu.memref_slice %arg4[%add3A_1571, %dma_start3A_1577, %dma_start3A_1578] : memref<2048x112x128xf32, #tpu.memory_space<hbm>> -> memref<1x112x128xf32, #tpu.memory_space<hbm>>
      %dma_start3A_1580 = tpu.memref_squeeze %dma_start3A_1579 : memref<1x112x128xf32, #tpu.memory_space<hbm>> -> memref<112x128xf32, #tpu.memory_space<hbm>>
      %dma_start3A_1581 = arith.constant 0 : i32
      %dma_start3A_1582 = arith.constant 0 : i32
      %dma_start3A_1583 = tpu.memref_slice %arg4[%add3A_1571, %dma_start3A_1581, %dma_start3A_1582] : memref<2048x112x128xf32, #tpu.memory_space<hbm>> -> memref<1x112x128xf32, #tpu.memory_space<hbm>>
      %dma_start3A_1584 = tpu.memref_squeeze %dma_start3A_1583 : memref<1x112x128xf32, #tpu.memory_space<hbm>> -> memref<112x128xf32, #tpu.memory_space<hbm>>
      %dma_start3A_1585 = arith.constant 0 : i32
      %dma_start3A_1586 = arith.constant 0 : i32
      %dma_start3A_1587 = tpu.memref_slice %arg6[%dma_start3A_1572, %dma_start3A_1585, %dma_start3A_1586] : memref<8x112x128xf32, #tpu.memory_space<vmem>> -> memref<1x112x128xf32, #tpu.memory_space<vmem>>
      %dma_start3A_1588 = tpu.memref_squeeze %dma_start3A_1587 : memref<1x112x128xf32, #tpu.memory_space<vmem>> -> memref<112x128xf32, #tpu.memory_space<vmem>>
      tpu.enqueue_dma source(%dma_start3A_1588 : memref<112x128xf32, #tpu.memory_space<vmem>>) target(%dma_start3A_1584 : memref<112x128xf32, #tpu.memory_space<hbm>>) target_semaphore(%arg22 : memref<!tpu.dma_semaphore, #tpu.memory_space<semaphore_mem>>)
      %sub3A_1589 = arith.constant 8 : i32
      %sub3A_1590 = arith.subi %add3A_1557, %sub3A_1589 : i32
      %add3A_1591 = arith.addi %mul3A_2, %sub3A_1590 : i32
      %dma_wait3A_1592 = arith.constant 5 : i32
      %dma_wait3A_1593 = arith.constant 0 : i32
      %dma_wait3A_1594 = arith.constant 0 : i32
      %dma_wait3A_1595 = tpu.memref_slice %arg6[%dma_wait3A_1592, %dma_wait3A_1593, %dma_wait3A_1594] : memref<8x112x128xf32, #tpu.memory_space<vmem>> -> memref<1x112x128xf32, #tpu.memory_space<vmem>>
      %dma_wait3A_1596 = tpu.memref_squeeze %dma_wait3A_1595 : memref<1x112x128xf32, #tpu.memory_space<vmem>> -> memref<112x128xf32, #tpu.memory_space<vmem>>
      %dma_wait3A_1597 = arith.constant 0 : i32
      %dma_wait3A_1598 = arith.constant 0 : i32
      %dma_wait3A_1599 = tpu.memref_slice %arg4[%add3A_1591, %dma_wait3A_1597, %dma_wait3A_1598] : memref<2048x112x128xf32, #tpu.memory_space<hbm>> -> memref<1x112x128xf32, #tpu.memory_space<hbm>>
      %dma_wait3A_1600 = tpu.memref_squeeze %dma_wait3A_1599 : memref<1x112x128xf32, #tpu.memory_space<hbm>> -> memref<112x128xf32, #tpu.memory_space<hbm>>
      %dma_wait3A_1601 = arith.constant 0 : i32
      %dma_wait3A_1602 = arith.constant 0 : i32
      %dma_wait3A_1603 = tpu.memref_slice %arg4[%add3A_1591, %dma_wait3A_1601, %dma_wait3A_1602] : memref<2048x112x128xf32, #tpu.memory_space<hbm>> -> memref<1x112x128xf32, #tpu.memory_space<hbm>>
      %dma_wait3A_1604 = tpu.memref_squeeze %dma_wait3A_1603 : memref<1x112x128xf32, #tpu.memory_space<hbm>> -> memref<112x128xf32, #tpu.memory_space<hbm>>
      %dma_wait3A_1605 = arith.constant 0 : i32
      %dma_wait3A_1606 = arith.constant 0 : i32
      %dma_wait3A_1607 = tpu.memref_slice %arg6[%dma_wait3A_1592, %dma_wait3A_1605, %dma_wait3A_1606] : memref<8x112x128xf32, #tpu.memory_space<vmem>> -> memref<1x112x128xf32, #tpu.memory_space<vmem>>
      %dma_wait3A_1608 = tpu.memref_squeeze %dma_wait3A_1607 : memref<1x112x128xf32, #tpu.memory_space<vmem>> -> memref<112x128xf32, #tpu.memory_space<vmem>>
      tpu.wait_dma2 semaphore(%arg20 : memref<!tpu.dma_semaphore, #tpu.memory_space<semaphore_mem>>) src(%dma_wait3A_1608 : memref<112x128xf32, #tpu.memory_space<vmem>>) dst(%dma_wait3A_1604 : memref<112x128xf32, #tpu.memory_space<hbm>>)
      %dma_start3A_1609 = arith.constant 5 : i32
      %dma_start3A_1610 = arith.constant 0 : i32
      %dma_start3A_1611 = arith.constant 0 : i32
      %dma_start3A_1612 = tpu.memref_slice %arg6[%dma_start3A_1609, %dma_start3A_1610, %dma_start3A_1611] : memref<8x112x128xf32, #tpu.memory_space<vmem>> -> memref<1x112x128xf32, #tpu.memory_space<vmem>>
      %dma_start3A_1613 = tpu.memref_squeeze %dma_start3A_1612 : memref<1x112x128xf32, #tpu.memory_space<vmem>> -> memref<112x128xf32, #tpu.memory_space<vmem>>
      %dma_start3A_1614 = arith.constant 0 : i32
      %dma_start3A_1615 = tpu.memref_slice %arg5[%add3A_1557, %dma_start3A_1614] : memref<64x128xi32, #tpu.memory_space<vmem>> -> memref<1x128xi32, #tpu.memory_space<vmem>>
      %dma_start3A_1616 = tpu.memref_squeeze %dma_start3A_1615 : memref<1x128xi32, #tpu.memory_space<vmem>> -> memref<128xi32, #tpu.memory_space<vmem>>
      %dma_start3A_1617 = arith.constant 0 : i32
      %dma_start3A_1618 = tpu.memref_slice %dma_start3A_1616[%dma_start3A_1617] : memref<128xi32, #tpu.memory_space<vmem>> -> memref<112xi32, #tpu.memory_space<vmem>>
      %dma_start3A_1619 = arith.constant 0 : i32
      %dma_start3A_1620 = arith.constant 0 : i32
      %dma_start3A_1621 = tpu.memref_slice %arg2[%dma_start3A_1619, %dma_start3A_1620] : memref<100000x128xf32, #tpu.memory_space<hbm>> -> memref<100000x128xf32, #tpu.memory_space<hbm>>
      tpu.enqueue_indirect_dma source(%dma_start3A_1621 : memref<100000x128xf32, #tpu.memory_space<hbm>>) target(%dma_start3A_1613 : memref<112x128xf32, #tpu.memory_space<vmem>>) offsets(%dma_start3A_1618 : memref<112xi32, #tpu.memory_space<vmem>>) semaphore(%arg12 : memref<!tpu.dma_semaphore, #tpu.memory_space<semaphore_mem>>)
    }
    %scan3A_579 = arith.constant 6 : i32
    %dma_wait3A_580 = arith.constant 56 : i32
    %dma_wait3A_581 = arith.constant 0 : i32
    %dma_wait3A_582 = arith.constant 0 : i32
    %dma_wait3A_583 = arith.constant 0 : i32
    %dma_wait3A_584 = tpu.memref_slice %arg6[%dma_wait3A_581, %dma_wait3A_582, %dma_wait3A_583] : memref<8x112x128xf32, #tpu.memory_space<vmem>> -> memref<1x112x128xf32, #tpu.memory_space<vmem>>
    %dma_wait3A_585 = tpu.memref_squeeze %dma_wait3A_584 : memref<1x112x128xf32, #tpu.memory_space<vmem>> -> memref<112x128xf32, #tpu.memory_space<vmem>>
    %dma_wait3A_586 = arith.constant 0 : i32
    %dma_wait3A_587 = tpu.memref_slice %arg5[%dma_wait3A_580, %dma_wait3A_586] : memref<64x128xi32, #tpu.memory_space<vmem>> -> memref<1x128xi32, #tpu.memory_space<vmem>>
    %dma_wait3A_588 = tpu.memref_squeeze %dma_wait3A_587 : memref<1x128xi32, #tpu.memory_space<vmem>> -> memref<128xi32, #tpu.memory_space<vmem>>
    %dma_wait3A_589 = arith.constant 0 : i32
    %dma_wait3A_590 = tpu.memref_slice %dma_wait3A_588[%dma_wait3A_589] : memref<128xi32, #tpu.memory_space<vmem>> -> memref<112xi32, #tpu.memory_space<vmem>>
    %dma_wait3A_591 = arith.constant 0 : i32
    %dma_wait3A_592 = arith.constant 0 : i32
    %dma_wait3A_593 = tpu.memref_slice %arg2[%dma_wait3A_591, %dma_wait3A_592] : memref<100000x128xf32, #tpu.memory_space<hbm>> -> memref<100000x128xf32, #tpu.memory_space<hbm>>
    tpu.wait_indirect_dma semaphore(%arg7 : memref<!tpu.dma_semaphore, #tpu.memory_space<semaphore_mem>>) src(%dma_wait3A_593 : memref<100000x128xf32, #tpu.memory_space<hbm>>) dst(%dma_wait3A_585 : memref<112x128xf32, #tpu.memory_space<vmem>>)
    %add3A_594 = arith.constant 56 : i32
    %add3A_595 = arith.addi %mul3A_2, %add3A_594 : i32
    %dma_start3A_596 = arith.constant 0 : i32
    %dma_start3A_597 = arith.constant 0 : i32
    %dma_start3A_598 = arith.constant 0 : i32
    %dma_start3A_599 = tpu.memref_slice %arg6[%dma_start3A_596, %dma_start3A_597, %dma_start3A_598] : memref<8x112x128xf32, #tpu.memory_space<vmem>> -> memref<1x112x128xf32, #tpu.memory_space<vmem>>
    %dma_start3A_600 = tpu.memref_squeeze %dma_start3A_599 : memref<1x112x128xf32, #tpu.memory_space<vmem>> -> memref<112x128xf32, #tpu.memory_space<vmem>>
    %dma_start3A_601 = arith.constant 0 : i32
    %dma_start3A_602 = arith.constant 0 : i32
    %dma_start3A_603 = tpu.memref_slice %arg4[%add3A_595, %dma_start3A_601, %dma_start3A_602] : memref<2048x112x128xf32, #tpu.memory_space<hbm>> -> memref<1x112x128xf32, #tpu.memory_space<hbm>>
    %dma_start3A_604 = tpu.memref_squeeze %dma_start3A_603 : memref<1x112x128xf32, #tpu.memory_space<hbm>> -> memref<112x128xf32, #tpu.memory_space<hbm>>
    %dma_start3A_605 = arith.constant 0 : i32
    %dma_start3A_606 = arith.constant 0 : i32
    %dma_start3A_607 = tpu.memref_slice %arg4[%add3A_595, %dma_start3A_605, %dma_start3A_606] : memref<2048x112x128xf32, #tpu.memory_space<hbm>> -> memref<1x112x128xf32, #tpu.memory_space<hbm>>
    %dma_start3A_608 = tpu.memref_squeeze %dma_start3A_607 : memref<1x112x128xf32, #tpu.memory_space<hbm>> -> memref<112x128xf32, #tpu.memory_space<hbm>>
    %dma_start3A_609 = arith.constant 0 : i32
    %dma_start3A_610 = arith.constant 0 : i32
    %dma_start3A_611 = tpu.memref_slice %arg6[%dma_start3A_596, %dma_start3A_609, %dma_start3A_610] : memref<8x112x128xf32, #tpu.memory_space<vmem>> -> memref<1x112x128xf32, #tpu.memory_space<vmem>>
    %dma_start3A_612 = tpu.memref_squeeze %dma_start3A_611 : memref<1x112x128xf32, #tpu.memory_space<vmem>> -> memref<112x128xf32, #tpu.memory_space<vmem>>
    tpu.enqueue_dma source(%dma_start3A_612 : memref<112x128xf32, #tpu.memory_space<vmem>>) target(%dma_start3A_608 : memref<112x128xf32, #tpu.memory_space<hbm>>) target_semaphore(%arg15 : memref<!tpu.dma_semaphore, #tpu.memory_space<semaphore_mem>>)
    %add3A_613 = arith.constant 54 : i32
    %add3A_614 = arith.addi %mul3A_2, %add3A_613 : i32
    %dma_wait3A_615 = arith.constant 6 : i32
    %dma_wait3A_616 = arith.constant 0 : i32
    %dma_wait3A_617 = arith.constant 0 : i32
    %dma_wait3A_618 = tpu.memref_slice %arg6[%dma_wait3A_615, %dma_wait3A_616, %dma_wait3A_617] : memref<8x112x128xf32, #tpu.memory_space<vmem>> -> memref<1x112x128xf32, #tpu.memory_space<vmem>>
    %dma_wait3A_619 = tpu.memref_squeeze %dma_wait3A_618 : memref<1x112x128xf32, #tpu.memory_space<vmem>> -> memref<112x128xf32, #tpu.memory_space<vmem>>
    %dma_wait3A_620 = arith.constant 0 : i32
    %dma_wait3A_621 = arith.constant 0 : i32
    %dma_wait3A_622 = tpu.memref_slice %arg4[%add3A_614, %dma_wait3A_620, %dma_wait3A_621] : memref<2048x112x128xf32, #tpu.memory_space<hbm>> -> memref<1x112x128xf32, #tpu.memory_space<hbm>>
    %dma_wait3A_623 = tpu.memref_squeeze %dma_wait3A_622 : memref<1x112x128xf32, #tpu.memory_space<hbm>> -> memref<112x128xf32, #tpu.memory_space<hbm>>
    %dma_wait3A_624 = arith.constant 0 : i32
    %dma_wait3A_625 = arith.constant 0 : i32
    %dma_wait3A_626 = tpu.memref_slice %arg4[%add3A_614, %dma_wait3A_624, %dma_wait3A_625] : memref<2048x112x128xf32, #tpu.memory_space<hbm>> -> memref<1x112x128xf32, #tpu.memory_space<hbm>>
    %dma_wait3A_627 = tpu.memref_squeeze %dma_wait3A_626 : memref<1x112x128xf32, #tpu.memory_space<hbm>> -> memref<112x128xf32, #tpu.memory_space<hbm>>
    %dma_wait3A_628 = arith.constant 0 : i32
    %dma_wait3A_629 = arith.constant 0 : i32
    %dma_wait3A_630 = tpu.memref_slice %arg6[%dma_wait3A_615, %dma_wait3A_628, %dma_wait3A_629] : memref<8x112x128xf32, #tpu.memory_space<vmem>> -> memref<1x112x128xf32, #tpu.memory_space<vmem>>
    %dma_wait3A_631 = tpu.memref_squeeze %dma_wait3A_630 : memref<1x112x128xf32, #tpu.memory_space<vmem>> -> memref<112x128xf32, #tpu.memory_space<vmem>>
    tpu.wait_dma2 semaphore(%arg21 : memref<!tpu.dma_semaphore, #tpu.memory_space<semaphore_mem>>) src(%dma_wait3A_631 : memref<112x128xf32, #tpu.memory_space<vmem>>) dst(%dma_wait3A_627 : memref<112x128xf32, #tpu.memory_space<hbm>>)
    %dma_start3A_632 = arith.constant 62 : i32
    %dma_start3A_633 = arith.constant 6 : i32
    %dma_start3A_634 = arith.constant 0 : i32
    %dma_start3A_635 = arith.constant 0 : i32
    %dma_start3A_636 = tpu.memref_slice %arg6[%dma_start3A_633, %dma_start3A_634, %dma_start3A_635] : memref<8x112x128xf32, #tpu.memory_space<vmem>> -> memref<1x112x128xf32, #tpu.memory_space<vmem>>
    %dma_start3A_637 = tpu.memref_squeeze %dma_start3A_636 : memref<1x112x128xf32, #tpu.memory_space<vmem>> -> memref<112x128xf32, #tpu.memory_space<vmem>>
    %dma_start3A_638 = arith.constant 0 : i32
    %dma_start3A_639 = tpu.memref_slice %arg5[%dma_start3A_632, %dma_start3A_638] : memref<64x128xi32, #tpu.memory_space<vmem>> -> memref<1x128xi32, #tpu.memory_space<vmem>>
    %dma_start3A_640 = tpu.memref_squeeze %dma_start3A_639 : memref<1x128xi32, #tpu.memory_space<vmem>> -> memref<128xi32, #tpu.memory_space<vmem>>
    %dma_start3A_641 = arith.constant 0 : i32
    %dma_start3A_642 = tpu.memref_slice %dma_start3A_640[%dma_start3A_641] : memref<128xi32, #tpu.memory_space<vmem>> -> memref<112xi32, #tpu.memory_space<vmem>>
    %dma_start3A_643 = arith.constant 0 : i32
    %dma_start3A_644 = arith.constant 0 : i32
    %dma_start3A_645 = tpu.memref_slice %arg2[%dma_start3A_643, %dma_start3A_644] : memref<100000x128xf32, #tpu.memory_space<hbm>> -> memref<100000x128xf32, #tpu.memory_space<hbm>>
    tpu.enqueue_indirect_dma source(%dma_start3A_645 : memref<100000x128xf32, #tpu.memory_space<hbm>>) target(%dma_start3A_637 : memref<112x128xf32, #tpu.memory_space<vmem>>) offsets(%dma_start3A_642 : memref<112xi32, #tpu.memory_space<vmem>>) semaphore(%arg13 : memref<!tpu.dma_semaphore, #tpu.memory_space<semaphore_mem>>)
    %dma_wait3A_646 = arith.constant 57 : i32
    %dma_wait3A_647 = arith.constant 1 : i32
    %dma_wait3A_648 = arith.constant 0 : i32
    %dma_wait3A_649 = arith.constant 0 : i32
    %dma_wait3A_650 = tpu.memref_slice %arg6[%dma_wait3A_647, %dma_wait3A_648, %dma_wait3A_649] : memref<8x112x128xf32, #tpu.memory_space<vmem>> -> memref<1x112x128xf32, #tpu.memory_space<vmem>>
    %dma_wait3A_651 = tpu.memref_squeeze %dma_wait3A_650 : memref<1x112x128xf32, #tpu.memory_space<vmem>> -> memref<112x128xf32, #tpu.memory_space<vmem>>
    %dma_wait3A_652 = arith.constant 0 : i32
    %dma_wait3A_653 = tpu.memref_slice %arg5[%dma_wait3A_646, %dma_wait3A_652] : memref<64x128xi32, #tpu.memory_space<vmem>> -> memref<1x128xi32, #tpu.memory_space<vmem>>
    %dma_wait3A_654 = tpu.memref_squeeze %dma_wait3A_653 : memref<1x128xi32, #tpu.memory_space<vmem>> -> memref<128xi32, #tpu.memory_space<vmem>>
    %dma_wait3A_655 = arith.constant 0 : i32
    %dma_wait3A_656 = tpu.memref_slice %dma_wait3A_654[%dma_wait3A_655] : memref<128xi32, #tpu.memory_space<vmem>> -> memref<112xi32, #tpu.memory_space<vmem>>
    %dma_wait3A_657 = arith.constant 0 : i32
    %dma_wait3A_658 = arith.constant 0 : i32
    %dma_wait3A_659 = tpu.memref_slice %arg2[%dma_wait3A_657, %dma_wait3A_658] : memref<100000x128xf32, #tpu.memory_space<hbm>> -> memref<100000x128xf32, #tpu.memory_space<hbm>>
    tpu.wait_indirect_dma semaphore(%arg8 : memref<!tpu.dma_semaphore, #tpu.memory_space<semaphore_mem>>) src(%dma_wait3A_659 : memref<100000x128xf32, #tpu.memory_space<hbm>>) dst(%dma_wait3A_651 : memref<112x128xf32, #tpu.memory_space<vmem>>)
    %add3A_660 = arith.constant 57 : i32
    %add3A_661 = arith.addi %mul3A_2, %add3A_660 : i32
    %dma_start3A_662 = arith.constant 1 : i32
    %dma_start3A_663 = arith.constant 0 : i32
    %dma_start3A_664 = arith.constant 0 : i32
    %dma_start3A_665 = tpu.memref_slice %arg6[%dma_start3A_662, %dma_start3A_663, %dma_start3A_664] : memref<8x112x128xf32, #tpu.memory_space<vmem>> -> memref<1x112x128xf32, #tpu.memory_space<vmem>>
    %dma_start3A_666 = tpu.memref_squeeze %dma_start3A_665 : memref<1x112x128xf32, #tpu.memory_space<vmem>> -> memref<112x128xf32, #tpu.memory_space<vmem>>
    %dma_start3A_667 = arith.constant 0 : i32
    %dma_start3A_668 = arith.constant 0 : i32
    %dma_start3A_669 = tpu.memref_slice %arg4[%add3A_661, %dma_start3A_667, %dma_start3A_668] : memref<2048x112x128xf32, #tpu.memory_space<hbm>> -> memref<1x112x128xf32, #tpu.memory_space<hbm>>
    %dma_start3A_670 = tpu.memref_squeeze %dma_start3A_669 : memref<1x112x128xf32, #tpu.memory_space<hbm>> -> memref<112x128xf32, #tpu.memory_space<hbm>>
    %dma_start3A_671 = arith.constant 0 : i32
    %dma_start3A_672 = arith.constant 0 : i32
    %dma_start3A_673 = tpu.memref_slice %arg4[%add3A_661, %dma_start3A_671, %dma_start3A_672] : memref<2048x112x128xf32, #tpu.memory_space<hbm>> -> memref<1x112x128xf32, #tpu.memory_space<hbm>>
    %dma_start3A_674 = tpu.memref_squeeze %dma_start3A_673 : memref<1x112x128xf32, #tpu.memory_space<hbm>> -> memref<112x128xf32, #tpu.memory_space<hbm>>
    %dma_start3A_675 = arith.constant 0 : i32
    %dma_start3A_676 = arith.constant 0 : i32
    %dma_start3A_677 = tpu.memref_slice %arg6[%dma_start3A_662, %dma_start3A_675, %dma_start3A_676] : memref<8x112x128xf32, #tpu.memory_space<vmem>> -> memref<1x112x128xf32, #tpu.memory_space<vmem>>
    %dma_start3A_678 = tpu.memref_squeeze %dma_start3A_677 : memref<1x112x128xf32, #tpu.memory_space<vmem>> -> memref<112x128xf32, #tpu.memory_space<vmem>>
    tpu.enqueue_dma source(%dma_start3A_678 : memref<112x128xf32, #tpu.memory_space<vmem>>) target(%dma_start3A_674 : memref<112x128xf32, #tpu.memory_space<hbm>>) target_semaphore(%arg16 : memref<!tpu.dma_semaphore, #tpu.memory_space<semaphore_mem>>)
    %add3A_679 = arith.constant 55 : i32
    %add3A_680 = arith.addi %mul3A_2, %add3A_679 : i32
    %dma_wait3A_681 = arith.constant 7 : i32
    %dma_wait3A_682 = arith.constant 0 : i32
    %dma_wait3A_683 = arith.constant 0 : i32
    %dma_wait3A_684 = tpu.memref_slice %arg6[%dma_wait3A_681, %dma_wait3A_682, %dma_wait3A_683] : memref<8x112x128xf32, #tpu.memory_space<vmem>> -> memref<1x112x128xf32, #tpu.memory_space<vmem>>
    %dma_wait3A_685 = tpu.memref_squeeze %dma_wait3A_684 : memref<1x112x128xf32, #tpu.memory_space<vmem>> -> memref<112x128xf32, #tpu.memory_space<vmem>>
    %dma_wait3A_686 = arith.constant 0 : i32
    %dma_wait3A_687 = arith.constant 0 : i32
    %dma_wait3A_688 = tpu.memref_slice %arg4[%add3A_680, %dma_wait3A_686, %dma_wait3A_687] : memref<2048x112x128xf32, #tpu.memory_space<hbm>> -> memref<1x112x128xf32, #tpu.memory_space<hbm>>
    %dma_wait3A_689 = tpu.memref_squeeze %dma_wait3A_688 : memref<1x112x128xf32, #tpu.memory_space<hbm>> -> memref<112x128xf32, #tpu.memory_space<hbm>>
    %dma_wait3A_690 = arith.constant 0 : i32
    %dma_wait3A_691 = arith.constant 0 : i32
    %dma_wait3A_692 = tpu.memref_slice %arg4[%add3A_680, %dma_wait3A_690, %dma_wait3A_691] : memref<2048x112x128xf32, #tpu.memory_space<hbm>> -> memref<1x112x128xf32, #tpu.memory_space<hbm>>
    %dma_wait3A_693 = tpu.memref_squeeze %dma_wait3A_692 : memref<1x112x128xf32, #tpu.memory_space<hbm>> -> memref<112x128xf32, #tpu.memory_space<hbm>>
    %dma_wait3A_694 = arith.constant 0 : i32
    %dma_wait3A_695 = arith.constant 0 : i32
    %dma_wait3A_696 = tpu.memref_slice %arg6[%dma_wait3A_681, %dma_wait3A_694, %dma_wait3A_695] : memref<8x112x128xf32, #tpu.memory_space<vmem>> -> memref<1x112x128xf32, #tpu.memory_space<vmem>>
    %dma_wait3A_697 = tpu.memref_squeeze %dma_wait3A_696 : memref<1x112x128xf32, #tpu.memory_space<vmem>> -> memref<112x128xf32, #tpu.memory_space<vmem>>
    tpu.wait_dma2 semaphore(%arg22 : memref<!tpu.dma_semaphore, #tpu.memory_space<semaphore_mem>>) src(%dma_wait3A_697 : memref<112x128xf32, #tpu.memory_space<vmem>>) dst(%dma_wait3A_693 : memref<112x128xf32, #tpu.memory_space<hbm>>)
    %dma_start3A_698 = arith.constant 63 : i32
    %dma_start3A_699 = arith.constant 7 : i32
    %dma_start3A_700 = arith.constant 0 : i32
    %dma_start3A_701 = arith.constant 0 : i32
    %dma_start3A_702 = tpu.memref_slice %arg6[%dma_start3A_699, %dma_start3A_700, %dma_start3A_701] : memref<8x112x128xf32, #tpu.memory_space<vmem>> -> memref<1x112x128xf32, #tpu.memory_space<vmem>>
    %dma_start3A_703 = tpu.memref_squeeze %dma_start3A_702 : memref<1x112x128xf32, #tpu.memory_space<vmem>> -> memref<112x128xf32, #tpu.memory_space<vmem>>
    %dma_start3A_704 = arith.constant 0 : i32
    %dma_start3A_705 = tpu.memref_slice %arg5[%dma_start3A_698, %dma_start3A_704] : memref<64x128xi32, #tpu.memory_space<vmem>> -> memref<1x128xi32, #tpu.memory_space<vmem>>
    %dma_start3A_706 = tpu.memref_squeeze %dma_start3A_705 : memref<1x128xi32, #tpu.memory_space<vmem>> -> memref<128xi32, #tpu.memory_space<vmem>>
    %dma_start3A_707 = arith.constant 0 : i32
    %dma_start3A_708 = tpu.memref_slice %dma_start3A_706[%dma_start3A_707] : memref<128xi32, #tpu.memory_space<vmem>> -> memref<112xi32, #tpu.memory_space<vmem>>
    %dma_start3A_709 = arith.constant 0 : i32
    %dma_start3A_710 = arith.constant 0 : i32
    %dma_start3A_711 = tpu.memref_slice %arg2[%dma_start3A_709, %dma_start3A_710] : memref<100000x128xf32, #tpu.memory_space<hbm>> -> memref<100000x128xf32, #tpu.memory_space<hbm>>
    tpu.enqueue_indirect_dma source(%dma_start3A_711 : memref<100000x128xf32, #tpu.memory_space<hbm>>) target(%dma_start3A_703 : memref<112x128xf32, #tpu.memory_space<vmem>>) offsets(%dma_start3A_708 : memref<112xi32, #tpu.memory_space<vmem>>) semaphore(%arg14 : memref<!tpu.dma_semaphore, #tpu.memory_space<semaphore_mem>>)
    %dma_wait3A_712 = arith.constant 58 : i32
    %dma_wait3A_713 = arith.constant 2 : i32
    %dma_wait3A_714 = arith.constant 0 : i32
    %dma_wait3A_715 = arith.constant 0 : i32
    %dma_wait3A_716 = tpu.memref_slice %arg6[%dma_wait3A_713, %dma_wait3A_714, %dma_wait3A_715] : memref<8x112x128xf32, #tpu.memory_space<vmem>> -> memref<1x112x128xf32, #tpu.memory_space<vmem>>
    %dma_wait3A_717 = tpu.memref_squeeze %dma_wait3A_716 : memref<1x112x128xf32, #tpu.memory_space<vmem>> -> memref<112x128xf32, #tpu.memory_space<vmem>>
    %dma_wait3A_718 = arith.constant 0 : i32
    %dma_wait3A_719 = tpu.memref_slice %arg5[%dma_wait3A_712, %dma_wait3A_718] : memref<64x128xi32, #tpu.memory_space<vmem>> -> memref<1x128xi32, #tpu.memory_space<vmem>>
    %dma_wait3A_720 = tpu.memref_squeeze %dma_wait3A_719 : memref<1x128xi32, #tpu.memory_space<vmem>> -> memref<128xi32, #tpu.memory_space<vmem>>
    %dma_wait3A_721 = arith.constant 0 : i32
    %dma_wait3A_722 = tpu.memref_slice %dma_wait3A_720[%dma_wait3A_721] : memref<128xi32, #tpu.memory_space<vmem>> -> memref<112xi32, #tpu.memory_space<vmem>>
    %dma_wait3A_723 = arith.constant 0 : i32
    %dma_wait3A_724 = arith.constant 0 : i32
    %dma_wait3A_725 = tpu.memref_slice %arg2[%dma_wait3A_723, %dma_wait3A_724] : memref<100000x128xf32, #tpu.memory_space<hbm>> -> memref<100000x128xf32, #tpu.memory_space<hbm>>
    tpu.wait_indirect_dma semaphore(%arg9 : memref<!tpu.dma_semaphore, #tpu.memory_space<semaphore_mem>>) src(%dma_wait3A_725 : memref<100000x128xf32, #tpu.memory_space<hbm>>) dst(%dma_wait3A_717 : memref<112x128xf32, #tpu.memory_space<vmem>>)
    %add3A_726 = arith.constant 58 : i32
    %add3A_727 = arith.addi %mul3A_2, %add3A_726 : i32
    %dma_start3A_728 = arith.constant 2 : i32
    %dma_start3A_729 = arith.constant 0 : i32
    %dma_start3A_730 = arith.constant 0 : i32
    %dma_start3A_731 = tpu.memref_slice %arg6[%dma_start3A_728, %dma_start3A_729, %dma_start3A_730] : memref<8x112x128xf32, #tpu.memory_space<vmem>> -> memref<1x112x128xf32, #tpu.memory_space<vmem>>
    %dma_start3A_732 = tpu.memref_squeeze %dma_start3A_731 : memref<1x112x128xf32, #tpu.memory_space<vmem>> -> memref<112x128xf32, #tpu.memory_space<vmem>>
    %dma_start3A_733 = arith.constant 0 : i32
    %dma_start3A_734 = arith.constant 0 : i32
    %dma_start3A_735 = tpu.memref_slice %arg4[%add3A_727, %dma_start3A_733, %dma_start3A_734] : memref<2048x112x128xf32, #tpu.memory_space<hbm>> -> memref<1x112x128xf32, #tpu.memory_space<hbm>>
    %dma_start3A_736 = tpu.memref_squeeze %dma_start3A_735 : memref<1x112x128xf32, #tpu.memory_space<hbm>> -> memref<112x128xf32, #tpu.memory_space<hbm>>
    %dma_start3A_737 = arith.constant 0 : i32
    %dma_start3A_738 = arith.constant 0 : i32
    %dma_start3A_739 = tpu.memref_slice %arg4[%add3A_727, %dma_start3A_737, %dma_start3A_738] : memref<2048x112x128xf32, #tpu.memory_space<hbm>> -> memref<1x112x128xf32, #tpu.memory_space<hbm>>
    %dma_start3A_740 = tpu.memref_squeeze %dma_start3A_739 : memref<1x112x128xf32, #tpu.memory_space<hbm>> -> memref<112x128xf32, #tpu.memory_space<hbm>>
    %dma_start3A_741 = arith.constant 0 : i32
    %dma_start3A_742 = arith.constant 0 : i32
    %dma_start3A_743 = tpu.memref_slice %arg6[%dma_start3A_728, %dma_start3A_741, %dma_start3A_742] : memref<8x112x128xf32, #tpu.memory_space<vmem>> -> memref<1x112x128xf32, #tpu.memory_space<vmem>>
    %dma_start3A_744 = tpu.memref_squeeze %dma_start3A_743 : memref<1x112x128xf32, #tpu.memory_space<vmem>> -> memref<112x128xf32, #tpu.memory_space<vmem>>
    tpu.enqueue_dma source(%dma_start3A_744 : memref<112x128xf32, #tpu.memory_space<vmem>>) target(%dma_start3A_740 : memref<112x128xf32, #tpu.memory_space<hbm>>) target_semaphore(%arg17 : memref<!tpu.dma_semaphore, #tpu.memory_space<semaphore_mem>>)
    %dma_wait3A_745 = arith.constant 59 : i32
    %dma_wait3A_746 = arith.constant 3 : i32
    %dma_wait3A_747 = arith.constant 0 : i32
    %dma_wait3A_748 = arith.constant 0 : i32
    %dma_wait3A_749 = tpu.memref_slice %arg6[%dma_wait3A_746, %dma_wait3A_747, %dma_wait3A_748] : memref<8x112x128xf32, #tpu.memory_space<vmem>> -> memref<1x112x128xf32, #tpu.memory_space<vmem>>
    %dma_wait3A_750 = tpu.memref_squeeze %dma_wait3A_749 : memref<1x112x128xf32, #tpu.memory_space<vmem>> -> memref<112x128xf32, #tpu.memory_space<vmem>>
    %dma_wait3A_751 = arith.constant 0 : i32
    %dma_wait3A_752 = tpu.memref_slice %arg5[%dma_wait3A_745, %dma_wait3A_751] : memref<64x128xi32, #tpu.memory_space<vmem>> -> memref<1x128xi32, #tpu.memory_space<vmem>>
    %dma_wait3A_753 = tpu.memref_squeeze %dma_wait3A_752 : memref<1x128xi32, #tpu.memory_space<vmem>> -> memref<128xi32, #tpu.memory_space<vmem>>
    %dma_wait3A_754 = arith.constant 0 : i32
    %dma_wait3A_755 = tpu.memref_slice %dma_wait3A_753[%dma_wait3A_754] : memref<128xi32, #tpu.memory_space<vmem>> -> memref<112xi32, #tpu.memory_space<vmem>>
    %dma_wait3A_756 = arith.constant 0 : i32
    %dma_wait3A_757 = arith.constant 0 : i32
    %dma_wait3A_758 = tpu.memref_slice %arg2[%dma_wait3A_756, %dma_wait3A_757] : memref<100000x128xf32, #tpu.memory_space<hbm>> -> memref<100000x128xf32, #tpu.memory_space<hbm>>
    tpu.wait_indirect_dma semaphore(%arg10 : memref<!tpu.dma_semaphore, #tpu.memory_space<semaphore_mem>>) src(%dma_wait3A_758 : memref<100000x128xf32, #tpu.memory_space<hbm>>) dst(%dma_wait3A_750 : memref<112x128xf32, #tpu.memory_space<vmem>>)
    %add3A_759 = arith.constant 59 : i32
    %add3A_760 = arith.addi %mul3A_2, %add3A_759 : i32
    %dma_start3A_761 = arith.constant 3 : i32
    %dma_start3A_762 = arith.constant 0 : i32
    %dma_start3A_763 = arith.constant 0 : i32
    %dma_start3A_764 = tpu.memref_slice %arg6[%dma_start3A_761, %dma_start3A_762, %dma_start3A_763] : memref<8x112x128xf32, #tpu.memory_space<vmem>> -> memref<1x112x128xf32, #tpu.memory_space<vmem>>
    %dma_start3A_765 = tpu.memref_squeeze %dma_start3A_764 : memref<1x112x128xf32, #tpu.memory_space<vmem>> -> memref<112x128xf32, #tpu.memory_space<vmem>>
    %dma_start3A_766 = arith.constant 0 : i32
    %dma_start3A_767 = arith.constant 0 : i32
    %dma_start3A_768 = tpu.memref_slice %arg4[%add3A_760, %dma_start3A_766, %dma_start3A_767] : memref<2048x112x128xf32, #tpu.memory_space<hbm>> -> memref<1x112x128xf32, #tpu.memory_space<hbm>>
    %dma_start3A_769 = tpu.memref_squeeze %dma_start3A_768 : memref<1x112x128xf32, #tpu.memory_space<hbm>> -> memref<112x128xf32, #tpu.memory_space<hbm>>
    %dma_start3A_770 = arith.constant 0 : i32
    %dma_start3A_771 = arith.constant 0 : i32
    %dma_start3A_772 = tpu.memref_slice %arg4[%add3A_760, %dma_start3A_770, %dma_start3A_771] : memref<2048x112x128xf32, #tpu.memory_space<hbm>> -> memref<1x112x128xf32, #tpu.memory_space<hbm>>
    %dma_start3A_773 = tpu.memref_squeeze %dma_start3A_772 : memref<1x112x128xf32, #tpu.memory_space<hbm>> -> memref<112x128xf32, #tpu.memory_space<hbm>>
    %dma_start3A_774 = arith.constant 0 : i32
    %dma_start3A_775 = arith.constant 0 : i32
    %dma_start3A_776 = tpu.memref_slice %arg6[%dma_start3A_761, %dma_start3A_774, %dma_start3A_775] : memref<8x112x128xf32, #tpu.memory_space<vmem>> -> memref<1x112x128xf32, #tpu.memory_space<vmem>>
    %dma_start3A_777 = tpu.memref_squeeze %dma_start3A_776 : memref<1x112x128xf32, #tpu.memory_space<vmem>> -> memref<112x128xf32, #tpu.memory_space<vmem>>
    tpu.enqueue_dma source(%dma_start3A_777 : memref<112x128xf32, #tpu.memory_space<vmem>>) target(%dma_start3A_773 : memref<112x128xf32, #tpu.memory_space<hbm>>) target_semaphore(%arg18 : memref<!tpu.dma_semaphore, #tpu.memory_space<semaphore_mem>>)
    %dma_wait3A_778 = arith.constant 60 : i32
    %dma_wait3A_779 = arith.constant 4 : i32
    %dma_wait3A_780 = arith.constant 0 : i32
    %dma_wait3A_781 = arith.constant 0 : i32
    %dma_wait3A_782 = tpu.memref_slice %arg6[%dma_wait3A_779, %dma_wait3A_780, %dma_wait3A_781] : memref<8x112x128xf32, #tpu.memory_space<vmem>> -> memref<1x112x128xf32, #tpu.memory_space<vmem>>
    %dma_wait3A_783 = tpu.memref_squeeze %dma_wait3A_782 : memref<1x112x128xf32, #tpu.memory_space<vmem>> -> memref<112x128xf32, #tpu.memory_space<vmem>>
    %dma_wait3A_784 = arith.constant 0 : i32
    %dma_wait3A_785 = tpu.memref_slice %arg5[%dma_wait3A_778, %dma_wait3A_784] : memref<64x128xi32, #tpu.memory_space<vmem>> -> memref<1x128xi32, #tpu.memory_space<vmem>>
    %dma_wait3A_786 = tpu.memref_squeeze %dma_wait3A_785 : memref<1x128xi32, #tpu.memory_space<vmem>> -> memref<128xi32, #tpu.memory_space<vmem>>
    %dma_wait3A_787 = arith.constant 0 : i32
    %dma_wait3A_788 = tpu.memref_slice %dma_wait3A_786[%dma_wait3A_787] : memref<128xi32, #tpu.memory_space<vmem>> -> memref<112xi32, #tpu.memory_space<vmem>>
    %dma_wait3A_789 = arith.constant 0 : i32
    %dma_wait3A_790 = arith.constant 0 : i32
    %dma_wait3A_791 = tpu.memref_slice %arg2[%dma_wait3A_789, %dma_wait3A_790] : memref<100000x128xf32, #tpu.memory_space<hbm>> -> memref<100000x128xf32, #tpu.memory_space<hbm>>
    tpu.wait_indirect_dma semaphore(%arg11 : memref<!tpu.dma_semaphore, #tpu.memory_space<semaphore_mem>>) src(%dma_wait3A_791 : memref<100000x128xf32, #tpu.memory_space<hbm>>) dst(%dma_wait3A_783 : memref<112x128xf32, #tpu.memory_space<vmem>>)
    %add3A_792 = arith.constant 60 : i32
    %add3A_793 = arith.addi %mul3A_2, %add3A_792 : i32
    %dma_start3A_794 = arith.constant 4 : i32
    %dma_start3A_795 = arith.constant 0 : i32
    %dma_start3A_796 = arith.constant 0 : i32
    %dma_start3A_797 = tpu.memref_slice %arg6[%dma_start3A_794, %dma_start3A_795, %dma_start3A_796] : memref<8x112x128xf32, #tpu.memory_space<vmem>> -> memref<1x112x128xf32, #tpu.memory_space<vmem>>
    %dma_start3A_798 = tpu.memref_squeeze %dma_start3A_797 : memref<1x112x128xf32, #tpu.memory_space<vmem>> -> memref<112x128xf32, #tpu.memory_space<vmem>>
    %dma_start3A_799 = arith.constant 0 : i32
    %dma_start3A_800 = arith.constant 0 : i32
    %dma_start3A_801 = tpu.memref_slice %arg4[%add3A_793, %dma_start3A_799, %dma_start3A_800] : memref<2048x112x128xf32, #tpu.memory_space<hbm>> -> memref<1x112x128xf32, #tpu.memory_space<hbm>>
    %dma_start3A_802 = tpu.memref_squeeze %dma_start3A_801 : memref<1x112x128xf32, #tpu.memory_space<hbm>> -> memref<112x128xf32, #tpu.memory_space<hbm>>
    %dma_start3A_803 = arith.constant 0 : i32
    %dma_start3A_804 = arith.constant 0 : i32
    %dma_start3A_805 = tpu.memref_slice %arg4[%add3A_793, %dma_start3A_803, %dma_start3A_804] : memref<2048x112x128xf32, #tpu.memory_space<hbm>> -> memref<1x112x128xf32, #tpu.memory_space<hbm>>
    %dma_start3A_806 = tpu.memref_squeeze %dma_start3A_805 : memref<1x112x128xf32, #tpu.memory_space<hbm>> -> memref<112x128xf32, #tpu.memory_space<hbm>>
    %dma_start3A_807 = arith.constant 0 : i32
    %dma_start3A_808 = arith.constant 0 : i32
    %dma_start3A_809 = tpu.memref_slice %arg6[%dma_start3A_794, %dma_start3A_807, %dma_start3A_808] : memref<8x112x128xf32, #tpu.memory_space<vmem>> -> memref<1x112x128xf32, #tpu.memory_space<vmem>>
    %dma_start3A_810 = tpu.memref_squeeze %dma_start3A_809 : memref<1x112x128xf32, #tpu.memory_space<vmem>> -> memref<112x128xf32, #tpu.memory_space<vmem>>
    tpu.enqueue_dma source(%dma_start3A_810 : memref<112x128xf32, #tpu.memory_space<vmem>>) target(%dma_start3A_806 : memref<112x128xf32, #tpu.memory_space<hbm>>) target_semaphore(%arg19 : memref<!tpu.dma_semaphore, #tpu.memory_space<semaphore_mem>>)
    %dma_wait3A_811 = arith.constant 61 : i32
    %dma_wait3A_812 = arith.constant 5 : i32
    %dma_wait3A_813 = arith.constant 0 : i32
    %dma_wait3A_814 = arith.constant 0 : i32
    %dma_wait3A_815 = tpu.memref_slice %arg6[%dma_wait3A_812, %dma_wait3A_813, %dma_wait3A_814] : memref<8x112x128xf32, #tpu.memory_space<vmem>> -> memref<1x112x128xf32, #tpu.memory_space<vmem>>
    %dma_wait3A_816 = tpu.memref_squeeze %dma_wait3A_815 : memref<1x112x128xf32, #tpu.memory_space<vmem>> -> memref<112x128xf32, #tpu.memory_space<vmem>>
    %dma_wait3A_817 = arith.constant 0 : i32
    %dma_wait3A_818 = tpu.memref_slice %arg5[%dma_wait3A_811, %dma_wait3A_817] : memref<64x128xi32, #tpu.memory_space<vmem>> -> memref<1x128xi32, #tpu.memory_space<vmem>>
    %dma_wait3A_819 = tpu.memref_squeeze %dma_wait3A_818 : memref<1x128xi32, #tpu.memory_space<vmem>> -> memref<128xi32, #tpu.memory_space<vmem>>
    %dma_wait3A_820 = arith.constant 0 : i32
    %dma_wait3A_821 = tpu.memref_slice %dma_wait3A_819[%dma_wait3A_820] : memref<128xi32, #tpu.memory_space<vmem>> -> memref<112xi32, #tpu.memory_space<vmem>>
    %dma_wait3A_822 = arith.constant 0 : i32
    %dma_wait3A_823 = arith.constant 0 : i32
    %dma_wait3A_824 = tpu.memref_slice %arg2[%dma_wait3A_822, %dma_wait3A_823] : memref<100000x128xf32, #tpu.memory_space<hbm>> -> memref<100000x128xf32, #tpu.memory_space<hbm>>
    tpu.wait_indirect_dma semaphore(%arg12 : memref<!tpu.dma_semaphore, #tpu.memory_space<semaphore_mem>>) src(%dma_wait3A_824 : memref<100000x128xf32, #tpu.memory_space<hbm>>) dst(%dma_wait3A_816 : memref<112x128xf32, #tpu.memory_space<vmem>>)
    %add3A_825 = arith.constant 61 : i32
    %add3A_826 = arith.addi %mul3A_2, %add3A_825 : i32
    %dma_start3A_827 = arith.constant 5 : i32
    %dma_start3A_828 = arith.constant 0 : i32
    %dma_start3A_829 = arith.constant 0 : i32
    %dma_start3A_830 = tpu.memref_slice %arg6[%dma_start3A_827, %dma_start3A_828, %dma_start3A_829] : memref<8x112x128xf32, #tpu.memory_space<vmem>> -> memref<1x112x128xf32, #tpu.memory_space<vmem>>
    %dma_start3A_831 = tpu.memref_squeeze %dma_start3A_830 : memref<1x112x128xf32, #tpu.memory_space<vmem>> -> memref<112x128xf32, #tpu.memory_space<vmem>>
    %dma_start3A_832 = arith.constant 0 : i32
    %dma_start3A_833 = arith.constant 0 : i32
    %dma_start3A_834 = tpu.memref_slice %arg4[%add3A_826, %dma_start3A_832, %dma_start3A_833] : memref<2048x112x128xf32, #tpu.memory_space<hbm>> -> memref<1x112x128xf32, #tpu.memory_space<hbm>>
    %dma_start3A_835 = tpu.memref_squeeze %dma_start3A_834 : memref<1x112x128xf32, #tpu.memory_space<hbm>> -> memref<112x128xf32, #tpu.memory_space<hbm>>
    %dma_start3A_836 = arith.constant 0 : i32
    %dma_start3A_837 = arith.constant 0 : i32
    %dma_start3A_838 = tpu.memref_slice %arg4[%add3A_826, %dma_start3A_836, %dma_start3A_837] : memref<2048x112x128xf32, #tpu.memory_space<hbm>> -> memref<1x112x128xf32, #tpu.memory_space<hbm>>
    %dma_start3A_839 = tpu.memref_squeeze %dma_start3A_838 : memref<1x112x128xf32, #tpu.memory_space<hbm>> -> memref<112x128xf32, #tpu.memory_space<hbm>>
    %dma_start3A_840 = arith.constant 0 : i32
    %dma_start3A_841 = arith.constant 0 : i32
    %dma_start3A_842 = tpu.memref_slice %arg6[%dma_start3A_827, %dma_start3A_840, %dma_start3A_841] : memref<8x112x128xf32, #tpu.memory_space<vmem>> -> memref<1x112x128xf32, #tpu.memory_space<vmem>>
    %dma_start3A_843 = tpu.memref_squeeze %dma_start3A_842 : memref<1x112x128xf32, #tpu.memory_space<vmem>> -> memref<112x128xf32, #tpu.memory_space<vmem>>
    tpu.enqueue_dma source(%dma_start3A_843 : memref<112x128xf32, #tpu.memory_space<vmem>>) target(%dma_start3A_839 : memref<112x128xf32, #tpu.memory_space<hbm>>) target_semaphore(%arg20 : memref<!tpu.dma_semaphore, #tpu.memory_space<semaphore_mem>>)
    %dma_wait3A_844 = arith.constant 62 : i32
    %dma_wait3A_845 = arith.constant 6 : i32
    %dma_wait3A_846 = arith.constant 0 : i32
    %dma_wait3A_847 = arith.constant 0 : i32
    %dma_wait3A_848 = tpu.memref_slice %arg6[%dma_wait3A_845, %dma_wait3A_846, %dma_wait3A_847] : memref<8x112x128xf32, #tpu.memory_space<vmem>> -> memref<1x112x128xf32, #tpu.memory_space<vmem>>
    %dma_wait3A_849 = tpu.memref_squeeze %dma_wait3A_848 : memref<1x112x128xf32, #tpu.memory_space<vmem>> -> memref<112x128xf32, #tpu.memory_space<vmem>>
    %dma_wait3A_850 = arith.constant 0 : i32
    %dma_wait3A_851 = tpu.memref_slice %arg5[%dma_wait3A_844, %dma_wait3A_850] : memref<64x128xi32, #tpu.memory_space<vmem>> -> memref<1x128xi32, #tpu.memory_space<vmem>>
    %dma_wait3A_852 = tpu.memref_squeeze %dma_wait3A_851 : memref<1x128xi32, #tpu.memory_space<vmem>> -> memref<128xi32, #tpu.memory_space<vmem>>
    %dma_wait3A_853 = arith.constant 0 : i32
    %dma_wait3A_854 = tpu.memref_slice %dma_wait3A_852[%dma_wait3A_853] : memref<128xi32, #tpu.memory_space<vmem>> -> memref<112xi32, #tpu.memory_space<vmem>>
    %dma_wait3A_855 = arith.constant 0 : i32
    %dma_wait3A_856 = arith.constant 0 : i32
    %dma_wait3A_857 = tpu.memref_slice %arg2[%dma_wait3A_855, %dma_wait3A_856] : memref<100000x128xf32, #tpu.memory_space<hbm>> -> memref<100000x128xf32, #tpu.memory_space<hbm>>
    tpu.wait_indirect_dma semaphore(%arg13 : memref<!tpu.dma_semaphore, #tpu.memory_space<semaphore_mem>>) src(%dma_wait3A_857 : memref<100000x128xf32, #tpu.memory_space<hbm>>) dst(%dma_wait3A_849 : memref<112x128xf32, #tpu.memory_space<vmem>>)
    %add3A_858 = arith.constant 62 : i32
    %add3A_859 = arith.addi %mul3A_2, %add3A_858 : i32
    %dma_start3A_860 = arith.constant 6 : i32
    %dma_start3A_861 = arith.constant 0 : i32
    %dma_start3A_862 = arith.constant 0 : i32
    %dma_start3A_863 = tpu.memref_slice %arg6[%dma_start3A_860, %dma_start3A_861, %dma_start3A_862] : memref<8x112x128xf32, #tpu.memory_space<vmem>> -> memref<1x112x128xf32, #tpu.memory_space<vmem>>
    %dma_start3A_864 = tpu.memref_squeeze %dma_start3A_863 : memref<1x112x128xf32, #tpu.memory_space<vmem>> -> memref<112x128xf32, #tpu.memory_space<vmem>>
    %dma_start3A_865 = arith.constant 0 : i32
    %dma_start3A_866 = arith.constant 0 : i32
    %dma_start3A_867 = tpu.memref_slice %arg4[%add3A_859, %dma_start3A_865, %dma_start3A_866] : memref<2048x112x128xf32, #tpu.memory_space<hbm>> -> memref<1x112x128xf32, #tpu.memory_space<hbm>>
    %dma_start3A_868 = tpu.memref_squeeze %dma_start3A_867 : memref<1x112x128xf32, #tpu.memory_space<hbm>> -> memref<112x128xf32, #tpu.memory_space<hbm>>
    %dma_start3A_869 = arith.constant 0 : i32
    %dma_start3A_870 = arith.constant 0 : i32
    %dma_start3A_871 = tpu.memref_slice %arg4[%add3A_859, %dma_start3A_869, %dma_start3A_870] : memref<2048x112x128xf32, #tpu.memory_space<hbm>> -> memref<1x112x128xf32, #tpu.memory_space<hbm>>
    %dma_start3A_872 = tpu.memref_squeeze %dma_start3A_871 : memref<1x112x128xf32, #tpu.memory_space<hbm>> -> memref<112x128xf32, #tpu.memory_space<hbm>>
    %dma_start3A_873 = arith.constant 0 : i32
    %dma_start3A_874 = arith.constant 0 : i32
    %dma_start3A_875 = tpu.memref_slice %arg6[%dma_start3A_860, %dma_start3A_873, %dma_start3A_874] : memref<8x112x128xf32, #tpu.memory_space<vmem>> -> memref<1x112x128xf32, #tpu.memory_space<vmem>>
    %dma_start3A_876 = tpu.memref_squeeze %dma_start3A_875 : memref<1x112x128xf32, #tpu.memory_space<vmem>> -> memref<112x128xf32, #tpu.memory_space<vmem>>
    tpu.enqueue_dma source(%dma_start3A_876 : memref<112x128xf32, #tpu.memory_space<vmem>>) target(%dma_start3A_872 : memref<112x128xf32, #tpu.memory_space<hbm>>) target_semaphore(%arg21 : memref<!tpu.dma_semaphore, #tpu.memory_space<semaphore_mem>>)
    %dma_wait3A_877 = arith.constant 63 : i32
    %dma_wait3A_878 = arith.constant 7 : i32
    %dma_wait3A_879 = arith.constant 0 : i32
    %dma_wait3A_880 = arith.constant 0 : i32
    %dma_wait3A_881 = tpu.memref_slice %arg6[%dma_wait3A_878, %dma_wait3A_879, %dma_wait3A_880] : memref<8x112x128xf32, #tpu.memory_space<vmem>> -> memref<1x112x128xf32, #tpu.memory_space<vmem>>
    %dma_wait3A_882 = tpu.memref_squeeze %dma_wait3A_881 : memref<1x112x128xf32, #tpu.memory_space<vmem>> -> memref<112x128xf32, #tpu.memory_space<vmem>>
    %dma_wait3A_883 = arith.constant 0 : i32
    %dma_wait3A_884 = tpu.memref_slice %arg5[%dma_wait3A_877, %dma_wait3A_883] : memref<64x128xi32, #tpu.memory_space<vmem>> -> memref<1x128xi32, #tpu.memory_space<vmem>>
    %dma_wait3A_885 = tpu.memref_squeeze %dma_wait3A_884 : memref<1x128xi32, #tpu.memory_space<vmem>> -> memref<128xi32, #tpu.memory_space<vmem>>
    %dma_wait3A_886 = arith.constant 0 : i32
    %dma_wait3A_887 = tpu.memref_slice %dma_wait3A_885[%dma_wait3A_886] : memref<128xi32, #tpu.memory_space<vmem>> -> memref<112xi32, #tpu.memory_space<vmem>>
    %dma_wait3A_888 = arith.constant 0 : i32
    %dma_wait3A_889 = arith.constant 0 : i32
    %dma_wait3A_890 = tpu.memref_slice %arg2[%dma_wait3A_888, %dma_wait3A_889] : memref<100000x128xf32, #tpu.memory_space<hbm>> -> memref<100000x128xf32, #tpu.memory_space<hbm>>
    tpu.wait_indirect_dma semaphore(%arg14 : memref<!tpu.dma_semaphore, #tpu.memory_space<semaphore_mem>>) src(%dma_wait3A_890 : memref<100000x128xf32, #tpu.memory_space<hbm>>) dst(%dma_wait3A_882 : memref<112x128xf32, #tpu.memory_space<vmem>>)
    %add3A_891 = arith.constant 63 : i32
    %add3A_892 = arith.addi %mul3A_2, %add3A_891 : i32
    %dma_start3A_893 = arith.constant 7 : i32
    %dma_start3A_894 = arith.constant 0 : i32
    %dma_start3A_895 = arith.constant 0 : i32
    %dma_start3A_896 = tpu.memref_slice %arg6[%dma_start3A_893, %dma_start3A_894, %dma_start3A_895] : memref<8x112x128xf32, #tpu.memory_space<vmem>> -> memref<1x112x128xf32, #tpu.memory_space<vmem>>
    %dma_start3A_897 = tpu.memref_squeeze %dma_start3A_896 : memref<1x112x128xf32, #tpu.memory_space<vmem>> -> memref<112x128xf32, #tpu.memory_space<vmem>>
    %dma_start3A_898 = arith.constant 0 : i32
    %dma_start3A_899 = arith.constant 0 : i32
    %dma_start3A_900 = tpu.memref_slice %arg4[%add3A_892, %dma_start3A_898, %dma_start3A_899] : memref<2048x112x128xf32, #tpu.memory_space<hbm>> -> memref<1x112x128xf32, #tpu.memory_space<hbm>>
    %dma_start3A_901 = tpu.memref_squeeze %dma_start3A_900 : memref<1x112x128xf32, #tpu.memory_space<hbm>> -> memref<112x128xf32, #tpu.memory_space<hbm>>
    %dma_start3A_902 = arith.constant 0 : i32
    %dma_start3A_903 = arith.constant 0 : i32
    %dma_start3A_904 = tpu.memref_slice %arg4[%add3A_892, %dma_start3A_902, %dma_start3A_903] : memref<2048x112x128xf32, #tpu.memory_space<hbm>> -> memref<1x112x128xf32, #tpu.memory_space<hbm>>
    %dma_start3A_905 = tpu.memref_squeeze %dma_start3A_904 : memref<1x112x128xf32, #tpu.memory_space<hbm>> -> memref<112x128xf32, #tpu.memory_space<hbm>>
    %dma_start3A_906 = arith.constant 0 : i32
    %dma_start3A_907 = arith.constant 0 : i32
    %dma_start3A_908 = tpu.memref_slice %arg6[%dma_start3A_893, %dma_start3A_906, %dma_start3A_907] : memref<8x112x128xf32, #tpu.memory_space<vmem>> -> memref<1x112x128xf32, #tpu.memory_space<vmem>>
    %dma_start3A_909 = tpu.memref_squeeze %dma_start3A_908 : memref<1x112x128xf32, #tpu.memory_space<vmem>> -> memref<112x128xf32, #tpu.memory_space<vmem>>
    tpu.enqueue_dma source(%dma_start3A_909 : memref<112x128xf32, #tpu.memory_space<vmem>>) target(%dma_start3A_905 : memref<112x128xf32, #tpu.memory_space<hbm>>) target_semaphore(%arg22 : memref<!tpu.dma_semaphore, #tpu.memory_space<semaphore_mem>>)
    %add3A_910 = arith.constant 56 : i32
    %add3A_911 = arith.addi %mul3A_2, %add3A_910 : i32
    %dma_wait3A_912 = arith.constant 0 : i32
    %dma_wait3A_913 = arith.constant 0 : i32
    %dma_wait3A_914 = arith.constant 0 : i32
    %dma_wait3A_915 = tpu.memref_slice %arg6[%dma_wait3A_912, %dma_wait3A_913, %dma_wait3A_914] : memref<8x112x128xf32, #tpu.memory_space<vmem>> -> memref<1x112x128xf32, #tpu.memory_space<vmem>>
    %dma_wait3A_916 = tpu.memref_squeeze %dma_wait3A_915 : memref<1x112x128xf32, #tpu.memory_space<vmem>> -> memref<112x128xf32, #tpu.memory_space<vmem>>
    %dma_wait3A_917 = arith.constant 0 : i32
    %dma_wait3A_918 = arith.constant 0 : i32
    %dma_wait3A_919 = tpu.memref_slice %arg4[%add3A_911, %dma_wait3A_917, %dma_wait3A_918] : memref<2048x112x128xf32, #tpu.memory_space<hbm>> -> memref<1x112x128xf32, #tpu.memory_space<hbm>>
    %dma_wait3A_920 = tpu.memref_squeeze %dma_wait3A_919 : memref<1x112x128xf32, #tpu.memory_space<hbm>> -> memref<112x128xf32, #tpu.memory_space<hbm>>
    %dma_wait3A_921 = arith.constant 0 : i32
    %dma_wait3A_922 = arith.constant 0 : i32
    %dma_wait3A_923 = tpu.memref_slice %arg4[%add3A_911, %dma_wait3A_921, %dma_wait3A_922] : memref<2048x112x128xf32, #tpu.memory_space<hbm>> -> memref<1x112x128xf32, #tpu.memory_space<hbm>>
    %dma_wait3A_924 = tpu.memref_squeeze %dma_wait3A_923 : memref<1x112x128xf32, #tpu.memory_space<hbm>> -> memref<112x128xf32, #tpu.memory_space<hbm>>
    %dma_wait3A_925 = arith.constant 0 : i32
    %dma_wait3A_926 = arith.constant 0 : i32
    %dma_wait3A_927 = tpu.memref_slice %arg6[%dma_wait3A_912, %dma_wait3A_925, %dma_wait3A_926] : memref<8x112x128xf32, #tpu.memory_space<vmem>> -> memref<1x112x128xf32, #tpu.memory_space<vmem>>
    %dma_wait3A_928 = tpu.memref_squeeze %dma_wait3A_927 : memref<1x112x128xf32, #tpu.memory_space<vmem>> -> memref<112x128xf32, #tpu.memory_space<vmem>>
    tpu.wait_dma2 semaphore(%arg15 : memref<!tpu.dma_semaphore, #tpu.memory_space<semaphore_mem>>) src(%dma_wait3A_928 : memref<112x128xf32, #tpu.memory_space<vmem>>) dst(%dma_wait3A_924 : memref<112x128xf32, #tpu.memory_space<hbm>>)
    %add3A_929 = arith.constant 57 : i32
    %add3A_930 = arith.addi %mul3A_2, %add3A_929 : i32
    %dma_wait3A_931 = arith.constant 1 : i32
    %dma_wait3A_932 = arith.constant 0 : i32
    %dma_wait3A_933 = arith.constant 0 : i32
    %dma_wait3A_934 = tpu.memref_slice %arg6[%dma_wait3A_931, %dma_wait3A_932, %dma_wait3A_933] : memref<8x112x128xf32, #tpu.memory_space<vmem>> -> memref<1x112x128xf32, #tpu.memory_space<vmem>>
    %dma_wait3A_935 = tpu.memref_squeeze %dma_wait3A_934 : memref<1x112x128xf32, #tpu.memory_space<vmem>> -> memref<112x128xf32, #tpu.memory_space<vmem>>
    %dma_wait3A_936 = arith.constant 0 : i32
    %dma_wait3A_937 = arith.constant 0 : i32
    %dma_wait3A_938 = tpu.memref_slice %arg4[%add3A_930, %dma_wait3A_936, %dma_wait3A_937] : memref<2048x112x128xf32, #tpu.memory_space<hbm>> -> memref<1x112x128xf32, #tpu.memory_space<hbm>>
    %dma_wait3A_939 = tpu.memref_squeeze %dma_wait3A_938 : memref<1x112x128xf32, #tpu.memory_space<hbm>> -> memref<112x128xf32, #tpu.memory_space<hbm>>
    %dma_wait3A_940 = arith.constant 0 : i32
    %dma_wait3A_941 = arith.constant 0 : i32
    %dma_wait3A_942 = tpu.memref_slice %arg4[%add3A_930, %dma_wait3A_940, %dma_wait3A_941] : memref<2048x112x128xf32, #tpu.memory_space<hbm>> -> memref<1x112x128xf32, #tpu.memory_space<hbm>>
    %dma_wait3A_943 = tpu.memref_squeeze %dma_wait3A_942 : memref<1x112x128xf32, #tpu.memory_space<hbm>> -> memref<112x128xf32, #tpu.memory_space<hbm>>
    %dma_wait3A_944 = arith.constant 0 : i32
    %dma_wait3A_945 = arith.constant 0 : i32
    %dma_wait3A_946 = tpu.memref_slice %arg6[%dma_wait3A_931, %dma_wait3A_944, %dma_wait3A_945] : memref<8x112x128xf32, #tpu.memory_space<vmem>> -> memref<1x112x128xf32, #tpu.memory_space<vmem>>
    %dma_wait3A_947 = tpu.memref_squeeze %dma_wait3A_946 : memref<1x112x128xf32, #tpu.memory_space<vmem>> -> memref<112x128xf32, #tpu.memory_space<vmem>>
    tpu.wait_dma2 semaphore(%arg16 : memref<!tpu.dma_semaphore, #tpu.memory_space<semaphore_mem>>) src(%dma_wait3A_947 : memref<112x128xf32, #tpu.memory_space<vmem>>) dst(%dma_wait3A_943 : memref<112x128xf32, #tpu.memory_space<hbm>>)
    %add3A_948 = arith.constant 58 : i32
    %add3A_949 = arith.addi %mul3A_2, %add3A_948 : i32
    %dma_wait3A_950 = arith.constant 2 : i32
    %dma_wait3A_951 = arith.constant 0 : i32
    %dma_wait3A_952 = arith.constant 0 : i32
    %dma_wait3A_953 = tpu.memref_slice %arg6[%dma_wait3A_950, %dma_wait3A_951, %dma_wait3A_952] : memref<8x112x128xf32, #tpu.memory_space<vmem>> -> memref<1x112x128xf32, #tpu.memory_space<vmem>>
    %dma_wait3A_954 = tpu.memref_squeeze %dma_wait3A_953 : memref<1x112x128xf32, #tpu.memory_space<vmem>> -> memref<112x128xf32, #tpu.memory_space<vmem>>
    %dma_wait3A_955 = arith.constant 0 : i32
    %dma_wait3A_956 = arith.constant 0 : i32
    %dma_wait3A_957 = tpu.memref_slice %arg4[%add3A_949, %dma_wait3A_955, %dma_wait3A_956] : memref<2048x112x128xf32, #tpu.memory_space<hbm>> -> memref<1x112x128xf32, #tpu.memory_space<hbm>>
    %dma_wait3A_958 = tpu.memref_squeeze %dma_wait3A_957 : memref<1x112x128xf32, #tpu.memory_space<hbm>> -> memref<112x128xf32, #tpu.memory_space<hbm>>
    %dma_wait3A_959 = arith.constant 0 : i32
    %dma_wait3A_960 = arith.constant 0 : i32
    %dma_wait3A_961 = tpu.memref_slice %arg4[%add3A_949, %dma_wait3A_959, %dma_wait3A_960] : memref<2048x112x128xf32, #tpu.memory_space<hbm>> -> memref<1x112x128xf32, #tpu.memory_space<hbm>>
    %dma_wait3A_962 = tpu.memref_squeeze %dma_wait3A_961 : memref<1x112x128xf32, #tpu.memory_space<hbm>> -> memref<112x128xf32, #tpu.memory_space<hbm>>
    %dma_wait3A_963 = arith.constant 0 : i32
    %dma_wait3A_964 = arith.constant 0 : i32
    %dma_wait3A_965 = tpu.memref_slice %arg6[%dma_wait3A_950, %dma_wait3A_963, %dma_wait3A_964] : memref<8x112x128xf32, #tpu.memory_space<vmem>> -> memref<1x112x128xf32, #tpu.memory_space<vmem>>
    %dma_wait3A_966 = tpu.memref_squeeze %dma_wait3A_965 : memref<1x112x128xf32, #tpu.memory_space<vmem>> -> memref<112x128xf32, #tpu.memory_space<vmem>>
    tpu.wait_dma2 semaphore(%arg17 : memref<!tpu.dma_semaphore, #tpu.memory_space<semaphore_mem>>) src(%dma_wait3A_966 : memref<112x128xf32, #tpu.memory_space<vmem>>) dst(%dma_wait3A_962 : memref<112x128xf32, #tpu.memory_space<hbm>>)
    %add3A_967 = arith.constant 59 : i32
    %add3A_968 = arith.addi %mul3A_2, %add3A_967 : i32
    %dma_wait3A_969 = arith.constant 3 : i32
    %dma_wait3A_970 = arith.constant 0 : i32
    %dma_wait3A_971 = arith.constant 0 : i32
    %dma_wait3A_972 = tpu.memref_slice %arg6[%dma_wait3A_969, %dma_wait3A_970, %dma_wait3A_971] : memref<8x112x128xf32, #tpu.memory_space<vmem>> -> memref<1x112x128xf32, #tpu.memory_space<vmem>>
    %dma_wait3A_973 = tpu.memref_squeeze %dma_wait3A_972 : memref<1x112x128xf32, #tpu.memory_space<vmem>> -> memref<112x128xf32, #tpu.memory_space<vmem>>
    %dma_wait3A_974 = arith.constant 0 : i32
    %dma_wait3A_975 = arith.constant 0 : i32
    %dma_wait3A_976 = tpu.memref_slice %arg4[%add3A_968, %dma_wait3A_974, %dma_wait3A_975] : memref<2048x112x128xf32, #tpu.memory_space<hbm>> -> memref<1x112x128xf32, #tpu.memory_space<hbm>>
    %dma_wait3A_977 = tpu.memref_squeeze %dma_wait3A_976 : memref<1x112x128xf32, #tpu.memory_space<hbm>> -> memref<112x128xf32, #tpu.memory_space<hbm>>
    %dma_wait3A_978 = arith.constant 0 : i32
    %dma_wait3A_979 = arith.constant 0 : i32
    %dma_wait3A_980 = tpu.memref_slice %arg4[%add3A_968, %dma_wait3A_978, %dma_wait3A_979] : memref<2048x112x128xf32, #tpu.memory_space<hbm>> -> memref<1x112x128xf32, #tpu.memory_space<hbm>>
    %dma_wait3A_981 = tpu.memref_squeeze %dma_wait3A_980 : memref<1x112x128xf32, #tpu.memory_space<hbm>> -> memref<112x128xf32, #tpu.memory_space<hbm>>
    %dma_wait3A_982 = arith.constant 0 : i32
    %dma_wait3A_983 = arith.constant 0 : i32
    %dma_wait3A_984 = tpu.memref_slice %arg6[%dma_wait3A_969, %dma_wait3A_982, %dma_wait3A_983] : memref<8x112x128xf32, #tpu.memory_space<vmem>> -> memref<1x112x128xf32, #tpu.memory_space<vmem>>
    %dma_wait3A_985 = tpu.memref_squeeze %dma_wait3A_984 : memref<1x112x128xf32, #tpu.memory_space<vmem>> -> memref<112x128xf32, #tpu.memory_space<vmem>>
    tpu.wait_dma2 semaphore(%arg18 : memref<!tpu.dma_semaphore, #tpu.memory_space<semaphore_mem>>) src(%dma_wait3A_985 : memref<112x128xf32, #tpu.memory_space<vmem>>) dst(%dma_wait3A_981 : memref<112x128xf32, #tpu.memory_space<hbm>>)
    %add3A_986 = arith.constant 60 : i32
    %add3A_987 = arith.addi %mul3A_2, %add3A_986 : i32
    %dma_wait3A_988 = arith.constant 4 : i32
    %dma_wait3A_989 = arith.constant 0 : i32
    %dma_wait3A_990 = arith.constant 0 : i32
    %dma_wait3A_991 = tpu.memref_slice %arg6[%dma_wait3A_988, %dma_wait3A_989, %dma_wait3A_990] : memref<8x112x128xf32, #tpu.memory_space<vmem>> -> memref<1x112x128xf32, #tpu.memory_space<vmem>>
    %dma_wait3A_992 = tpu.memref_squeeze %dma_wait3A_991 : memref<1x112x128xf32, #tpu.memory_space<vmem>> -> memref<112x128xf32, #tpu.memory_space<vmem>>
    %dma_wait3A_993 = arith.constant 0 : i32
    %dma_wait3A_994 = arith.constant 0 : i32
    %dma_wait3A_995 = tpu.memref_slice %arg4[%add3A_987, %dma_wait3A_993, %dma_wait3A_994] : memref<2048x112x128xf32, #tpu.memory_space<hbm>> -> memref<1x112x128xf32, #tpu.memory_space<hbm>>
    %dma_wait3A_996 = tpu.memref_squeeze %dma_wait3A_995 : memref<1x112x128xf32, #tpu.memory_space<hbm>> -> memref<112x128xf32, #tpu.memory_space<hbm>>
    %dma_wait3A_997 = arith.constant 0 : i32
    %dma_wait3A_998 = arith.constant 0 : i32
    %dma_wait3A_999 = tpu.memref_slice %arg4[%add3A_987, %dma_wait3A_997, %dma_wait3A_998] : memref<2048x112x128xf32, #tpu.memory_space<hbm>> -> memref<1x112x128xf32, #tpu.memory_space<hbm>>
    %dma_wait3A_1000 = tpu.memref_squeeze %dma_wait3A_999 : memref<1x112x128xf32, #tpu.memory_space<hbm>> -> memref<112x128xf32, #tpu.memory_space<hbm>>
    %dma_wait3A_1001 = arith.constant 0 : i32
    %dma_wait3A_1002 = arith.constant 0 : i32
    %dma_wait3A_1003 = tpu.memref_slice %arg6[%dma_wait3A_988, %dma_wait3A_1001, %dma_wait3A_1002] : memref<8x112x128xf32, #tpu.memory_space<vmem>> -> memref<1x112x128xf32, #tpu.memory_space<vmem>>
    %dma_wait3A_1004 = tpu.memref_squeeze %dma_wait3A_1003 : memref<1x112x128xf32, #tpu.memory_space<vmem>> -> memref<112x128xf32, #tpu.memory_space<vmem>>
    tpu.wait_dma2 semaphore(%arg19 : memref<!tpu.dma_semaphore, #tpu.memory_space<semaphore_mem>>) src(%dma_wait3A_1004 : memref<112x128xf32, #tpu.memory_space<vmem>>) dst(%dma_wait3A_1000 : memref<112x128xf32, #tpu.memory_space<hbm>>)
    %add3A_1005 = arith.constant 61 : i32
    %add3A_1006 = arith.addi %mul3A_2, %add3A_1005 : i32
    %dma_wait3A_1007 = arith.constant 5 : i32
    %dma_wait3A_1008 = arith.constant 0 : i32
    %dma_wait3A_1009 = arith.constant 0 : i32
    %dma_wait3A_1010 = tpu.memref_slice %arg6[%dma_wait3A_1007, %dma_wait3A_1008, %dma_wait3A_1009] : memref<8x112x128xf32, #tpu.memory_space<vmem>> -> memref<1x112x128xf32, #tpu.memory_space<vmem>>
    %dma_wait3A_1011 = tpu.memref_squeeze %dma_wait3A_1010 : memref<1x112x128xf32, #tpu.memory_space<vmem>> -> memref<112x128xf32, #tpu.memory_space<vmem>>
    %dma_wait3A_1012 = arith.constant 0 : i32
    %dma_wait3A_1013 = arith.constant 0 : i32
    %dma_wait3A_1014 = tpu.memref_slice %arg4[%add3A_1006, %dma_wait3A_1012, %dma_wait3A_1013] : memref<2048x112x128xf32, #tpu.memory_space<hbm>> -> memref<1x112x128xf32, #tpu.memory_space<hbm>>
    %dma_wait3A_1015 = tpu.memref_squeeze %dma_wait3A_1014 : memref<1x112x128xf32, #tpu.memory_space<hbm>> -> memref<112x128xf32, #tpu.memory_space<hbm>>
    %dma_wait3A_1016 = arith.constant 0 : i32
    %dma_wait3A_1017 = arith.constant 0 : i32
    %dma_wait3A_1018 = tpu.memref_slice %arg4[%add3A_1006, %dma_wait3A_1016, %dma_wait3A_1017] : memref<2048x112x128xf32, #tpu.memory_space<hbm>> -> memref<1x112x128xf32, #tpu.memory_space<hbm>>
    %dma_wait3A_1019 = tpu.memref_squeeze %dma_wait3A_1018 : memref<1x112x128xf32, #tpu.memory_space<hbm>> -> memref<112x128xf32, #tpu.memory_space<hbm>>
    %dma_wait3A_1020 = arith.constant 0 : i32
    %dma_wait3A_1021 = arith.constant 0 : i32
    %dma_wait3A_1022 = tpu.memref_slice %arg6[%dma_wait3A_1007, %dma_wait3A_1020, %dma_wait3A_1021] : memref<8x112x128xf32, #tpu.memory_space<vmem>> -> memref<1x112x128xf32, #tpu.memory_space<vmem>>
    %dma_wait3A_1023 = tpu.memref_squeeze %dma_wait3A_1022 : memref<1x112x128xf32, #tpu.memory_space<vmem>> -> memref<112x128xf32, #tpu.memory_space<vmem>>
    tpu.wait_dma2 semaphore(%arg20 : memref<!tpu.dma_semaphore, #tpu.memory_space<semaphore_mem>>) src(%dma_wait3A_1023 : memref<112x128xf32, #tpu.memory_space<vmem>>) dst(%dma_wait3A_1019 : memref<112x128xf32, #tpu.memory_space<hbm>>)
    %add3A_1024 = arith.constant 62 : i32
    %add3A_1025 = arith.addi %mul3A_2, %add3A_1024 : i32
    %dma_wait3A_1026 = arith.constant 6 : i32
    %dma_wait3A_1027 = arith.constant 0 : i32
    %dma_wait3A_1028 = arith.constant 0 : i32
    %dma_wait3A_1029 = tpu.memref_slice %arg6[%dma_wait3A_1026, %dma_wait3A_1027, %dma_wait3A_1028] : memref<8x112x128xf32, #tpu.memory_space<vmem>> -> memref<1x112x128xf32, #tpu.memory_space<vmem>>
    %dma_wait3A_1030 = tpu.memref_squeeze %dma_wait3A_1029 : memref<1x112x128xf32, #tpu.memory_space<vmem>> -> memref<112x128xf32, #tpu.memory_space<vmem>>
    %dma_wait3A_1031 = arith.constant 0 : i32
    %dma_wait3A_1032 = arith.constant 0 : i32
    %dma_wait3A_1033 = tpu.memref_slice %arg4[%add3A_1025, %dma_wait3A_1031, %dma_wait3A_1032] : memref<2048x112x128xf32, #tpu.memory_space<hbm>> -> memref<1x112x128xf32, #tpu.memory_space<hbm>>
    %dma_wait3A_1034 = tpu.memref_squeeze %dma_wait3A_1033 : memref<1x112x128xf32, #tpu.memory_space<hbm>> -> memref<112x128xf32, #tpu.memory_space<hbm>>
    %dma_wait3A_1035 = arith.constant 0 : i32
    %dma_wait3A_1036 = arith.constant 0 : i32
    %dma_wait3A_1037 = tpu.memref_slice %arg4[%add3A_1025, %dma_wait3A_1035, %dma_wait3A_1036] : memref<2048x112x128xf32, #tpu.memory_space<hbm>> -> memref<1x112x128xf32, #tpu.memory_space<hbm>>
    %dma_wait3A_1038 = tpu.memref_squeeze %dma_wait3A_1037 : memref<1x112x128xf32, #tpu.memory_space<hbm>> -> memref<112x128xf32, #tpu.memory_space<hbm>>
    %dma_wait3A_1039 = arith.constant 0 : i32
    %dma_wait3A_1040 = arith.constant 0 : i32
    %dma_wait3A_1041 = tpu.memref_slice %arg6[%dma_wait3A_1026, %dma_wait3A_1039, %dma_wait3A_1040] : memref<8x112x128xf32, #tpu.memory_space<vmem>> -> memref<1x112x128xf32, #tpu.memory_space<vmem>>
    %dma_wait3A_1042 = tpu.memref_squeeze %dma_wait3A_1041 : memref<1x112x128xf32, #tpu.memory_space<vmem>> -> memref<112x128xf32, #tpu.memory_space<vmem>>
    tpu.wait_dma2 semaphore(%arg21 : memref<!tpu.dma_semaphore, #tpu.memory_space<semaphore_mem>>) src(%dma_wait3A_1042 : memref<112x128xf32, #tpu.memory_space<vmem>>) dst(%dma_wait3A_1038 : memref<112x128xf32, #tpu.memory_space<hbm>>)
    %add3A_1043 = arith.constant 63 : i32
    %add3A_1044 = arith.addi %mul3A_2, %add3A_1043 : i32
    %dma_wait3A_1045 = arith.constant 7 : i32
    %dma_wait3A_1046 = arith.constant 0 : i32
    %dma_wait3A_1047 = arith.constant 0 : i32
    %dma_wait3A_1048 = tpu.memref_slice %arg6[%dma_wait3A_1045, %dma_wait3A_1046, %dma_wait3A_1047] : memref<8x112x128xf32, #tpu.memory_space<vmem>> -> memref<1x112x128xf32, #tpu.memory_space<vmem>>
    %dma_wait3A_1049 = tpu.memref_squeeze %dma_wait3A_1048 : memref<1x112x128xf32, #tpu.memory_space<vmem>> -> memref<112x128xf32, #tpu.memory_space<vmem>>
    %dma_wait3A_1050 = arith.constant 0 : i32
    %dma_wait3A_1051 = arith.constant 0 : i32
    %dma_wait3A_1052 = tpu.memref_slice %arg4[%add3A_1044, %dma_wait3A_1050, %dma_wait3A_1051] : memref<2048x112x128xf32, #tpu.memory_space<hbm>> -> memref<1x112x128xf32, #tpu.memory_space<hbm>>
    %dma_wait3A_1053 = tpu.memref_squeeze %dma_wait3A_1052 : memref<1x112x128xf32, #tpu.memory_space<hbm>> -> memref<112x128xf32, #tpu.memory_space<hbm>>
    %dma_wait3A_1054 = arith.constant 0 : i32
    %dma_wait3A_1055 = arith.constant 0 : i32
    %dma_wait3A_1056 = tpu.memref_slice %arg4[%add3A_1044, %dma_wait3A_1054, %dma_wait3A_1055] : memref<2048x112x128xf32, #tpu.memory_space<hbm>> -> memref<1x112x128xf32, #tpu.memory_space<hbm>>
    %dma_wait3A_1057 = tpu.memref_squeeze %dma_wait3A_1056 : memref<1x112x128xf32, #tpu.memory_space<hbm>> -> memref<112x128xf32, #tpu.memory_space<hbm>>
    %dma_wait3A_1058 = arith.constant 0 : i32
    %dma_wait3A_1059 = arith.constant 0 : i32
    %dma_wait3A_1060 = tpu.memref_slice %arg6[%dma_wait3A_1045, %dma_wait3A_1058, %dma_wait3A_1059] : memref<8x112x128xf32, #tpu.memory_space<vmem>> -> memref<1x112x128xf32, #tpu.memory_space<vmem>>
    %dma_wait3A_1061 = tpu.memref_squeeze %dma_wait3A_1060 : memref<1x112x128xf32, #tpu.memory_space<vmem>> -> memref<112x128xf32, #tpu.memory_space<vmem>>
    tpu.wait_dma2 semaphore(%arg22 : memref<!tpu.dma_semaphore, #tpu.memory_space<semaphore_mem>>) src(%dma_wait3A_1061 : memref<112x128xf32, #tpu.memory_space<vmem>>) dst(%dma_wait3A_1057 : memref<112x128xf32, #tpu.memory_space<hbm>>)
    return
  }
}

</mosaic_0001>

<sc_bundles>
// kernel: kernel.3.cloned.1.call-start
scs
__scs_entry_jumppad:
0x0: {  	(pc) =	sbr.rel $0x88, $3  }
0x1: {  	(tag) =	ssettag $0x0;
	lr =	simm.s32 $0x1  }
0x2: {  	[smem:$0x3F9F] =	sst lr;
	_ =	strace $0xD0000000  }
0x3: {  	_ = 	snop  }
0x4: {  	_ = 	snop  }
0x5: {  	_ = 	snop  }
0x6: {  	_ = 	snop  }
0x7: {  	_ = 	snop  }
__scs_overlays_trampoline_lowered:
0x8: {  	[smem:$0x3FAE] =	sst s0  }
0x9: {  	[smem:$0x3FAF] =	sst s1  }
0xa: {  	[smem:$0x3FB0] =	sst s2  }
0xb: {  	[smem:$0x3FB1] =	sst s3  }
0xc: {  	[smem:$0x3FB2] =	sst s4  }
0xd: {  	[smem:$0x3FB3] =	sst s5  }
0xe: {  	[smem:$0x3FB4] =	sst s6  }
0xf: {  	[smem:$0x3FB5] =	sst s7  }
0x10: {  	[smem:$0x3FB6] =	sst s8  }
0x11: {  	[smem:$0x3FB7] =	sst s9;
	s0 =	simm.s32 @!p0 $0x0  }
0x12: {  	s1 =	sld [smem:$0x3F9D];
	s0 =	simm.s32 @p0 $0x1  }
0x13: {  	[smem:$0x3FB8] =	sst s0;
	s0 =	simm.s32 @!p1 $0x0  }
0x14: {  	s2 =	sld [smem:$0x3F9C];
	s0 =	simm.s32 @p1 $0x1  }
0x15: {  	[smem:$0x3FB9] =	sst s0;
	s0 =	simm.s32 @!p2 $0x0  }
0x16: {  	s3 =	sld [smem:$0x3FDB];
	s0 =	simm.s32 @p2 $0x1  }
0x17: {  	s4 =	simm.s32 $0x1BF5;
	[smem:$0x3FBB] =	sst s0  }
0x18: {  	s0 =	sld [smem:$0x3F9E];
	_ =	swait.ge [sflag:s4], $0x0  }
0x19: {  	s7 =	sld [smem:$0x3F9F]  }
0x1a: {  	s8 =	sadd.s32 $0xFFFFE003, lr  }
0x1b: {  	s9 =	sadd.s32 $0xFFFFFEF7, lr;
	s5 =	simm.s32 $0xFFFFFFFF;
	p2 =	slt.u32 s8, $0xFFFFF086  }
0x1c: {  	p1 =	slt.u32 s9, $0xF7A;
	s5 =	simm.s32 @!p2 $0x0  }
0x1d: {  	s5 =	simm.s32 @p1 $0x1;
	p0 =	seq.s32 s7, s2  }
0x1e: {  	s7 =	smul.u32 @!p0 $0xF7A, s2;
	p2 =	seq.s32 @!p0 s5, $0x0  }
0x1f: {  	s9 =	smul.u32 $0xF7A, s1;
	s8 =	simm.s32 @!p0 $0x1BF5;
	p2 =	por !p2, p0  }
0x20: {  	[sflag:s8] =	ssyncset.s32 @!p0 $0xFFFFF086;
	s6 =	sadd.s32 @!p0 s3, s7;
	s7 =	simm.s32 @!p0 $0x108  }
0x21: {  	s3 =	sadd.s32 s3, s9;
	s6 =	sadd.s32 @!p0 $0x88, s6;
	s7 =	simm.s32 @p2 $0x1082  }
0x22: {  	[simem:s7], [sflag:s8] =	dma.local @!p0 [hbm:s6], $0xF7A  }
0x23: {  	s9 =	sor.u32 $0xD0000000, s2;
	s6 =	simm.s32 $0x108;
	_ =	swait.ge @!p0 [sflag:s8], $0x0  }
0x24: {  	s3 =	sadd.s32 $0x88, s3;
	s6 =	simm.s32 @!p1 $0x1082;
	[sflag:s4] =	ssyncset.s32 $0xFFFFF086  }
0x25: {  	[simem:s6], [sflag:s4] =	dma.local [hbm:s3], $0xF7A  }
0x26: {  	[smem:$0x3F9F] =	sst s1;
	(tag) =	ssettag s2;
	_ =	strace s9  }
0x27: {  	s1 =	sld [smem:$0x3FAF]  }
0x28: {  	s2 =	sld [smem:$0x3FB0]  }
0x29: {  	s4 =	sld [smem:$0x3FB2]  }
0x2a: {  	p0 =	seq.s32 s5, $0x0;
	s5 =	sld [smem:$0x3FB3]  }
0x2b: {  	s6 =	sld [smem:$0x3FB4]  }
0x2c: {  	s7 =	sld [smem:$0x3FB5]  }
0x2d: {  	s3 =	simm.s32 $0x108;
	s8 =	sld [smem:$0x3FB6]  }
0x2e: {  	s3 =	simm.s32 @!p0 $0x1082;
	s9 =	sld [smem:$0x3FB7]  }
0x2f: {  	lr =	sadd.s32 s0, s3;
	s0 =	sld [smem:$0x3FAE]  }
0x30: {  	s3 =	sld [smem:$0x3FB1]  }
0x31: {  	[smem:$0x3FBA] =	sst s10  }
0x32: {  	s10 =	sld [smem:$0x3FB8];
	_ =	sdelay $0x3  }
0x33: {  	p0 =	seq.s32 s10, $0x1;
	s10 =	sld [smem:$0x3FBA];
	_ =	sdelay $0x3  }
0x34: {  	[smem:$0x3FBA] =	sst s10  }
0x35: {  	s10 =	sld [smem:$0x3FB9];
	_ =	sdelay $0x3  }
0x36: {  	p1 =	seq.s32 s10, $0x1;
	s10 =	sld [smem:$0x3FBA];
	_ =	sdelay $0x3  }
0x37: {  	[smem:$0x3FBA] =	sst s10  }
0x38: {  	s10 =	sld [smem:$0x3FBB]  }
0x39: {  	_ = 	snop;
	(pc) =	sbr.ind lr, $3  }
0x3a: {  	_ = 	snop  }
0x3b: {  	_ = 	snop  }
0x3c: {  	p2 =	seq.s32 s10, $0x1;
	s10 =	sld [smem:$0x3FBA]  }
0x3d: {  	_ =	shalt  }
0x3e: {  	_ =	shalt  }
0x3f: {  	_ =	shalt  }
0x40: {  	_ =	shalt  }
0x41: {  	_ =	shalt  }
0x42: {  	_ =	shalt  }
0x43: {  	_ =	shalt  }
0x44: {  	_ =	shalt  }
0x45: {  	_ =	shalt  }
0x46: {  	_ =	shalt  }
0x47: {  	_ =	shalt  }
0x48: {  	_ =	shalt  }
0x49: {  	_ =	shalt  }
0x4a: {  	_ =	shalt  }
0x4b: {  	_ =	shalt  }
0x4c: {  	_ =	shalt  }
0x4d: {  	_ =	shalt  }
0x4e: {  	_ =	shalt  }
0x4f: {  	_ =	shalt  }
0x50: {  	_ =	shalt  }
0x51: {  	_ =	shalt  }
0x52: {  	_ =	shalt  }
0x53: {  	_ =	shalt  }
0x54: {  	_ =	shalt  }
0x55: {  	_ =	shalt  }
0x56: {  	_ =	shalt  }
0x57: {  	_ =	shalt  }
0x58: {  	_ =	shalt  }
0x59: {  	_ =	shalt  }
0x5a: {  	_ =	shalt  }
0x5b: {  	_ =	shalt  }
0x5c: {  	_ =	shalt  }
0x5d: {  	_ =	shalt  }
0x5e: {  	_ =	shalt  }
0x5f: {  	_ =	shalt  }
0x60: {  	_ =	shalt  }
0x61: {  	_ =	shalt  }
0x62: {  	_ =	shalt  }
0x63: {  	_ =	shalt  }
0x64: {  	_ =	shalt  }
0x65: {  	_ =	shalt  }
0x66: {  	_ =	shalt  }
0x67: {  	_ =	shalt  }
0x68: {  	_ =	shalt  }
0x69: {  	_ =	shalt  }
0x6a: {  	_ =	shalt  }
0x6b: {  	_ =	shalt  }
0x6c: {  	_ =	shalt  }
0x6d: {  	_ =	shalt  }
0x6e: {  	_ =	shalt  }
0x6f: {  	_ =	shalt  }
0x70: {  	_ =	shalt  }
0x71: {  	_ =	shalt  }
0x72: {  	_ =	shalt  }
0x73: {  	_ =	shalt  }
0x74: {  	_ =	shalt  }
0x75: {  	_ =	shalt  }
0x76: {  	_ =	shalt  }
0x77: {  	_ =	shalt  }
0x78: {  	_ =	shalt  }
0x79: {  	_ =	shalt  }
0x7a: {  	_ =	shalt  }
0x7b: {  	_ =	shalt  }
0x7c: {  	_ =	shalt  }
0x7d: {  	_ =	shalt  }
0x7e: {  	_ =	shalt  }
0x7f: {  	_ =	shalt  }
0x80: {  	_ =	shalt  }
0x81: {  	_ =	shalt  }
0x82: {  	_ =	shalt  }
0x83: {  	_ =	shalt  }
0x84: {  	_ =	shalt  }
0x85: {  	_ =	shalt  }
0x86: {  	_ =	shalt  }
0x87: {  	_ =	shalt  }
.Lfunc_end0:
.L_simem_size_0:
called_computation.1_lowered:
.L_overlay_start_0:
0x88: {  	s2 =	sld [smem:$0x3FD9]  }
0x89: {  	s3 =	sld [smem:$0x3FFE];
	_ =	sdelay $0x1  }
0x8a: {  	s1 =	srdreg.scid  }
0x8b: {  	s0 =	sand.u32 $0x1, s1  }
0x8c: {  	s16 =	sshll.u32 s0, $0xA;
	s2 =	sadd.s32 s3, s2  }
0x8d: {  	s2 =	sadd.s32 s2, s16  }
0x8e: {  	[smem:$0x3FC6] =	sst s2  }
0x8f: {  	_ = 	snop  }
0x90: {  	(tm) =	ssettm $0x1  }
0x91: {  	s17 =	sld [smem:$0x3FFB];
	_ =	sdelay $0x3  }
0x92: {  	_ =	strace s17  }
0x93: {  	s2 =	sld [smem:$0x3FFC];
	_ =	sdelay $0x3  }
0x94: {  	_ =	strace s2  }
0x95: {  	s2 =	sld [smem:$0x3FFD];
	_ =	sdelay $0x3  }
0x96: {  	_ =	strace s2  }
0x97: {  	_ =	strace $0x8FFFFFFF  }
0x98: {  	s18 =	sld [smem:$0x3FDB];
	_ =	sdelay $0x1  }
0x99: {  	s19 =	simm.s32 $_scs_section_size  }
0x9a: {  	s4 =	simm.s32 $_size__tile_overlayer_lowered;
	s5 =	simm.s32 $_tile_overlayer_lowered  }
0x9b: {  	s22 =	simm.s32 $0x1BFF;
	s21 =	sshll.u32 s5, $0x1;
	s2 =	sadd.s32 s19, s18  }
0x9c: {  	s6 =	simm.s32 $0x0;
	s20 =	sshll.u32 s4, $0x1;
	s4 =	sadd.s32 s21, s2  }
0x9d: {  	[timem:s6], [sflag:s22] =	dma.local [hbm:s4], s20  }
0x9e: {  	_ =	swait.ge [sflag:s22], s20  }
0x9f: {  	s3 =	ssub.s32 $0x0, s20;
	[sflag:s22] =	ssyncset.done $0x0  }
0xa0: {  	[sflag:s22] =	ssyncadd.s32 s3;
	_ =	sdelay $0x1  }
0xa1: {  	s23 =	simm.s32 $0x1B8B  }
0xa2: {  	_ =	swait.ge [sflag:s23], $0x1  }
0xa3: {  	[sflag:s23] =	ssyncset.done $0x0  }
0xa4: {  	s25 =	simm.s32 $0x1B8E;
	s24 =	sld [smem:$0x3FFE];
	[sflag:s23] =	ssyncadd.s32 $0xFFFFFFFF  }
0xa5: {  	s26 =	simm.s32 $execute0_lowered;
	[smem:$0x3FD2] =	sst s25  }
0xa6: {  	s4 =	sshll.u32 s26, $0x1;
	_ =	strace $0x80000046;
	[dreg:$0x1] =	wrdreg $0xFFFFFFFF  }
0xa7: {  	s28 =	simm.s32 $_size_execute0_lowered;
	s2 =	sadd.s32 s2, s4;
	[dreg:$0x0] =	wrdreg $0x0  }
0xa8: {  	s4 =	sshll.u32 s28, $0x1;
	[dreg:$0x2] =	wrdreg s2  }
0xa9: {  	[dreg:$0x3] =	wrdreg s4  }
0xaa: {  	[dreg:$0x4] =	wrdreg $0xC0  }
0xab: {  	_ =	task [dreg:s6], $0x5FFFF  }
0xac: {  	[dreg:$0x1] =	wrdreg $0xFFFFFFFF  }
0xad: {  	[dreg:$0x0] =	wrdreg $0x60  }
0xae: {  	[dreg:$0x2] =	wrdreg s24  }
0xaf: {  	[dreg:$0x3] =	wrdreg $0x9  }
0xb0: {  	_ =	task.clear_ibuf [dreg:s6], $0x4FFFF;
	_ =	strace $0x90000046  }
0xb1: {  	s29 =	simm.s32 $0x9;
	_ =	strace $0x80000048  }
0xb2: {  	_ =	swait.ge [sflag:s29], $0x1  }
0xb3: {  	[sflag:s29] =	ssyncadd.s32 $0xFFFFFFFF  }
0xb4: {  	_ =	strace $0x90000048  }
0xb5: {  	_ =	sfence  }
0xb6: {  	s30 =	sld [smem:$0x0];
	_ =	sdelay $0x2  }
0xb7: {  	s31 =	sshll.u32 s1, $0xD;
	s1 =	sshrl.u32 s1, $0x2  }
0xb8: {  	s3 =	sand.u32 $0x4000, s31;
	s1 =	sadd.s32 s1, s30  }
0xb9: {  	s0 =	sor.u32 s3, s0;
	s1 =	sshll.u32 s1, $0x11  }
0xba: {  	s0 =	sor.u32 s1, s0  }
0xbb: {  	s0 =	sadd.s32 $0x8F2B, s0  }
0xbc: {  	[sflag:s0] =	ssyncadd.remote.s32 $0x1  }
0xbd: {  	_ =	sfence.sel $0xFFFF  }
0xbe: {  	[dreg:$0x0] =	wrdreg $0xFFFFFFFF;
	(pc) =	sbr.abs _section_cstart, $3  }
0xbf: {  	[dreg:$0x1] =	wrdreg $0xFFFFFFFF  }
0xc0: {  	_ =	task.clear_ibuf [dreg:s6], $0x2FFFF;
	_ =	strace $0x9FFFFFFF  }
0xc1: {  	(tm) =	ssettm $0x7FFFFFFF  }
tec
execute0_lowered:
.L_overlay_start_1:
0x0: {  	(tag) =	ssettag $0x1  }
0x1: {  	s0 =	rddreg [dreg:$0x0]  }
0x2: {  	s2 =	simm.s32 $0x0;
	s1 =	srdreg.scid;
	s9 =	stileid.u32  }
0x3: {  	s28 =	simm.s32 $0x5800;
	s30 =	simm.s32 $0x9000;
	s31 =	simm.s32 $0x13800  }
0x4: {  	s29 =	simm.s32 $0x17000;
	[smem:$0x7FF] =	sst s2;
	s1 =	sand.u32 $0x1, s1  }
0x5: {  	s4 =	sshll.u32 s9, $0x1;
	s3 =	sadd.s32 $0x8800, s0;
	s18 =	smul.u32 $0x38000, s9  }
0x6: {  	s9 =	simm.s32 $0x4;
	_ =	strace $0x80000047;
	s4 =	sor.u32 s1, s4  }
0x7: {  	s6 =	ssub.s32 $0x2, s1;
	s1 =	smul.u32 $0x1C000, s1;
	s5 =	sshll.u32 s4, $0xA  }
0x8: {  	s7 =	smul.u32 $0x1C000, s4;
	s8 =	sshrl.u32 s6, $0x1;
	s5 =	sadd.s32 s5, s0  }
0x9: {  	s4 =	smul.u32 $0xE0000, s4;
	s0 =	sadd.s32 $0x18F200, s0;
	s5 =	sadd.s32 $0x800, s5  }
0xa: {  	s6 =	ssub.s32 s6, s8;
	s7 =	sadd.s32 s0, s7;
	[dreg:$0x3] =	wrdreg s5  }
0xb: {  	s8 =	simm.s32 $0x9;
	s26 =	smax.u32 s6, $0x1;
	[dreg:$0x2] =	wrdreg s7  }
0xc: {  	s4 =	sshrl.u32 s4, $0x3;
	s10 =	sadd.s32 $0x700, s7;
	[dreg:$0x13] =	wrdreg s26  }
0xd: {  	s6 =	simm.s32 $0x1A800;
	s11 =	sadd.s32 $0xE00, s7;
	[dreg:$0x4] =	wrdreg s10  }
0xe: {  	s12 =	sadd.s32 $0x1500, s7;
	s13 =	sadd.s32 $0x1C00, s7;
	[dreg:$0x5] =	wrdreg s11  }
0xf: {  	s14 =	sadd.s32 $0x2300, s7;
	s15 =	sadd.s32 $0x2A00, s7;
	[dreg:$0x6] =	wrdreg s12  }
0x10: {  	s4 =	sadd.s32 s0, s4;
	s16 =	sadd.s32 $0x3100, s7;
	[dreg:$0x7] =	wrdreg s13  }
0x11: {  	s0 =	sadd.s32 s18, s0;
	s26 =	simm.s32 $0x10000;
	[dreg:$0x8] =	wrdreg s14  }
0x12: {  	s5 =	simm.s32 $0x2;
	s7 =	simm.s32 $0x3;
	[dreg:$0x9] =	wrdreg s15  }
0x13: {  	s18 =	simm.s32 $0xE;
	[dreg:$0xa] =	wrdreg s16;
	s17 =	sadd.s32 $0x18800, s4  }
0x14: {  	s19 =	sadd.s32 $0x18F00, s4;
	s20 =	sadd.s32 $0x19600, s4;
	[dreg:$0xb] =	wrdreg s17  }
0x15: {  	s21 =	sadd.s32 $0x19D00, s4;
	s22 =	sadd.s32 $0x1A400, s4;
	[dreg:$0xc] =	wrdreg s19  }
0x16: {  	s23 =	sadd.s32 $0x1AB00, s4;
	s24 =	sadd.s32 $0x1B200, s4;
	[dreg:$0xd] =	wrdreg s20  }
0x17: {  	s0 =	sadd.s32 s1, s0;
	s25 =	sadd.s32 $0x1B900, s4;
	[dreg:$0xe] =	wrdreg s21  }
0x18: {  	s1 =	simm.s32 $0x1;
	s10 =	simm.s32 $0xA;
	[dreg:$0xf] =	wrdreg s22  }
0x19: {  	s11 =	simm.s32 $0x5;
	s12 =	simm.s32 $0xB;
	[dreg:$0x10] =	wrdreg s23  }
0x1a: {  	s13 =	simm.s32 $0x6;
	s14 =	simm.s32 $0xC;
	[dreg:$0x11] =	wrdreg s24  }
0x1b: {  	s15 =	simm.s32 $0x7;
	s16 =	simm.s32 $0xD;
	[dreg:$0x12] =	wrdreg s25  }
0x1c: {  	s0 =	sadd.s32 $0x3800, s0;
	s24 =	simm.s32 $0x70;
	s25 =	simm.s32 $0x2000  }
0x1d: {  	s17 =	simm.s32 $0x8;
	s19 =	simm.s32 $0xF;
	s20 =	simm.s32 $0x10  }
0x1e: {  	s21 =	simm.s32 $0x0;
	[dreg:$0x14] =	wrdreg s0;
	s0 =	simm.s32 $0xC800  }
.LBB2_1:
0x1f: {  	[dreg:$0x15] =	wrdreg s21  }
0x20: {  	s4 =	rddreg [dreg:$0x3];
	s23 =	simm.s32 $0x11  }
0x21: {  	[tilespmem:s2], [sflag:$0x11] =	stream.linear.gather [hbm4b:s4+s2], $0x2000, $0x38;
	[tilespmem:$0x1E000] =	vst v63  }
0x22: {  	_ =	swait.ge [sflag:s23], $0x2000  }
0x23: {  	[sflag:s23] =	ssyncset.done $0x0  }
0x24: {  	[sflag:s23] =	ssyncadd.s32 $0xFFFFE000  }
0x25: {  	[tilespmem:s25], [sflag:$0x1] =	stream.indirect.gather [hbm4b:s3+s24], $0x80, s2, s24, $0xb8;
	[tilespmem:$0x1E000] =	vst v63  }
0x26: {  	s21 =	simm.s32 $0x80  }
0x27: {  	[tilespmem:s28], [sflag:$0x2] =	stream.indirect.gather [hbm4b:s3+s24], $0x80, s21, s24, $0xb8;
	[tilespmem:$0x1E000] =	vst v63  }
0x28: {  	s22 =	simm.s32 $0x100  }
0x29: {  	[tilespmem:s30], [sflag:$0x3] =	stream.indirect.gather [hbm4b:s3+s24], $0x80, s22, s24, $0xb8;
	[tilespmem:$0x1E000] =	vst v63  }
0x2a: {  	s23 =	simm.s32 $0x180  }
0x2b: {  	[tilespmem:s0], [sflag:$0x4] =	stream.indirect.gather [hbm4b:s3+s24], $0x80, s23, s24, $0xb8;
	[tilespmem:$0x1E000] =	vst v63  }
0x2c: {  	s21 =	simm.s32 $0x200  }
0x2d: {  	[tilespmem:s26], [sflag:$0x5] =	stream.indirect.gather [hbm4b:s3+s24], $0x80, s21, s24, $0xb8;
	[tilespmem:$0x1E000] =	vst v63  }
0x2e: {  	s22 =	simm.s32 $0x280  }
0x2f: {  	[tilespmem:s31], [sflag:$0x6] =	stream.indirect.gather [hbm4b:s3+s24], $0x80, s22, s24, $0xb8;
	[tilespmem:$0x1E000] =	vst v63  }
0x30: {  	_ =	swait.ge [sflag:s1], $0x3800  }
0x31: {  	[sflag:s1] =	ssyncset.done $0x0  }
0x32: {  	s23 =	rddreg [dreg:$0x2];
	[sflag:s1] =	ssyncadd.s32 $0xFFFFC800  }
0x33: {  	[hbm4b:s23+s2] =	stream.linear.scatter [tilespmem:s25], [sflag:$0x9], $0x3800, $0x38;
	[tilespmem:$0x1E000] =	vst v63  }
0x34: {  	s21 =	simm.s32 $0x300  }
0x35: {  	[tilespmem:s29], [sflag:$0x7] =	stream.indirect.gather [hbm4b:s3+s24], $0x80, s21, s24, $0xb8;
	[tilespmem:$0x1E000] =	vst v63  }
0x36: {  	_ =	swait.ge [sflag:s5], $0x3800  }
0x37: {  	[sflag:s5] =	ssyncset.done $0x0  }
0x38: {  	s22 =	rddreg [dreg:$0x4];
	[sflag:s5] =	ssyncadd.s32 $0xFFFFC800  }
0x39: {  	[hbm4b:s22+s2] =	stream.linear.scatter [tilespmem:s28], [sflag:$0xA], $0x3800, $0x38;
	[tilespmem:$0x1E000] =	vst v63  }
0x3a: {  	s23 =	simm.s32 $0x380  }
0x3b: {  	[tilespmem:s6], [sflag:$0x8] =	stream.indirect.gather [hbm4b:s3+s24], $0x80, s23, s24, $0xb8;
	[tilespmem:$0x1E000] =	vst v63  }
0x3c: {  	_ =	swait.ge [sflag:s7], $0x3800  }
0x3d: {  	[sflag:s7] =	ssyncset.done $0x0  }
0x3e: {  	s21 =	rddreg [dreg:$0x5];
	[sflag:s7] =	ssyncadd.s32 $0xFFFFC800  }
0x3f: {  	[hbm4b:s21+s2] =	stream.linear.scatter [tilespmem:s30], [sflag:$0xB], $0x3800, $0x38;
	[tilespmem:$0x1E000] =	vst v63  }
0x40: {  	_ =	swait.ge [sflag:s8], $0x3800  }
0x41: {  	[sflag:s8] =	ssyncset.done $0x0  }
0x42: {  	s22 =	simm.s32 $0x400;
	[sflag:s8] =	ssyncadd.s32 $0xFFFFC800  }
0x43: {  	[tilespmem:s25], [sflag:$0x1] =	stream.indirect.gather [hbm4b:s3+s24], $0x80, s22, s24, $0xb8;
	[tilespmem:$0x1E000] =	vst v63  }
0x44: {  	_ =	swait.ge [sflag:s9], $0x3800  }
0x45: {  	[sflag:s9] =	ssyncset.done $0x0  }
0x46: {  	s23 =	rddreg [dreg:$0x6];
	[sflag:s9] =	ssyncadd.s32 $0xFFFFC800  }
0x47: {  	[hbm4b:s23+s2] =	stream.linear.scatter [tilespmem:s0], [sflag:$0xC], $0x3800, $0x38;
	[tilespmem:$0x1E000] =	vst v63  }
0x48: {  	_ =	swait.ge [sflag:s10], $0x3800  }
0x49: {  	[sflag:s10] =	ssyncset.done $0x0  }
0x4a: {  	s21 =	simm.s32 $0x480;
	[sflag:s10] =	ssyncadd.s32 $0xFFFFC800  }
0x4b: {  	[tilespmem:s28], [sflag:$0x2] =	stream.indirect.gather [hbm4b:s3+s24], $0x80, s21, s24, $0xb8;
	[tilespmem:$0x1E000] =	vst v63  }
0x4c: {  	_ =	swait.ge [sflag:s11], $0x3800  }
0x4d: {  	[sflag:s11] =	ssyncset.done $0x0  }
0x4e: {  	s22 =	rddreg [dreg:$0x7];
	[sflag:s11] =	ssyncadd.s32 $0xFFFFC800  }
0x4f: {  	[hbm4b:s22+s2] =	stream.linear.scatter [tilespmem:s26], [sflag:$0xD], $0x3800, $0x38;
	[tilespmem:$0x1E000] =	vst v63  }
0x50: {  	_ =	swait.ge [sflag:s12], $0x3800  }
0x51: {  	[sflag:s12] =	ssyncset.done $0x0  }
0x52: {  	s23 =	simm.s32 $0x500;
	[sflag:s12] =	ssyncadd.s32 $0xFFFFC800  }
0x53: {  	[tilespmem:s30], [sflag:$0x3] =	stream.indirect.gather [hbm4b:s3+s24], $0x80, s23, s24, $0xb8;
	[tilespmem:$0x1E000] =	vst v63  }
0x54: {  	_ =	swait.ge [sflag:s13], $0x3800  }
0x55: {  	[sflag:s13] =	ssyncset.done $0x0  }
0x56: {  	s21 =	rddreg [dreg:$0x8];
	[sflag:s13] =	ssyncadd.s32 $0xFFFFC800  }
0x57: {  	[hbm4b:s21+s2] =	stream.linear.scatter [tilespmem:s31], [sflag:$0xE], $0x3800, $0x38;
	[tilespmem:$0x1E000] =	vst v63  }
0x58: {  	_ =	swait.ge [sflag:s14], $0x3800  }
0x59: {  	[sflag:s14] =	ssyncset.done $0x0  }
0x5a: {  	s22 =	simm.s32 $0x580;
	[sflag:s14] =	ssyncadd.s32 $0xFFFFC800  }
0x5b: {  	[tilespmem:s0], [sflag:$0x4] =	stream.indirect.gather [hbm4b:s3+s24], $0x80, s22, s24, $0xb8;
	[tilespmem:$0x1E000] =	vst v63  }
0x5c: {  	_ =	swait.ge [sflag:s15], $0x3800  }
0x5d: {  	[sflag:s15] =	ssyncset.done $0x0  }
0x5e: {  	s23 =	rddreg [dreg:$0x9];
	[sflag:s15] =	ssyncadd.s32 $0xFFFFC800  }
0x5f: {  	[hbm4b:s23+s2] =	stream.linear.scatter [tilespmem:s29], [sflag:$0xF], $0x3800, $0x38;
	[tilespmem:$0x1E000] =	vst v63  }
0x60: {  	_ =	swait.ge [sflag:s16], $0x3800  }
0x61: {  	[sflag:s16] =	ssyncset.done $0x0  }
0x62: {  	s21 =	simm.s32 $0x600;
	[sflag:s16] =	ssyncadd.s32 $0xFFFFC800  }
0x63: {  	[tilespmem:s26], [sflag:$0x5] =	stream.indirect.gather [hbm4b:s3+s24], $0x80, s21, s24, $0xb8;
	[tilespmem:$0x1E000] =	vst v63  }
0x64: {  	_ =	swait.ge [sflag:s17], $0x3800  }
0x65: {  	[sflag:s17] =	ssyncset.done $0x0  }
0x66: {  	s22 =	rddreg [dreg:$0xa];
	[sflag:s17] =	ssyncadd.s32 $0xFFFFC800  }
0x67: {  	[hbm4b:s22+s2] =	stream.linear.scatter [tilespmem:s6], [sflag:$0x10], $0x3800, $0x38;
	[tilespmem:$0x1E000] =	vst v63  }
0x68: {  	_ =	swait.ge [sflag:s18], $0x3800  }
0x69: {  	[sflag:s18] =	ssyncset.done $0x0  }
0x6a: {  	s23 =	simm.s32 $0x680;
	[sflag:s18] =	ssyncadd.s32 $0xFFFFC800  }
0x6b: {  	[tilespmem:s31], [sflag:$0x6] =	stream.indirect.gather [hbm4b:s3+s24], $0x80, s23, s24, $0xb8;
	[tilespmem:$0x1E000] =	vst v63  }
0x6c: {  	_ =	swait.ge [sflag:s1], $0x3800  }
0x6d: {  	[sflag:s1] =	ssyncset.done $0x0  }
0x6e: {  	s22 =	rddreg [dreg:$0x14];
	[sflag:s1] =	ssyncadd.s32 $0xFFFFC800  }
0x6f: {  	[hbm4b:s22+s2] =	stream.linear.scatter [tilespmem:s25], [sflag:$0x9], $0x3800, $0x38;
	[tilespmem:$0x1E000] =	vst v63  }
0x70: {  	_ =	swait.ge [sflag:s19], $0x3800  }
0x71: {  	[sflag:s19] =	ssyncset.done $0x0  }
0x72: {  	s21 =	simm.s32 $0x700;
	[sflag:s19] =	ssyncadd.s32 $0xFFFFC800  }
0x73: {  	[tilespmem:s29], [sflag:$0x7] =	stream.indirect.gather [hbm4b:s3+s24], $0x80, s21, s24, $0xb8;
	[tilespmem:$0x1E000] =	vst v63  }
0x74: {  	_ =	swait.ge [sflag:s5], $0x3800  }
0x75: {  	[sflag:s5] =	ssyncset.done $0x0  }
0x76: {  	s23 =	sadd.s32 $0x700, s22;
	[sflag:s5] =	ssyncadd.s32 $0xFFFFC800  }
0x77: {  	[hbm4b:s23+s2] =	stream.linear.scatter [tilespmem:s28], [sflag:$0xA], $0x3800, $0x38;
	[tilespmem:$0x1E000] =	vst v63  }
0x78: {  	_ =	swait.ge [sflag:s20], $0x3800  }
0x79: {  	[sflag:s20] =	ssyncset.done $0x0  }
0x7a: {  	s21 =	simm.s32 $0x780;
	[sflag:s20] =	ssyncadd.s32 $0xFFFFC800  }
0x7b: {  	[tilespmem:s6], [sflag:$0x8] =	stream.indirect.gather [hbm4b:s3+s24], $0x80, s21, s24, $0xb8;
	[tilespmem:$0x1E000] =	vst v63  }
0x7c: {  	_ =	swait.ge [sflag:s7], $0x3800  }
0x7d: {  	[sflag:s7] =	ssyncset.done $0x0  }
0x7e: {  	s23 =	sadd.s32 $0xE00, s22;
	[sflag:s7] =	ssyncadd.s32 $0xFFFFC800  }
0x7f: {  	[hbm4b:s23+s2] =	stream.linear.scatter [tilespmem:s30], [sflag:$0xB], $0x3800, $0x38;
	[tilespmem:$0x1E000] =	vst v63  }
0x80: {  	_ =	swait.ge [sflag:s8], $0x3800  }
0x81: {  	[sflag:s8] =	ssyncset.done $0x0  }
0x82: {  	s21 =	simm.s32 $0x800;
	[sflag:s8] =	ssyncadd.s32 $0xFFFFC800  }
0x83: {  	[tilespmem:s25], [sflag:$0x1] =	stream.indirect.gather [hbm4b:s3+s24], $0x80, s21, s24, $0xb8;
	[tilespmem:$0x1E000] =	vst v63  }
0x84: {  	_ =	swait.ge [sflag:s9], $0x3800  }
0x85: {  	[sflag:s9] =	ssyncset.done $0x0  }
0x86: {  	s23 =	sadd.s32 $0x1500, s22;
	[sflag:s9] =	ssyncadd.s32 $0xFFFFC800  }
0x87: {  	[hbm4b:s23+s2] =	stream.linear.scatter [tilespmem:s0], [sflag:$0xC], $0x3800, $0x38;
	[tilespmem:$0x1E000] =	vst v63  }
0x88: {  	_ =	swait.ge [sflag:s10], $0x3800  }
0x89: {  	[sflag:s10] =	ssyncset.done $0x0  }
0x8a: {  	s21 =	simm.s32 $0x880;
	[sflag:s10] =	ssyncadd.s32 $0xFFFFC800  }
0x8b: {  	[tilespmem:s28], [sflag:$0x2] =	stream.indirect.gather [hbm4b:s3+s24], $0x80, s21, s24, $0xb8;
	[tilespmem:$0x1E000] =	vst v63  }
0x8c: {  	_ =	swait.ge [sflag:s11], $0x3800  }
0x8d: {  	[sflag:s11] =	ssyncset.done $0x0  }
0x8e: {  	s23 =	sadd.s32 $0x1C00, s22;
	[sflag:s11] =	ssyncadd.s32 $0xFFFFC800  }
0x8f: {  	[hbm4b:s23+s2] =	stream.linear.scatter [tilespmem:s26], [sflag:$0xD], $0x3800, $0x38;
	[tilespmem:$0x1E000] =	vst v63  }
0x90: {  	_ =	swait.ge [sflag:s12], $0x3800  }
0x91: {  	[sflag:s12] =	ssyncset.done $0x0  }
0x92: {  	s21 =	simm.s32 $0x900;
	[sflag:s12] =	ssyncadd.s32 $0xFFFFC800  }
0x93: {  	[tilespmem:s30], [sflag:$0x3] =	stream.indirect.gather [hbm4b:s3+s24], $0x80, s21, s24, $0xb8;
	[tilespmem:$0x1E000] =	vst v63  }
0x94: {  	_ =	swait.ge [sflag:s13], $0x3800  }
0x95: {  	[sflag:s13] =	ssyncset.done $0x0  }
0x96: {  	s23 =	sadd.s32 $0x2300, s22;
	[sflag:s13] =	ssyncadd.s32 $0xFFFFC800  }
0x97: {  	[hbm4b:s23+s2] =	stream.linear.scatter [tilespmem:s31], [sflag:$0xE], $0x3800, $0x38;
	[tilespmem:$0x1E000] =	vst v63  }
0x98: {  	_ =	swait.ge [sflag:s14], $0x3800  }
0x99: {  	[sflag:s14] =	ssyncset.done $0x0  }
0x9a: {  	s21 =	simm.s32 $0x980;
	[sflag:s14] =	ssyncadd.s32 $0xFFFFC800  }
0x9b: {  	[tilespmem:s0], [sflag:$0x4] =	stream.indirect.gather [hbm4b:s3+s24], $0x80, s21, s24, $0xb8;
	[tilespmem:$0x1E000] =	vst v63  }
0x9c: {  	_ =	swait.ge [sflag:s15], $0x3800  }
0x9d: {  	[sflag:s15] =	ssyncset.done $0x0  }
0x9e: {  	s23 =	sadd.s32 $0x2A00, s22;
	[sflag:s15] =	ssyncadd.s32 $0xFFFFC800  }
0x9f: {  	[hbm4b:s23+s2] =	stream.linear.scatter [tilespmem:s29], [sflag:$0xF], $0x3800, $0x38;
	[tilespmem:$0x1E000] =	vst v63  }
0xa0: {  	_ =	swait.ge [sflag:s16], $0x3800  }
0xa1: {  	[sflag:s16] =	ssyncset.done $0x0  }
0xa2: {  	s21 =	simm.s32 $0xA00;
	[sflag:s16] =	ssyncadd.s32 $0xFFFFC800  }
0xa3: {  	[tilespmem:s26], [sflag:$0x5] =	stream.indirect.gather [hbm4b:s3+s24], $0x80, s21, s24, $0xb8;
	[tilespmem:$0x1E000] =	vst v63  }
0xa4: {  	_ =	swait.ge [sflag:s17], $0x3800  }
0xa5: {  	[sflag:s17] =	ssyncset.done $0x0  }
0xa6: {  	s23 =	sadd.s32 $0x3100, s22;
	[sflag:s17] =	ssyncadd.s32 $0xFFFFC800  }
0xa7: {  	[hbm4b:s23+s2] =	stream.linear.scatter [tilespmem:s6], [sflag:$0x10], $0x3800, $0x38;
	[tilespmem:$0x1E000] =	vst v63  }
0xa8: {  	_ =	swait.ge [sflag:s18], $0x3800  }
0xa9: {  	s4 =	simm.s32 $0x1000;
	[sflag:s18] =	ssyncset.done $0x0  }
0xaa: {  	s21 =	simm.s32 $0xA80;
	s23 =	sadd.s32 $0x3800, s22;
	[sflag:s18] =	ssyncadd.s32 $0xFFFFC800  }
.LBB2_2:
0xab: {  	[tilespmem:s31], [sflag:$0x6] =	stream.indirect.gather [hbm4b:s3+s24], $0x80, s21, s24, $0xb8;
	[tilespmem:$0x1E000] =	vst v63  }
0xac: {  	s21 =	smov.u32 s4  }
0xad: {  	p0 =	sne.s32 s4, $0x5000;
	s4 =	sadd.s32 $0x1000, s4;
	_ =	swait.ge [sflag:s1], $0x3800  }
0xae: {  	[sflag:s1] =	ssyncset.done $0x0  }
0xaf: {  	[sflag:s1] =	ssyncadd.s32 $0xFFFFC800  }
0xb0: {  	[hbm4b:s23+s2] =	stream.linear.scatter [tilespmem:s25], [sflag:$0x9], $0x3800, $0x38;
	[tilespmem:$0x1E000] =	vst v63  }
0xb1: {  	_ =	swait.ge [sflag:s19], $0x3800  }
0xb2: {  	s21 =	sshra.s32 s21, $0x2;
	[sflag:s19] =	ssyncset.done $0x0  }
0xb3: {  	s22 =	sadd.s32 $0x700, s21;
	[sflag:s19] =	ssyncadd.s32 $0xFFFFC800  }
0xb4: {  	[tilespmem:s29], [sflag:$0x7] =	stream.indirect.gather [hbm4b:s3+s24], $0x80, s22, s24, $0xb8;
	[tilespmem:$0x1E000] =	vst v63  }
0xb5: {  	_ =	swait.ge [sflag:s5], $0x3800  }
0xb6: {  	[sflag:s5] =	ssyncset.done $0x0  }
0xb7: {  	s22 =	sadd.s32 $0x700, s23;
	[sflag:s5] =	ssyncadd.s32 $0xFFFFC800  }
0xb8: {  	[hbm4b:s22+s2] =	stream.linear.scatter [tilespmem:s28], [sflag:$0xA], $0x3800, $0x38;
	[tilespmem:$0x1E000] =	vst v63  }
0xb9: {  	_ =	swait.ge [sflag:s20], $0x3800  }
0xba: {  	[sflag:s20] =	ssyncset.done $0x0  }
0xbb: {  	s22 =	sadd.s32 $0x780, s21;
	[sflag:s20] =	ssyncadd.s32 $0xFFFFC800  }
0xbc: {  	[tilespmem:s6], [sflag:$0x8] =	stream.indirect.gather [hbm4b:s3+s24], $0x80, s22, s24, $0xb8;
	[tilespmem:$0x1E000] =	vst v63  }
0xbd: {  	_ =	swait.ge [sflag:s7], $0x3800  }
0xbe: {  	[sflag:s7] =	ssyncset.done $0x0  }
0xbf: {  	s22 =	sadd.s32 $0xE00, s23;
	[sflag:s7] =	ssyncadd.s32 $0xFFFFC800  }
0xc0: {  	[hbm4b:s22+s2] =	stream.linear.scatter [tilespmem:s30], [sflag:$0xB], $0x3800, $0x38;
	[tilespmem:$0x1E000] =	vst v63  }
0xc1: {  	_ =	swait.ge [sflag:s8], $0x3800  }
0xc2: {  	[sflag:s8] =	ssyncset.done $0x0  }
0xc3: {  	s22 =	sadd.s32 $0x800, s21;
	[sflag:s8] =	ssyncadd.s32 $0xFFFFC800  }
0xc4: {  	[tilespmem:s25], [sflag:$0x1] =	stream.indirect.gather [hbm4b:s3+s24], $0x80, s22, s24, $0xb8;
	[tilespmem:$0x1E000] =	vst v63  }
0xc5: {  	_ =	swait.ge [sflag:s9], $0x3800  }
0xc6: {  	[sflag:s9] =	ssyncset.done $0x0  }
0xc7: {  	s22 =	sadd.s32 $0x1500, s23;
	[sflag:s9] =	ssyncadd.s32 $0xFFFFC800  }
0xc8: {  	[hbm4b:s22+s2] =	stream.linear.scatter [tilespmem:s0], [sflag:$0xC], $0x3800, $0x38;
	[tilespmem:$0x1E000] =	vst v63  }
0xc9: {  	_ =	swait.ge [sflag:s10], $0x3800  }
0xca: {  	[sflag:s10] =	ssyncset.done $0x0  }
0xcb: {  	s22 =	sadd.s32 $0x880, s21;
	[sflag:s10] =	ssyncadd.s32 $0xFFFFC800  }
0xcc: {  	[tilespmem:s28], [sflag:$0x2] =	stream.indirect.gather [hbm4b:s3+s24], $0x80, s22, s24, $0xb8;
	[tilespmem:$0x1E000] =	vst v63  }
0xcd: {  	_ =	swait.ge [sflag:s11], $0x3800  }
0xce: {  	[sflag:s11] =	ssyncset.done $0x0  }
0xcf: {  	s22 =	sadd.s32 $0x1C00, s23;
	[sflag:s11] =	ssyncadd.s32 $0xFFFFC800  }
0xd0: {  	[hbm4b:s22+s2] =	stream.linear.scatter [tilespmem:s26], [sflag:$0xD], $0x3800, $0x38;
	[tilespmem:$0x1E000] =	vst v63  }
0xd1: {  	_ =	swait.ge [sflag:s12], $0x3800  }
0xd2: {  	[sflag:s12] =	ssyncset.done $0x0  }
0xd3: {  	s22 =	sadd.s32 $0x900, s21;
	[sflag:s12] =	ssyncadd.s32 $0xFFFFC800  }
0xd4: {  	[tilespmem:s30], [sflag:$0x3] =	stream.indirect.gather [hbm4b:s3+s24], $0x80, s22, s24, $0xb8;
	[tilespmem:$0x1E000] =	vst v63  }
0xd5: {  	_ =	swait.ge [sflag:s13], $0x3800  }
0xd6: {  	[sflag:s13] =	ssyncset.done $0x0  }
0xd7: {  	s22 =	sadd.s32 $0x2300, s23;
	[sflag:s13] =	ssyncadd.s32 $0xFFFFC800  }
0xd8: {  	[hbm4b:s22+s2] =	stream.linear.scatter [tilespmem:s31], [sflag:$0xE], $0x3800, $0x38;
	[tilespmem:$0x1E000] =	vst v63  }
0xd9: {  	_ =	swait.ge [sflag:s14], $0x3800  }
0xda: {  	[sflag:s14] =	ssyncset.done $0x0  }
0xdb: {  	s22 =	sadd.s32 $0x980, s21;
	[sflag:s14] =	ssyncadd.s32 $0xFFFFC800  }
0xdc: {  	[tilespmem:s0], [sflag:$0x4] =	stream.indirect.gather [hbm4b:s3+s24], $0x80, s22, s24, $0xb8;
	[tilespmem:$0x1E000] =	vst v63  }
0xdd: {  	_ =	swait.ge [sflag:s15], $0x3800  }
0xde: {  	[sflag:s15] =	ssyncset.done $0x0  }
0xdf: {  	s22 =	sadd.s32 $0x2A00, s23;
	[sflag:s15] =	ssyncadd.s32 $0xFFFFC800  }
0xe0: {  	[hbm4b:s22+s2] =	stream.linear.scatter [tilespmem:s29], [sflag:$0xF], $0x3800, $0x38;
	[tilespmem:$0x1E000] =	vst v63  }
0xe1: {  	_ =	swait.ge [sflag:s16], $0x3800  }
0xe2: {  	[sflag:s16] =	ssyncset.done $0x0  }
0xe3: {  	s22 =	sadd.s32 $0xA00, s21;
	[sflag:s16] =	ssyncadd.s32 $0xFFFFC800  }
0xe4: {  	[tilespmem:s26], [sflag:$0x5] =	stream.indirect.gather [hbm4b:s3+s24], $0x80, s22, s24, $0xb8;
	[tilespmem:$0x1E000] =	vst v63  }
0xe5: {  	_ =	swait.ge [sflag:s17], $0x3800  }
0xe6: {  	[sflag:s17] =	ssyncset.done $0x0  }
.Ltmp0:
0xe7: {  	s22 =	sadd.s32 $0x3100, s23;
	[sflag:s17] =	ssyncadd.s32 $0xFFFFC800;
	(pc) =	sbr.rel @p0 .LBB2_2-.Ltmp0, $4  }
0xe8: {  	[hbm4b:s22+s2] =	stream.linear.scatter [tilespmem:s6], [sflag:$0x10], $0x3800, $0x38;
	[tilespmem:$0x1E000] =	vst v63  }
0xe9: {  	_ =	swait.ge [sflag:s18], $0x3800  }
0xea: {  	[sflag:s18] =	ssyncset.done $0x0  }
0xeb: {  	s21 =	sadd.s32 $0xA80, s21;
	s23 =	sadd.s32 $0x3800, s23;
	[sflag:s18] =	ssyncadd.s32 $0xFFFFC800  }
0xec: {  	[tilespmem:s31], [sflag:$0x6] =	stream.indirect.gather [hbm4b:s3+s24], $0x80, s21, s24, $0xb8;
	[tilespmem:$0x1E000] =	vst v63  }
0xed: {  	_ =	swait.ge [sflag:s1], $0x3800  }
0xee: {  	[sflag:s1] =	ssyncset.done $0x0  }
0xef: {  	s4 =	rddreg [dreg:$0xb];
	[sflag:s1] =	ssyncadd.s32 $0xFFFFC800  }
0xf0: {  	[hbm4b:s4+s2] =	stream.linear.scatter [tilespmem:s25], [sflag:$0x9], $0x3800, $0x38;
	[tilespmem:$0x1E000] =	vst v63  }
0xf1: {  	_ =	swait.ge [sflag:s19], $0x3800  }
0xf2: {  	[sflag:s19] =	ssyncset.done $0x0  }
0xf3: {  	s22 =	simm.s32 $0x1F00;
	[sflag:s19] =	ssyncadd.s32 $0xFFFFC800  }
0xf4: {  	[tilespmem:s29], [sflag:$0x7] =	stream.indirect.gather [hbm4b:s3+s24], $0x80, s22, s24, $0xb8;
	[tilespmem:$0x1E000] =	vst v63  }
0xf5: {  	_ =	swait.ge [sflag:s5], $0x3800  }
0xf6: {  	[sflag:s5] =	ssyncset.done $0x0  }
0xf7: {  	s23 =	rddreg [dreg:$0xc];
	[sflag:s5] =	ssyncadd.s32 $0xFFFFC800  }
0xf8: {  	[hbm4b:s23+s2] =	stream.linear.scatter [tilespmem:s28], [sflag:$0xA], $0x3800, $0x38;
	[tilespmem:$0x1E000] =	vst v63  }
0xf9: {  	_ =	swait.ge [sflag:s20], $0x3800  }
0xfa: {  	[sflag:s20] =	ssyncset.done $0x0  }
0xfb: {  	s21 =	simm.s32 $0x1F80;
	[sflag:s20] =	ssyncadd.s32 $0xFFFFC800  }
0xfc: {  	[tilespmem:s6], [sflag:$0x8] =	stream.indirect.gather [hbm4b:s3+s24], $0x80, s21, s24, $0xb8;
	[tilespmem:$0x1E000] =	vst v63  }
0xfd: {  	_ =	swait.ge [sflag:s7], $0x3800  }
0xfe: {  	[sflag:s7] =	ssyncset.done $0x0  }
0xff: {  	s22 =	rddreg [dreg:$0xd];
	[sflag:s7] =	ssyncadd.s32 $0xFFFFC800  }
0x100: {  	[hbm4b:s22+s2] =	stream.linear.scatter [tilespmem:s30], [sflag:$0xB], $0x3800, $0x38;
	[tilespmem:$0x1E000] =	vst v63  }
0x101: {  	_ =	swait.ge [sflag:s9], $0x3800  }
0x102: {  	[sflag:s9] =	ssyncset.done $0x0  }
0x103: {  	s23 =	rddreg [dreg:$0xe];
	[sflag:s9] =	ssyncadd.s32 $0xFFFFC800  }
0x104: {  	[hbm4b:s23+s2] =	stream.linear.scatter [tilespmem:s0], [sflag:$0xC], $0x3800, $0x38;
	[tilespmem:$0x1E000] =	vst v63  }
0x105: {  	_ =	swait.ge [sflag:s11], $0x3800  }
0x106: {  	[sflag:s11] =	ssyncset.done $0x0  }
0x107: {  	s21 =	rddreg [dreg:$0xf];
	[sflag:s11] =	ssyncadd.s32 $0xFFFFC800  }
0x108: {  	[hbm4b:s21+s2] =	stream.linear.scatter [tilespmem:s26], [sflag:$0xD], $0x3800, $0x38;
	[tilespmem:$0x1E000] =	vst v63  }
0x109: {  	_ =	swait.ge [sflag:s13], $0x3800  }
0x10a: {  	[sflag:s13] =	ssyncset.done $0x0  }
0x10b: {  	s22 =	rddreg [dreg:$0x10];
	[sflag:s13] =	ssyncadd.s32 $0xFFFFC800  }
0x10c: {  	[hbm4b:s22+s2] =	stream.linear.scatter [tilespmem:s31], [sflag:$0xE], $0x3800, $0x38;
	[tilespmem:$0x1E000] =	vst v63  }
0x10d: {  	_ =	swait.ge [sflag:s15], $0x3800  }
0x10e: {  	[sflag:s15] =	ssyncset.done $0x0  }
0x10f: {  	s23 =	rddreg [dreg:$0x11];
	[sflag:s15] =	ssyncadd.s32 $0xFFFFC800  }
0x110: {  	[hbm4b:s23+s2] =	stream.linear.scatter [tilespmem:s29], [sflag:$0xF], $0x3800, $0x38;
	[tilespmem:$0x1E000] =	vst v63  }
0x111: {  	_ =	swait.ge [sflag:s17], $0x3800  }
0x112: {  	[sflag:s17] =	ssyncset.done $0x0  }
0x113: {  	s21 =	rddreg [dreg:$0x12];
	[sflag:s17] =	ssyncadd.s32 $0xFFFFC800  }
0x114: {  	[hbm4b:s21+s2] =	stream.linear.scatter [tilespmem:s6], [sflag:$0x10], $0x3800, $0x38;
	[tilespmem:$0x1E000] =	vst v63  }
0x115: {  	_ =	swait.ge [sflag:s8], $0x3800  }
0x116: {  	[sflag:s8] =	ssyncset.done $0x0  }
0x117: {  	[sflag:s8] =	ssyncadd.s32 $0xFFFFC800  }
0x118: {  	_ =	swait.ge [sflag:s10], $0x3800  }
0x119: {  	[sflag:s10] =	ssyncset.done $0x0  }
0x11a: {  	[sflag:s10] =	ssyncadd.s32 $0xFFFFC800  }
0x11b: {  	_ =	swait.ge [sflag:s12], $0x3800  }
0x11c: {  	[sflag:s12] =	ssyncset.done $0x0  }
0x11d: {  	[sflag:s12] =	ssyncadd.s32 $0xFFFFC800  }
0x11e: {  	_ =	swait.ge [sflag:s14], $0x3800  }
0x11f: {  	[sflag:s14] =	ssyncset.done $0x0  }
0x120: {  	[sflag:s14] =	ssyncadd.s32 $0xFFFFC800  }
0x121: {  	_ =	swait.ge [sflag:s16], $0x3800  }
0x122: {  	[sflag:s16] =	ssyncset.done $0x0  }
0x123: {  	[sflag:s16] =	ssyncadd.s32 $0xFFFFC800  }
0x124: {  	_ =	swait.ge [sflag:s18], $0x3800  }
0x125: {  	[sflag:s18] =	ssyncset.done $0x0  }
0x126: {  	[sflag:s18] =	ssyncadd.s32 $0xFFFFC800  }
0x127: {  	_ =	swait.ge [sflag:s19], $0x3800  }
0x128: {  	[sflag:s19] =	ssyncset.done $0x0  }
0x129: {  	[sflag:s19] =	ssyncadd.s32 $0xFFFFC800  }
0x12a: {  	_ =	swait.ge [sflag:s20], $0x3800  }
0x12b: {  	s22 =	rddreg [dreg:$0x15]  }
0x12c: {  	s23 =	rddreg [dreg:$0x13];
	s21 =	sadd.s32 $0x1, s22  }
0x12d: {  	p0 =	sne.s32 s21, s23  }
.Ltmp1:
0x12e: {  	_ = 	snop;
	(pc) =	sbr.rel @p0 .LBB2_1-.Ltmp1, $3  }
0x12f: {  	_ =	sdelay $0x1  }
0x130: {  	[sflag:s20] =	ssyncset.done $0x0  }
0x131: {  	[sflag:s20] =	ssyncadd.s32 $0xFFFFC800  }
0x132: {  	_ =	sfence.sel $0x180000  }
0x133: {  	[bflag:$0x0] =	sbarrier.arrive $0xFFFF  }
0x134: {  	_ =	strace $0x90000047  }
0x135: {  	s0 =	stileid.u32;
	[bflag:$0x2] =	sbarrier.arrive $0xFFFF  }
0x136: {  	p0 =	sne.s32 s0, $0x0;
	s0 =	rddreg [dreg:$0x1]  }
0x137: {  	s0 =	sadd.s32 @!p0 $0x100000, s0  }
0x138: {  	[sflag:s0] =	ssyncadd.tile.s32 @!p0 $0x1;
	_ =	shalt  }
.Lfunc_end2:
_tile_overlayer_lowered:
.L_overlay_start_2:
0x139: {  	(tag) =	ssettag $0x2  }
0x13a: {  	s0 =	rddreg [dreg:$0x0];
	s2 =	stileid.u32  }
0x13b: {  	s1 =	rddreg [dreg:$0x1];
	p0 =	sne.s32 s2, $0x0  }
0x13c: {  	s3 =	rddreg [dreg:$0x2];
	[bflag:$0x3] =	sbarrier.arrive $0xFFFF;
	s2 =	simm.s32 @!p0 $0x1C11  }
0x13d: {  	[timem:s3], [sflag:s2] =	dma.local @!p0 [hbm:s0], s1  }
0x13e: {  	s0 =	simm.s32 @!p0 $0x11  }
0x13f: {  	_ =	swait.ge @!p0 [sflag:s0], s1  }
0x140: {  	s1 =	ssub.s32 @!p0 $0x0, s1;
	[sflag:s0] =	ssyncset.done @!p0 $0x0  }
0x141: {  	[sflag:s0] =	ssyncadd.s32 @!p0 s1  }
0x142: {  	[bflag:$0x3] =	sbarrier.arrive $0xFFFF  }
0x143: {  	_ =	shalt  }

// kernel: sparse-core-data-format-call.cloned.1.call-start
scs
called_computation_lowered:
.L_overlay_start_0:
0x0: {  	s2 =	sld [smem:$0x3FD9]  }
0x1: {  	s3 =	sld [smem:$0x3FFE];
	_ =	sdelay $0x1  }
0x2: {  	s1 =	srdreg.scid  }
0x3: {  	s0 =	sand.u32 $0x1, s1  }
0x4: {  	s18 =	sshll.u32 s0, $0xA;
	s2 =	sadd.s32 s3, s2  }
0x5: {  	s2 =	sadd.s32 s2, s18  }
0x6: {  	[smem:$0x3FC6] =	sst s2  }
0x7: {  	_ = 	snop  }
0x8: {  	s2 =	sld [smem:$0x3FD0];
	(tm) =	ssettm $0x1  }
0x9: {  	s19 =	sld [smem:$0x3FFB];
	_ =	sdelay $0x3  }
0xa: {  	_ =	strace s19  }
0xb: {  	s3 =	sld [smem:$0x3FFC];
	_ =	sdelay $0x3  }
0xc: {  	_ =	strace s3  }
0xd: {  	s3 =	sld [smem:$0x3FFD];
	_ =	sdelay $0x3  }
0xe: {  	_ =	strace s3  }
0xf: {  	_ =	strace $0x8FFFFFFF  }
0x10: {  	s20 =	sld [smem:$0x3FDB];
	_ =	sdelay $0x1  }
0x11: {  	s4 =	simm.s32 $_scs_section_size  }
0x12: {  	s5 =	simm.s32 $_size__tile_overlayer_lowered;
	s6 =	simm.s32 $_tile_overlayer_lowered  }
0x13: {  	s23 =	simm.s32 $0x1BFF;
	s22 =	sshll.u32 s6, $0x1;
	s3 =	sadd.s32 s4, s20  }
0x14: {  	s7 =	simm.s32 $0x0;
	s21 =	sshll.u32 s5, $0x1;
	s5 =	sadd.s32 s22, s3  }
0x15: {  	[timem:s7], [sflag:s23] =	dma.local [hbm:s5], s21  }
0x16: {  	_ =	swait.ge [sflag:s23], s21  }
0x17: {  	s4 =	ssub.s32 $0x0, s21;
	[sflag:s23] =	ssyncset.done $0x0  }
0x18: {  	[sflag:s23] =	ssyncadd.s32 s4;
	_ =	sdelay $0x1  }
0x19: {  	s24 =	simm.s32 $0x1B8B  }
0x1a: {  	_ =	swait.ge [sflag:s24], $0x1  }
0x1b: {  	[sflag:s24] =	ssyncset.done $0x0  }
0x1c: {  	s26 =	simm.s32 $0x1B8E;
	s25 =	sld [smem:$0x3FFE];
	[sflag:s24] =	ssyncadd.s32 $0xFFFFFFFF  }
0x1d: {  	s27 =	simm.s32 $execute0_lowered;
	[smem:$0x3FD2] =	sst s26  }
0x1e: {  	s5 =	sshll.u32 s27, $0x1;
	_ =	strace $0x80000049;
	[dreg:$0x1] =	wrdreg $0xFFFFFFFF  }
0x1f: {  	s28 =	simm.s32 $_size_execute0_lowered;
	s3 =	sadd.s32 s3, s5;
	[dreg:$0x0] =	wrdreg $0x0  }
0x20: {  	s5 =	sshll.u32 s28, $0x1;
	[dreg:$0x2] =	wrdreg s3  }
0x21: {  	[dreg:$0x3] =	wrdreg s5  }
0x22: {  	[dreg:$0x4] =	wrdreg $0xC0  }
0x23: {  	_ =	task [dreg:s7], $0x5FFFF  }
0x24: {  	[dreg:$0x1] =	wrdreg $0xFFFFFFFF  }
0x25: {  	[dreg:$0x0] =	wrdreg $0x60  }
0x26: {  	[dreg:$0x2] =	wrdreg s25  }
0x27: {  	[dreg:$0x3] =	wrdreg s2  }
0x28: {  	[dreg:$0x4] =	wrdreg $0x9  }
0x29: {  	_ =	task.clear_ibuf [dreg:s7], $0x5FFFF;
	_ =	strace $0x90000049  }
0x2a: {  	s29 =	simm.s32 $0x9;
	_ =	strace $0x8000004B  }
0x2b: {  	_ =	swait.ge [sflag:s29], $0x1  }
0x2c: {  	[sflag:s29] =	ssyncadd.s32 $0xFFFFFFFF  }
0x2d: {  	_ =	strace $0x9000004B  }
0x2e: {  	_ =	sfence  }
0x2f: {  	s30 =	sld [smem:$0x0];
	_ =	sdelay $0x2  }
0x30: {  	s31 =	sshll.u32 s1, $0xD;
	s1 =	sshrl.u32 s1, $0x2  }
0x31: {  	s3 =	sand.u32 $0x4000, s31;
	s1 =	sadd.s32 s1, s30  }
0x32: {  	s0 =	sor.u32 s3, s0;
	s1 =	sshll.u32 s1, $0x11  }
0x33: {  	s0 =	sor.u32 s1, s0  }
0x34: {  	s0 =	sadd.s32 $0x8F2B, s0  }
0x35: {  	[sflag:s0] =	ssyncadd.remote.s32 $0x1  }
0x36: {  	_ =	sfence.sel $0xFFFF  }
0x37: {  	[dreg:$0x0] =	wrdreg $0xFFFFFFFF;
	(pc) =	sbr.abs _section_cstart, $3  }
0x38: {  	[dreg:$0x1] =	wrdreg $0xFFFFFFFF  }
0x39: {  	_ =	task.clear_ibuf [dreg:s7], $0x2FFFF;
	_ =	strace $0x9FFFFFFF  }
0x3a: {  	(tm) =	ssettm $0x7FFFFFFF  }
0x3b: {  	_ =	shalt  }
tec
execute0_lowered:
.L_overlay_start_1:
0x0: {  	(tag) =	ssettag $0x1  }
0x1: {  	s0 =	srdreg.scid  }
0x2: {  	s1 =	sshll.u32 s0, $0x4  }
0x3: {  	s0 =	stileid.u32;
	s1 =	sand.u32 $0x10, s1  }
0x4: {  	s1 =	sor.u32 s0, s1  }
0x5: {  	s6 =	rddreg [dreg:$0x0];
	s4 =	simm.s32 $0x1;
	s2 =	sshll.u32 s1, $0x7  }
0x6: {  	s7 =	simm.s32 $0x2;
	s12 =	simm.s32 $0x0;
	s1 =	ssub.s32 $0x1000, s2  }
0x7: {  	s8 =	simm.s32 $0x8000;
	s13 =	simm.s32 $0x0;
	s3 =	sand.u32 $0xF80, s1  }
0x8: {  	s9 =	simm.s32 $0x0;
	s5 =	sshrl.u32 s1, $0xC;
	p0 =	sne.s32 s3, $0x0  }
.Ltmp0:
0x9: {  	s1 =	rddreg [dreg:$0x2];
	s4 =	simm.s32 @!p0 $0x0;
	(pc) =	sbr.rel .LBB1_1-.Ltmp0, $4  }
0xa: {  	s11 =	simm.s32 $0x0;
	s3 =	rddreg [dreg:$0x1];
	s5 =	sadd.s32 s4, s5  }
0xb: {  	_ =	strace $0x8000004A;
	s4 =	simm.s32 $0x1;
	s5 =	smul.u32 $0x32, s5  }
0xc: {  	s6 =	sadd.s32 $0x18F200, s6;
	s10 =	smov.u32 s2;
	[sflag:s4] =	ssyncpa.u1 $0x0  }
0xd: {  	p0 =	por $0x0, $0x0;
	[sflag:s7] =	ssyncpa.u1 $0x0;
	s7 =	sor.u32 $0x1, s5  }
.LBB1_4:
0xe: {  	s16 =	sshll.u32 s13, $0x3;
	s17 =	sand.u32 $0x78, s13  }
0xf: {  	s30 =	sand.u32 $0x7E00, s13;
	s12 =	sshll.u32 s12, $0xF;
	s16 =	sand.u32 $0xC00, s16  }
0x10: {  	[tilespmem:s15+$0x810 ss:$0x81] =	vst.msk $0xffff, v2;
	s31 =	sand.u32 $0x7, s13;
	s16 =	sor.u32 s17, s16;
	s17 =	sadd.s32 s3, s30  }
0x11: {  	[tilespmem:s15+$0x1020 ss:$0x81] =	vst.msk $0xffff, v0;
	s13 =	sshll.u32 s31, $0x12;
	s12 =	sadd.s32 s12, s17;
	s16 =	sshrl.u32 s16, $0x3  }
0x12: {  	[tilespmem:s15+$0x0 ss:$0x81] =	vst.msk $0xffff, v1;
	s13 =	sor.u32 $0x400, s13;
	s12 =	sadd.s32 s16, s12  }
0x13: {  	[hbm4b:s12+s13] =	stream.strided.scatter [tilespmem:s14], [sflag:$0x2], $0x2000, s8, s13, $0x20;
	[tilespmem:$0x8080] =	vst v63  }
.LBB1_5:
0x14: {  	s14 =	sadd.s32 $0x1, s9  }
0x15: {  	s12 =	sadd.s32 $0x1000, s10;
	s16 =	smov.u32 s10;
	p2 =	sgt.s32 s14, $0x31  }
0x16: {  	s16 =	smov.u32 @p2 s12  }
0x17: {  	s14 =	simm.s32 @p2 $0x0;
	p2 =	sgt.s32 s16, $0xFFF  }
0x18: {  	s16 =	smov.u32 @p2 s2;
	p2 =	sne.s32 s11, s7  }
.Ltmp1:
0x19: {  	p1 =	slt.u32 s11, $0x2;
	(pc) =	sbr.rel @!p2 .LBB1_6-.Ltmp1, $4  }
0x1a: {  	s15 =	simm.s32 @!p1 $0x2  }
0x1b: {  	s13 =	smov.u32 s10;
	p0 =	por !p0, !p0;
	_ =	swait.ge @!p1 [sflag:s15], $0x2000  }
0x1c: {  	s12 =	smov.u32 s9;
	[sflag:s15] =	ssyncset.done @!p1 $0x0;
	s9 =	smov.u32 s14  }
0x1d: {  	s11 =	sadd.s32 $0x1, s11;
	[sflag:s15] =	ssyncadd.s32 @!p1 $0xFFFFE000;
	s10 =	smov.u32 s16  }
.LBB1_1:
0x1e: {  	p1 =	sge.u32 s11, s5  }
0x1f: {  	s14 =	sand.u32 @!p1 $0x1FFFFFF, s9  }
0x20: {  	s15 =	smulhi.u32 @!p1 $0x4924925, s14;
	_ =	sdelay $0x1  }
0x21: {  	s15 =	smul.u32 @!p1 $0x38, s15  }
0x22: {  	s16 =	sxor.u32 @!p1 $0xFFFFFFFF, s11;
	s17 =	smul.u32 @!p1 $0x380, s10  }
0x23: {  	s31 =	sadd.s32 $0xFFFFFFFF, s11;
	s16 =	sshll.u32 @!p1 s16, $0xD;
	s14 =	ssub.s32 @!p1 s14, s15  }
0x24: {  	s15 =	sand.u32 @!p1 $0x2000, s16;
	s16 =	sadd.s32 @!p1 s6, s17;
	s14 =	sshll.u32 @!p1 s14, $0x4  }
0x25: {  	s17 =	simm.s32 @!p1 $0x1C00;
	s14 =	sadd.s32 @!p1 s14, s16;
	s16 =	simm.s32 @!p1 $0x40  }
0x26: {  	[tilespmem:s15], [sflag:$0x1] =	stream.strided.gather @!p1 [hbm4b:s14+s16], $0x2000, s17, s16, $0x38;
	[tilespmem:$0x8080] =	vst v63  }
0x27: {  	p1 =	sge.u32 s31, s5  }
.Ltmp2:
0x28: {  	_ = 	snop;
	(pc) =	sbr.rel @p1 .LBB1_5-.Ltmp2, $1  }
0x29: {  	_ =	sdelay $0x3  }
0x2a: {  	s14 =	simm.s32 $0x1  }
0x2b: {  	_ =	swait.ge [sflag:s4], $0x2000;
	s14 =	simm.s32 @!p0 $0x0  }
0x2c: {  	[sflag:s4] =	ssyncset.done $0x0;
	s15 =	sshll.u32 s14, $0xD  }
0x2d: {  	[sflag:s4] =	ssyncadd.s32 $0xFFFFE000;
	s18 =	sor.u32 $0x20, s15  }
0x2e: {  	s14 =	smul.u32 $0x8100, s14;
	v3 =	vld [tilespmem:s18+$0x10]  }
0x2f: {  	s30 =	sand.u32 $0x1, s11;
	v2 =	vld [tilespmem:s18+$0xFFFFFFF0]  }
0x30: {  	s15 =	smul.u32 $0x8100, s30;
	s14 =	sshrl.u32 s14, $0x2;
	v0 =	vld [tilespmem:s18+$0x0]  }
0x31: {  	v1 =	vld [tilespmem:s18+$0xFFFFFFE0];
	s16 =	sor.u32 $0x4000, s14  }
0x32: {  	s31 =	sshrl.u32 s15, $0x2;
	s15 =	sadd.s32 $0x0, s16  }
0x33: {  	s17 =	simm.s32 $0x4;
	s18 =	sadd.s32 $0x40, s18;
	s14 =	sor.u32 $0x4000, s31;
	[tilespmem:s15+$0x1830 ss:$0x81] =	vst.msk $0xffff, v3  }
.LBB1_3:
0x34: {  	v3 =	vld [tilespmem:s18+$0x10];
	p1 =	sne.s32 s17, $0x1FC;
	[tilespmem:s15+$0x810 ss:$0x81] =	vst.msk $0xffff, v2;
	s19 =	smov.u32 s17;
	s17 =	sadd.s32 $0x4, s17  }
.Ltmp3:
0x35: {  	v2 =	vld [tilespmem:s18+$0xFFFFFFF0];
	[tilespmem:s15+$0x1020 ss:$0x81] =	vst.msk $0xffff, v0;
	(pc) =	sbr.rel @p1 .LBB1_3-.Ltmp3, $4  }
0x36: {  	v0 =	vld [tilespmem:s18+$0x0];
	[tilespmem:s15+$0x0 ss:$0x81] =	vst.msk $0xffff, v1  }
0x37: {  	s15 =	sshra.s32 s19, $0x2;
	v1 =	vld [tilespmem:s18+$0xFFFFFFE0]  }
0x38: {  	s15 =	sadd.s32 s15, s16  }
0x39: {  	s18 =	sadd.s32 $0x40, s18;
	[tilespmem:s15+$0x1830 ss:$0x81] =	vst.msk $0xffff, v3  }
.Ltmp4:
0x3a: {  	_ = 	snop;
	(pc) =	sbr.rel .LBB1_4-.Ltmp4, $1  }
0x3b: {  	_ =	sdelay $0x3  }
.LBB1_6:
0x3c: {  	_ =	sfence.sel $0x180000  }
0x3d: {  	s2 =	simm.s32 $0x1;
	[bflag:$0x0] =	sbarrier.arrive $0xFFFF  }
0x3e: {  	s31 =	simm.s32 $0x2;
	[sflag:s2] =	ssyncpa.u1 $0x1  }
0x3f: {  	[sflag:s31] =	ssyncpa.u1 $0x1  }
0x40: {  	p0 =	sne.s32 s0, $0x0;
	_ =	strace $0x9000004A  }
0x41: {  	s0 =	sadd.s32 @!p0 $0x100000, s1;
	[bflag:$0x2] =	sbarrier.arrive $0xFFFF  }
0x42: {  	[sflag:s0] =	ssyncadd.tile.s32 @!p0 $0x1;
	_ =	shalt  }
.Lfunc_end1:
_tile_overlayer_lowered:
.L_overlay_start_2:
0x43: {  	(tag) =	ssettag $0x2  }
0x44: {  	s0 =	rddreg [dreg:$0x0];
	s2 =	stileid.u32  }
0x45: {  	s1 =	rddreg [dreg:$0x1];
	p0 =	sne.s32 s2, $0x0  }
0x46: {  	s3 =	rddreg [dreg:$0x2];
	[bflag:$0x3] =	sbarrier.arrive $0xFFFF;
	s2 =	simm.s32 @!p0 $0x1C01  }
0x47: {  	[timem:s3], [sflag:s2] =	dma.local @!p0 [hbm:s0], s1  }
0x48: {  	s0 =	simm.s32 @!p0 $0x1  }
0x49: {  	_ =	swait.ge @!p0 [sflag:s0], s1  }
0x4a: {  	s1 =	ssub.s32 @!p0 $0x0, s1;
	[sflag:s0] =	ssyncset.done @!p0 $0x0  }
0x4b: {  	[sflag:s0] =	ssyncadd.s32 @!p0 s1  }
0x4c: {  	[bflag:$0x3] =	sbarrier.arrive $0xFFFF  }
0x4d: {  	_ =	shalt  }

</sc_bundles>
